<compile_context>
chip_gen: v7x
topology: tpu7x:2x2x1
jax: 0.10.2.dev20260603
libtpu: 0.0.44.dev20260713+nightly
codegen_flags: <defaults>
</compile_context>

<pallas_src>
import functools

import jax
import jax.numpy as jnp
from jax import lax
from jax.experimental import pallas as pl
from jax.experimental.pallas import tpu as pltpu
from jax.experimental.pallas import tpu_sc as plsc

N = 10000
D = 128
E = 320000
NC = 2
NS = 16
NW = NC * NS
C = 128
CH_PER_W = -(-E // (C * NW))
E_PAD = CH_PER_W * NW * C
NCHUNK = E // C
WFULL = NCHUNK - (CH_PER_W - 1) * NW
NP = N
RPT = 624
LAST_BASE = RPT * (NS - 1)
LAST_ROWS = N - LAST_BASE


def _make_sc_agg(with_count: bool):
    out_type = [jax.ShapeDtypeStruct((NC, N, D), jnp.float32)]
    scratch = [
        pltpu.VMEM((C,), jnp.int32),
        pltpu.VMEM((C,), jnp.int32),
        pltpu.VMEM((CH_PER_W, C), jnp.int32),
        pltpu.VMEM((C, D), jnp.float32),
        pltpu.VMEM((C, D), jnp.float32),
        pltpu.SemaphoreType.DMA,
        pltpu.SemaphoreType.DMA,
        pltpu.SemaphoreType.DMA,
        pltpu.SemaphoreType.DMA,
        pltpu.VMEM_SHARED((NP, D), jnp.float32),
    ]
    if with_count:
        out_type.append(jax.ShapeDtypeStruct((NC, N, D), jnp.float32))

    mesh = plsc.VectorSubcoreMesh(
        core_axis_name="c", subcore_axis_name="s", num_cores=NC,
        num_subcores=NS)

    @functools.partial(pl.kernel, out_type=out_type, mesh=mesh,
                       scratch_types=scratch)
    def sc_agg(table_hbm, src_hbm, dst_hbm, *rest):
        if with_count:
            (agg_out, cnt_out, srcv0, srcv1, dsts, rows0, rows1, sem0, sem1,
             ssem0, ssem1, agg_sp) = rest
        else:
            (agg_out, srcv0, srcv1, dsts, rows0, rows1, sem0, sem1,
             ssem0, ssem1, agg_sp) = rest
        c = lax.axis_index("c")
        s = lax.axis_index("s")
        w = s * NC + c

        pltpu.sync_copy(dst_hbm.at[:, w], dsts)

        def fill_rows0(val):
            v16 = jnp.full((16,), val, jnp.float32)

            def frow(i, _):
                for j in range(D // 16):
                    rows0[i, pl.ds(j * 16, 16)] = v16
                return 0

            lax.fori_loop(0, C, frow, 0)

        base = s * RPT

        def zero_spans():
            def _zero_span(b0, sizes):
                off = 0
                for sz in sizes:
                    pltpu.async_copy(rows0.at[pl.ds(0, sz)],
                                     agg_sp.at[pl.ds(b0 + off, sz)], sem0)
                    off += sz
                for sz in sizes:
                    pltpu.make_async_copy(
                        rows0.at[pl.ds(0, sz)],
                        agg_sp.at[pl.ds(b0, sz)], sem0).wait()

            @pl.when(s < NS - 1)
            def _():
                _zero_span(base, (128, 128, 128, 128, 112))

            @pl.when(s == NS - 1)
            def _():
                _zero_span(LAST_BASE, (128, 128, 128, 128, 128))

        def copy_out(dst_hbm_ref, ncols=None):
            def one(b0, nrows):
                if ncols is None:
                    pltpu.sync_copy(agg_sp.at[pl.ds(b0, nrows)],
                                    dst_hbm_ref.at[c, pl.ds(b0, nrows)])
                else:
                    pltpu.sync_copy(
                        agg_sp.at[pl.ds(b0, nrows), pl.ds(0, ncols)],
                        dst_hbm_ref.at[c, pl.ds(b0, nrows)])

            @pl.when(s < NS - 1)
            def _():
                one(base, RPT)

            @pl.when(s == NS - 1)
            def _():
                one(LAST_BASE, LAST_ROWS)

        fill_rows0(0.0)
        zero_spans()
        plsc.subcore_barrier()

        def sload(i, sbuf, ssem):
            pltpu.async_copy(src_hbm.at[pl.ds((i * NW + w) * C, C)], sbuf,
                             ssem)

        def swait(sbuf, ssem):
            pltpu.make_async_copy(src_hbm.at[pl.ds(0, C)], sbuf, ssem).wait()

        def gstart(sbuf, rbuf, sem):
            pltpu.async_copy(table_hbm.at[sbuf], rbuf, sem)

        def gwait(sbuf, rbuf, sem):
            pltpu.make_async_copy(table_hbm.at[sbuf], rbuf, sem).wait()

        def scat(i, rbuf):
            pltpu.sync_copy(rbuf, agg_sp.at[dsts.at[i]], add=True)

        pltpu.sync_copy(src_hbm.at[pl.ds(w * C, C)], srcv0)
        gstart(srcv0, rows0, sem0)
        sload(1, srcv1, ssem1)
        npairs = (CH_PER_W - 1) // 2

        def pair(p, _):
            i = 2 * p
            swait(srcv1, ssem1)
            gstart(srcv1, rows1, sem1)
            gwait(srcv0, rows0, sem0)
            sload(i + 2, srcv0, ssem0)
            scat(i, rows0)
            swait(srcv0, ssem0)
            gstart(srcv0, rows0, sem0)
            gwait(srcv1, rows1, sem1)

            @pl.when(p < npairs - 1)
            def _():
                sload(i + 3, srcv1, ssem1)

            scat(i + 1, rows1)
            return 0

        lax.fori_loop(0, npairs, pair, 0)
        gwait(srcv0, rows0, sem0)

        @pl.when(w < WFULL)
        def _():
            scat(CH_PER_W - 1, rows0)

        plsc.subcore_barrier()
        copy_out(agg_out)

        if with_count:
            plsc.subcore_barrier()
            fill_rows0(0.0)
            zero_spans()
            fill_rows0(1.0)
            plsc.subcore_barrier()
            nch = CH_PER_W - 1 + jnp.where(w < WFULL, 1, 0)

            def cfire(i, _):
                pltpu.async_copy(rows0, agg_sp.at[dsts.at[i]], sem0,
                                 add=True)
                return 0

            def cdrain(i, _):
                pltpu.make_async_copy(rows0, agg_sp.at[dsts.at[0]],
                                      sem0).wait()
                return 0

            lax.fori_loop(0, nch, cfire, 0)
            lax.fori_loop(0, nch, cdrain, 0)
            plsc.subcore_barrier()
            copy_out(cnt_out)

    return sc_agg


_sc_agg_cnt = _make_sc_agg(with_count=True)
_sc_agg = _make_sc_agg(with_count=False)

_TC_BLK = 1000


def _tc_dense_body(aggp, cntp, x, wlt, wrt, b, out):
    agg = aggp[0] + aggp[1]
    cnt = cntp[0, :, 0:1] + cntp[1, :, 0:1]
    mean = agg / jnp.maximum(cnt, 1.0)
    h = (jnp.dot(mean, wlt[...], preferred_element_type=jnp.float32)
         + jnp.dot(x[...], wrt[...], preferred_element_type=jnp.float32)
         + b[...])
    out[...] = jnp.maximum(h, 0.0)


def _tc_dense(aggp, cntp, x, wlt, wrt, b):
    grid = (N // _TC_BLK,)
    return pl.pallas_call(
        _tc_dense_body,
        grid=grid,
        in_specs=[
            pl.BlockSpec((NC, _TC_BLK, D), lambda i: (0, i, 0)),
            pl.BlockSpec((NC, _TC_BLK, 16), lambda i: (0, i, 0)),
            pl.BlockSpec((_TC_BLK, D), lambda i: (i, 0)),
            pl.BlockSpec((D, D), lambda i: (0, 0)),
            pl.BlockSpec((D, D), lambda i: (0, 0)),
            pl.BlockSpec((1, D), lambda i: (0, 0)),
        ],
        out_specs=pl.BlockSpec((_TC_BLK, D), lambda i: (i, 0)),
        out_shape=jax.ShapeDtypeStruct((N, D), jnp.float32),
    )(aggp, cntp, x, wlt, wrt, b)


def kernel(x, edge_index, W1l, b1, W1r, W2l, b2, W2r):
    B, n, d = x.shape
    h0 = x.reshape(N, D)
    pad = E_PAD - E
    srcp = jnp.concatenate(
        [edge_index[0], (jnp.arange(pad, dtype=jnp.int32) * 29) % N])
    dstp = jnp.concatenate([edge_index[1], jnp.zeros((pad,), jnp.int32)])
    dst_w = dstp.reshape(CH_PER_W, NW, C)

    agg1, cnt = _sc_agg_cnt(h0, srcp, dst_w)
    cnt = lax.slice(cnt, (0, 0, 0), (NC, N, 16))
    h1 = _tc_dense(agg1, cnt, h0, W1l.T, W1r.T, b1.reshape(1, D))
    agg2, = _sc_agg(h1, srcp, dst_w)
    h2 = _tc_dense(agg2, cnt, h1, W2l.T, W2r.T, b2.reshape(1, D))
    return h2.reshape(B, n, D)

# --- scband reference (transcript-rebuilt; emitter-appended) ---
"""Pipeline reference for scband-sageencoder-55508157333630 (READ-ONLY COPY).

The authoritative reference and input builder live on the scoring server;
editing this copy changes nothing except your own understanding.
"""

import jax, jax.numpy as jnp
import numpy as np


def _sage_conv(x, edge_index, Wl, bl, Wr):
    # PyG SAGEConv (mean aggregation):
    #   out = lin_l(mean_{j in N(i)} x_j) + lin_r(x_i)
    # lin_l has bias, lin_r has no bias.
    src = edge_index[0]
    dst = edge_index[1]
    N = x.shape[0]
    msg = jnp.take(x, src, axis=0)
    agg = jax.ops.segment_sum(msg, dst, num_segments=N)
    cnt = jax.ops.segment_sum(jnp.ones((edge_index.shape[1],), x.dtype), dst, num_segments=N)
    mean = agg / jnp.clip(cnt, 1.0, None)[:, None]
    return mean @ Wl.T + bl + x @ Wr.T


def setup_inputs(seed: int = 0) -> dict:
    key = jax.random.key(seed)
    ks = jax.random.split(key, 9)
    B, n, d_in, d_hid, d_out = 2, 5000, 128, 128, 128
    N = B * n
    E = 320000
    x = jax.random.normal(ks[0], (B, n, d_in), dtype=jnp.float32)
    edge_index = jax.random.randint(ks[1], (2, E), 0, N, dtype=jnp.int32)
    s1 = 1.0 / np.sqrt(d_in)
    s2 = 1.0 / np.sqrt(d_hid)
    W1l = jax.random.uniform(ks[2], (d_hid, d_in), jnp.float32, -s1, s1)
    b1 = jax.random.uniform(ks[3], (d_hid,), jnp.float32, -s1, s1)
    W1r = jax.random.uniform(ks[4], (d_hid, d_in), jnp.float32, -s1, s1)
    W2l = jax.random.uniform(ks[5], (d_out, d_hid), jnp.float32, -s2, s2)
    b2 = jax.random.uniform(ks[6], (d_out,), jnp.float32, -s2, s2)
    W2r = jax.random.uniform(ks[7], (d_out, d_hid), jnp.float32, -s2, s2)
    return {"x": x, "edge_index": edge_index, "W1l": W1l, "b1": b1, "W1r": W1r,
            "W2l": W2l, "b2": b2, "W2r": W2r}


def reference(x, edge_index, W1l, b1, W1r, W2l, b2, W2r):
    # eval mode: F.dropout(training=False) is identity
    B, n, d = x.shape
    h = x.reshape(B * n, d)
    h = jax.nn.relu(_sage_conv(h, edge_index, W1l, b1, W1r))
    h = jax.nn.relu(_sage_conv(h, edge_index, W2l, b2, W2r))
    return h.reshape(B, -1, h.shape[-1])

if __name__ == "__main__":
    import jax
    _d = setup_inputs()
    print(jax.jit(kernel)(*tuple(_d.values())))

</pallas_src>

<mosaic_0001>
#map = affine_map<(d0, d1) -> (0, 0)>
#map1 = affine_map<(d0, d1) -> (0)>
#map2 = affine_map<(d0, d1) -> (0, 0, 0)>
module attributes {stable_mosaic.version = 14 : i64} {
  func.func @sc_agg(%arg0: i32, %arg1: i32, %arg2: memref<10000x128xf32, #tpu.memory_space<hbm>>, %arg3: memref<323584xi32, #tpu.memory_space<hbm>>, %arg4: memref<79x32x128xi32, #tpu.memory_space<hbm>>, %arg5: memref<2x10000x128xf32, #tpu.memory_space<hbm>>, %arg6: memref<2x10000x128xf32, #tpu.memory_space<hbm>>, %arg7: memref<128xi32, #tpu.memory_space<vmem>>, %arg8: memref<128xi32, #tpu.memory_space<vmem>>, %arg9: memref<79x128xi32, #tpu.memory_space<vmem>>, %arg10: memref<128x128xf32, #tpu.memory_space<vmem>>, %arg11: memref<128x128xf32, #tpu.memory_space<vmem>>, %arg12: memref<!tpu.dma_semaphore, #tpu.memory_space<semaphore_mem>>, %arg13: memref<!tpu.dma_semaphore, #tpu.memory_space<semaphore_mem>>, %arg14: memref<!tpu.dma_semaphore, #tpu.memory_space<semaphore_mem>>, %arg15: memref<!tpu.dma_semaphore, #tpu.memory_space<semaphore_mem>>, %arg16: memref<10000x128xf32, #tpu.memory_space<vmem_shared>>) attributes {dimension_semantics = [#tpu.dimension_semantics<core_parallel>, #tpu.dimension_semantics<subcore_parallel>], iteration_bounds = array<i64: 2, 16>, scalar_prefetch = 0 : i64, scratch_operands = 10 : i64, tpu.core_type = #tpu.core_type<sc_vector_subcore>, window_params = [{transform_indices = #map}, {transform_indices = #map1}, {transform_indices = #map2}, {transform_indices = #map2}, {transform_indices = #map2}]} {
    %mul3A = arith.constant 2 : i32
    %mul3A_0 = arith.muli %arg1, %mul3A : i32
    %add3A = arith.addi %mul3A_0, %arg0 : i32
    "tpu.region"() ({
      %run_scoped3A = tpu.sem_alloc : memref<!tpu.dma_semaphore, #tpu.memory_space<semaphore_mem>>
      %dma_start3A_120 = arith.constant 0 : i32
      %dma_start3A_121 = arith.constant 0 : i32
      %dma_start3A_122 = tpu.memref_slice %arg4[%dma_start3A_120, %add3A, %dma_start3A_121] : memref<79x32x128xi32, #tpu.memory_space<hbm>> -> memref<79x1x128xi32, #tpu.memory_space<hbm>>
      %dma_start3A_123 = tpu.memref_squeeze %dma_start3A_122 : memref<79x1x128xi32, #tpu.memory_space<hbm>> -> memref<79x128xi32, #tpu.memory_space<hbm>>
      %dma_start3A_124 = arith.constant 0 : i32
      %dma_start3A_125 = arith.constant 0 : i32
      %dma_start3A_126 = tpu.memref_slice %arg4[%dma_start3A_124, %add3A, %dma_start3A_125] : memref<79x32x128xi32, #tpu.memory_space<hbm>> -> memref<79x1x128xi32, #tpu.memory_space<hbm>>
      %dma_start3A_127 = tpu.memref_squeeze %dma_start3A_126 : memref<79x1x128xi32, #tpu.memory_space<hbm>> -> memref<79x128xi32, #tpu.memory_space<hbm>>
      tpu.enqueue_dma source(%dma_start3A_127 : memref<79x128xi32, #tpu.memory_space<hbm>>) target(%arg9 : memref<79x128xi32, #tpu.memory_space<vmem>>) target_semaphore(%run_scoped3A : memref<!tpu.dma_semaphore, #tpu.memory_space<semaphore_mem>>)
      %dma_wait3A_128 = arith.constant 0 : i32
      %dma_wait3A_129 = arith.constant 0 : i32
      %dma_wait3A_130 = tpu.memref_slice %arg4[%dma_wait3A_128, %add3A, %dma_wait3A_129] : memref<79x32x128xi32, #tpu.memory_space<hbm>> -> memref<79x1x128xi32, #tpu.memory_space<hbm>>
      %dma_wait3A_131 = tpu.memref_squeeze %dma_wait3A_130 : memref<79x1x128xi32, #tpu.memory_space<hbm>> -> memref<79x128xi32, #tpu.memory_space<hbm>>
      %dma_wait3A_132 = arith.constant 0 : i32
      %dma_wait3A_133 = arith.constant 0 : i32
      %dma_wait3A_134 = tpu.memref_slice %arg4[%dma_wait3A_132, %add3A, %dma_wait3A_133] : memref<79x32x128xi32, #tpu.memory_space<hbm>> -> memref<79x1x128xi32, #tpu.memory_space<hbm>>
      %dma_wait3A_135 = tpu.memref_squeeze %dma_wait3A_134 : memref<79x1x128xi32, #tpu.memory_space<hbm>> -> memref<79x128xi32, #tpu.memory_space<hbm>>
      tpu.wait_dma2 semaphore(%run_scoped3A : memref<!tpu.dma_semaphore, #tpu.memory_space<semaphore_mem>>) src(%dma_wait3A_135 : memref<79x128xi32, #tpu.memory_space<hbm>>) dst(%arg9 : memref<79x128xi32, #tpu.memory_space<vmem>>)
      tpu.yield
    }) : () -> ()
    %mul3A_1 = arith.constant 624 : i32
    %mul3A_2 = arith.muli %arg1, %mul3A_1 : i32
    %broadcast_in_dim3A = arith.constant 0.000000e+00 : f32
    %broadcast_in_dim3A_3 = vector.broadcast %broadcast_in_dim3A : f32 to vector<16xf32>
    %scan3A = arith.constant 0 : i32
    %scan3A_4 = arith.constant 0 : i32
    %scan3A_5 = arith.constant 128 : i32
    %scan3A_6 = arith.addi %scan3A_4, %scan3A_5 : i32
    %scan3A_7 = arith.constant 1 : i32
    %scan3A_8 = scf.for %scan3A_120 = %scan3A_4 to %scan3A_6 step %scan3A_7 iter_args(%scan3A_121 = %scan3A) -> (i32)  : i32 {
      %swap3A = arith.index_cast %scan3A_120 : i32 to index
      %swap3A_122 = arith.constant 0 : index
      %swap3A_123 = tpu.vector_load %arg10[%swap3A, %swap3A_122] {strides = array<i32>} : memref<128x128xf32, #tpu.memory_space<vmem>>, vector<1x16xf32>,
      %swap3A_124 = vector.shape_cast %swap3A_123 : vector<1x16xf32> to vector<16xf32>
      %swap3A_125 = vector.shape_cast %broadcast_in_dim3A_3 : vector<16xf32> to vector<1x16xf32>
      tpu.vector_store %arg10[%swap3A, %swap3A_122], %swap3A_125 {strides = array<i32>} : memref<128x128xf32, #tpu.memory_space<vmem>>, vector<1x16xf32>,
      %swap3A_126 = arith.index_cast %scan3A_120 : i32 to index
      %swap3A_127 = arith.constant 16 : index
      %swap3A_128 = tpu.vector_load %arg10[%swap3A_126, %swap3A_127] {strides = array<i32>} : memref<128x128xf32, #tpu.memory_space<vmem>>, vector<1x16xf32>,
      %swap3A_129 = vector.shape_cast %swap3A_128 : vector<1x16xf32> to vector<16xf32>
      %swap3A_130 = vector.shape_cast %broadcast_in_dim3A_3 : vector<16xf32> to vector<1x16xf32>
      tpu.vector_store %arg10[%swap3A_126, %swap3A_127], %swap3A_130 {strides = array<i32>} : memref<128x128xf32, #tpu.memory_space<vmem>>, vector<1x16xf32>,
      %swap3A_131 = arith.index_cast %scan3A_120 : i32 to index
      %swap3A_132 = arith.constant 32 : index
      %swap3A_133 = tpu.vector_load %arg10[%swap3A_131, %swap3A_132] {strides = array<i32>} : memref<128x128xf32, #tpu.memory_space<vmem>>, vector<1x16xf32>,
      %swap3A_134 = vector.shape_cast %swap3A_133 : vector<1x16xf32> to vector<16xf32>
      %swap3A_135 = vector.shape_cast %broadcast_in_dim3A_3 : vector<16xf32> to vector<1x16xf32>
      tpu.vector_store %arg10[%swap3A_131, %swap3A_132], %swap3A_135 {strides = array<i32>} : memref<128x128xf32, #tpu.memory_space<vmem>>, vector<1x16xf32>,
      %swap3A_136 = arith.index_cast %scan3A_120 : i32 to index
      %swap3A_137 = arith.constant 48 : index
      %swap3A_138 = tpu.vector_load %arg10[%swap3A_136, %swap3A_137] {strides = array<i32>} : memref<128x128xf32, #tpu.memory_space<vmem>>, vector<1x16xf32>,
      %swap3A_139 = vector.shape_cast %swap3A_138 : vector<1x16xf32> to vector<16xf32>
      %swap3A_140 = vector.shape_cast %broadcast_in_dim3A_3 : vector<16xf32> to vector<1x16xf32>
      tpu.vector_store %arg10[%swap3A_136, %swap3A_137], %swap3A_140 {strides = array<i32>} : memref<128x128xf32, #tpu.memory_space<vmem>>, vector<1x16xf32>,
      %swap3A_141 = arith.index_cast %scan3A_120 : i32 to index
      %swap3A_142 = arith.constant 64 : index
      %swap3A_143 = tpu.vector_load %arg10[%swap3A_141, %swap3A_142] {strides = array<i32>} : memref<128x128xf32, #tpu.memory_space<vmem>>, vector<1x16xf32>,
      %swap3A_144 = vector.shape_cast %swap3A_143 : vector<1x16xf32> to vector<16xf32>
      %swap3A_145 = vector.shape_cast %broadcast_in_dim3A_3 : vector<16xf32> to vector<1x16xf32>
      tpu.vector_store %arg10[%swap3A_141, %swap3A_142], %swap3A_145 {strides = array<i32>} : memref<128x128xf32, #tpu.memory_space<vmem>>, vector<1x16xf32>,
      %swap3A_146 = arith.index_cast %scan3A_120 : i32 to index
      %swap3A_147 = arith.constant 80 : index
      %swap3A_148 = tpu.vector_load %arg10[%swap3A_146, %swap3A_147] {strides = array<i32>} : memref<128x128xf32, #tpu.memory_space<vmem>>, vector<1x16xf32>,
      %swap3A_149 = vector.shape_cast %swap3A_148 : vector<1x16xf32> to vector<16xf32>
      %swap3A_150 = vector.shape_cast %broadcast_in_dim3A_3 : vector<16xf32> to vector<1x16xf32>
      tpu.vector_store %arg10[%swap3A_146, %swap3A_147], %swap3A_150 {strides = array<i32>} : memref<128x128xf32, #tpu.memory_space<vmem>>, vector<1x16xf32>,
      %swap3A_151 = arith.index_cast %scan3A_120 : i32 to index
      %swap3A_152 = arith.constant 96 : index
      %swap3A_153 = tpu.vector_load %arg10[%swap3A_151, %swap3A_152] {strides = array<i32>} : memref<128x128xf32, #tpu.memory_space<vmem>>, vector<1x16xf32>,
      %swap3A_154 = vector.shape_cast %swap3A_153 : vector<1x16xf32> to vector<16xf32>
      %swap3A_155 = vector.shape_cast %broadcast_in_dim3A_3 : vector<16xf32> to vector<1x16xf32>
      tpu.vector_store %arg10[%swap3A_151, %swap3A_152], %swap3A_155 {strides = array<i32>} : memref<128x128xf32, #tpu.memory_space<vmem>>, vector<1x16xf32>,
      %swap3A_156 = arith.index_cast %scan3A_120 : i32 to index
      %swap3A_157 = arith.constant 112 : index
      %swap3A_158 = tpu.vector_load %arg10[%swap3A_156, %swap3A_157] {strides = array<i32>} : memref<128x128xf32, #tpu.memory_space<vmem>>, vector<1x16xf32>,
      %swap3A_159 = vector.shape_cast %swap3A_158 : vector<1x16xf32> to vector<16xf32>
      %swap3A_160 = vector.shape_cast %broadcast_in_dim3A_3 : vector<16xf32> to vector<1x16xf32>
      tpu.vector_store %arg10[%swap3A_156, %swap3A_157], %swap3A_160 {strides = array<i32>} : memref<128x128xf32, #tpu.memory_space<vmem>>, vector<1x16xf32>,
      %scan3A_161 = arith.constant 0 : i32
      scf.yield %scan3A_161 : i32
    }
    %scan3A_9 = arith.constant 128 : i32
    %lt3A = arith.constant 15 : i32
    %lt3A_10 = arith.cmpi slt, %arg1, %lt3A : i32
    %convert_element_type3A = arith.extui %lt3A_10 : i1 to i32
    %cond3A = arith.constant 0 : i32
    %cond3A_11 = arith.cmpi ne, %convert_element_type3A, %cond3A : i32
    scf.if %cond3A_11 {
      %add3A_120 = arith.constant 0 : i32
      %add3A_121 = arith.addi %mul3A_2, %add3A_120 : i32
      %dma_start3A_122 = arith.constant 0 : i32
      %dma_start3A_123 = arith.constant 0 : i32
      %dma_start3A_124 = tpu.memref_slice %arg10[%dma_start3A_122, %dma_start3A_123] : memref<128x128xf32, #tpu.memory_space<vmem>> -> memref<128x128xf32, #tpu.memory_space<vmem>>
      %dma_start3A_125 = arith.constant 0 : i32
      %dma_start3A_126 = tpu.memref_slice %arg16[%add3A_121, %dma_start3A_125] : memref<10000x128xf32, #tpu.memory_space<vmem_shared>> -> memref<128x128xf32, #tpu.memory_space<vmem_shared>>
      %dma_start3A_127 = arith.constant 0 : i32
      %dma_start3A_128 = tpu.memref_slice %arg16[%add3A_121, %dma_start3A_127] : memref<10000x128xf32, #tpu.memory_space<vmem_shared>> -> memref<128x128xf32, #tpu.memory_space<vmem_shared>>
      %dma_start3A_129 = arith.constant 0 : i32
      %dma_start3A_130 = arith.constant 0 : i32
      %dma_start3A_131 = tpu.memref_slice %arg10[%dma_start3A_129, %dma_start3A_130] : memref<128x128xf32, #tpu.memory_space<vmem>> -> memref<128x128xf32, #tpu.memory_space<vmem>>
      tpu.enqueue_dma source(%dma_start3A_131 : memref<128x128xf32, #tpu.memory_space<vmem>>) target(%dma_start3A_128 : memref<128x128xf32, #tpu.memory_space<vmem_shared>>) target_semaphore(%arg12 : memref<!tpu.dma_semaphore, #tpu.memory_space<semaphore_mem>>)
      %add3A_132 = arith.constant 128 : i32
      %add3A_133 = arith.addi %mul3A_2, %add3A_132 : i32
      %dma_start3A_134 = arith.constant 0 : i32
      %dma_start3A_135 = arith.constant 0 : i32
      %dma_start3A_136 = tpu.memref_slice %arg10[%dma_start3A_134, %dma_start3A_135] : memref<128x128xf32, #tpu.memory_space<vmem>> -> memref<128x128xf32, #tpu.memory_space<vmem>>
      %dma_start3A_137 = arith.constant 0 : i32
      %dma_start3A_138 = tpu.memref_slice %arg16[%add3A_133, %dma_start3A_137] : memref<10000x128xf32, #tpu.memory_space<vmem_shared>> -> memref<128x128xf32, #tpu.memory_space<vmem_shared>>
      %dma_start3A_139 = arith.constant 0 : i32
      %dma_start3A_140 = tpu.memref_slice %arg16[%add3A_133, %dma_start3A_139] : memref<10000x128xf32, #tpu.memory_space<vmem_shared>> -> memref<128x128xf32, #tpu.memory_space<vmem_shared>>
      %dma_start3A_141 = arith.constant 0 : i32
      %dma_start3A_142 = arith.constant 0 : i32
      %dma_start3A_143 = tpu.memref_slice %arg10[%dma_start3A_141, %dma_start3A_142] : memref<128x128xf32, #tpu.memory_space<vmem>> -> memref<128x128xf32, #tpu.memory_space<vmem>>
      tpu.enqueue_dma source(%dma_start3A_143 : memref<128x128xf32, #tpu.memory_space<vmem>>) target(%dma_start3A_140 : memref<128x128xf32, #tpu.memory_space<vmem_shared>>) target_semaphore(%arg12 : memref<!tpu.dma_semaphore, #tpu.memory_space<semaphore_mem>>)
      %add3A_144 = arith.constant 256 : i32
      %add3A_145 = arith.addi %mul3A_2, %add3A_144 : i32
      %dma_start3A_146 = arith.constant 0 : i32
      %dma_start3A_147 = arith.constant 0 : i32
      %dma_start3A_148 = tpu.memref_slice %arg10[%dma_start3A_146, %dma_start3A_147] : memref<128x128xf32, #tpu.memory_space<vmem>> -> memref<128x128xf32, #tpu.memory_space<vmem>>
      %dma_start3A_149 = arith.constant 0 : i32
      %dma_start3A_150 = tpu.memref_slice %arg16[%add3A_145, %dma_start3A_149] : memref<10000x128xf32, #tpu.memory_space<vmem_shared>> -> memref<128x128xf32, #tpu.memory_space<vmem_shared>>
      %dma_start3A_151 = arith.constant 0 : i32
      %dma_start3A_152 = tpu.memref_slice %arg16[%add3A_145, %dma_start3A_151] : memref<10000x128xf32, #tpu.memory_space<vmem_shared>> -> memref<128x128xf32, #tpu.memory_space<vmem_shared>>
      %dma_start3A_153 = arith.constant 0 : i32
      %dma_start3A_154 = arith.constant 0 : i32
      %dma_start3A_155 = tpu.memref_slice %arg10[%dma_start3A_153, %dma_start3A_154] : memref<128x128xf32, #tpu.memory_space<vmem>> -> memref<128x128xf32, #tpu.memory_space<vmem>>
      tpu.enqueue_dma source(%dma_start3A_155 : memref<128x128xf32, #tpu.memory_space<vmem>>) target(%dma_start3A_152 : memref<128x128xf32, #tpu.memory_space<vmem_shared>>) target_semaphore(%arg12 : memref<!tpu.dma_semaphore, #tpu.memory_space<semaphore_mem>>)
      %add3A_156 = arith.constant 384 : i32
      %add3A_157 = arith.addi %mul3A_2, %add3A_156 : i32
      %dma_start3A_158 = arith.constant 0 : i32
      %dma_start3A_159 = arith.constant 0 : i32
      %dma_start3A_160 = tpu.memref_slice %arg10[%dma_start3A_158, %dma_start3A_159] : memref<128x128xf32, #tpu.memory_space<vmem>> -> memref<128x128xf32, #tpu.memory_space<vmem>>
      %dma_start3A_161 = arith.constant 0 : i32
      %dma_start3A_162 = tpu.memref_slice %arg16[%add3A_157, %dma_start3A_161] : memref<10000x128xf32, #tpu.memory_space<vmem_shared>> -> memref<128x128xf32, #tpu.memory_space<vmem_shared>>
      %dma_start3A_163 = arith.constant 0 : i32
      %dma_start3A_164 = tpu.memref_slice %arg16[%add3A_157, %dma_start3A_163] : memref<10000x128xf32, #tpu.memory_space<vmem_shared>> -> memref<128x128xf32, #tpu.memory_space<vmem_shared>>
      %dma_start3A_165 = arith.constant 0 : i32
      %dma_start3A_166 = arith.constant 0 : i32
      %dma_start3A_167 = tpu.memref_slice %arg10[%dma_start3A_165, %dma_start3A_166] : memref<128x128xf32, #tpu.memory_space<vmem>> -> memref<128x128xf32, #tpu.memory_space<vmem>>
      tpu.enqueue_dma source(%dma_start3A_167 : memref<128x128xf32, #tpu.memory_space<vmem>>) target(%dma_start3A_164 : memref<128x128xf32, #tpu.memory_space<vmem_shared>>) target_semaphore(%arg12 : memref<!tpu.dma_semaphore, #tpu.memory_space<semaphore_mem>>)
      %add3A_168 = arith.constant 512 : i32
      %add3A_169 = arith.addi %mul3A_2, %add3A_168 : i32
      %dma_start3A_170 = arith.constant 0 : i32
      %dma_start3A_171 = arith.constant 0 : i32
      %dma_start3A_172 = tpu.memref_slice %arg10[%dma_start3A_170, %dma_start3A_171] : memref<128x128xf32, #tpu.memory_space<vmem>> -> memref<112x128xf32, #tpu.memory_space<vmem>>
      %dma_start3A_173 = arith.constant 0 : i32
      %dma_start3A_174 = tpu.memref_slice %arg16[%add3A_169, %dma_start3A_173] : memref<10000x128xf32, #tpu.memory_space<vmem_shared>> -> memref<112x128xf32, #tpu.memory_space<vmem_shared>>
      %dma_start3A_175 = arith.constant 0 : i32
      %dma_start3A_176 = tpu.memref_slice %arg16[%add3A_169, %dma_start3A_175] : memref<10000x128xf32, #tpu.memory_space<vmem_shared>> -> memref<112x128xf32, #tpu.memory_space<vmem_shared>>
      %dma_start3A_177 = arith.constant 0 : i32
      %dma_start3A_178 = arith.constant 0 : i32
      %dma_start3A_179 = tpu.memref_slice %arg10[%dma_start3A_177, %dma_start3A_178] : memref<128x128xf32, #tpu.memory_space<vmem>> -> memref<112x128xf32, #tpu.memory_space<vmem>>
      tpu.enqueue_dma source(%dma_start3A_179 : memref<112x128xf32, #tpu.memory_space<vmem>>) target(%dma_start3A_176 : memref<112x128xf32, #tpu.memory_space<vmem_shared>>) target_semaphore(%arg12 : memref<!tpu.dma_semaphore, #tpu.memory_space<semaphore_mem>>)
      %dma_wait3A_180 = arith.constant 0 : i32
      %dma_wait3A_181 = arith.constant 0 : i32
      %dma_wait3A_182 = tpu.memref_slice %arg10[%dma_wait3A_180, %dma_wait3A_181] : memref<128x128xf32, #tpu.memory_space<vmem>> -> memref<128x128xf32, #tpu.memory_space<vmem>>
      %dma_wait3A_183 = arith.constant 0 : i32
      %dma_wait3A_184 = tpu.memref_slice %arg16[%mul3A_2, %dma_wait3A_183] : memref<10000x128xf32, #tpu.memory_space<vmem_shared>> -> memref<128x128xf32, #tpu.memory_space<vmem_shared>>
      %dma_wait3A_185 = arith.constant 0 : i32
      %dma_wait3A_186 = tpu.memref_slice %arg16[%mul3A_2, %dma_wait3A_185] : memref<10000x128xf32, #tpu.memory_space<vmem_shared>> -> memref<128x128xf32, #tpu.memory_space<vmem_shared>>
      %dma_wait3A_187 = arith.constant 0 : i32
      %dma_wait3A_188 = arith.constant 0 : i32
      %dma_wait3A_189 = tpu.memref_slice %arg10[%dma_wait3A_187, %dma_wait3A_188] : memref<128x128xf32, #tpu.memory_space<vmem>> -> memref<128x128xf32, #tpu.memory_space<vmem>>
      tpu.wait_dma2 semaphore(%arg12 : memref<!tpu.dma_semaphore, #tpu.memory_space<semaphore_mem>>) src(%dma_wait3A_189 : memref<128x128xf32, #tpu.memory_space<vmem>>) dst(%dma_wait3A_186 : memref<128x128xf32, #tpu.memory_space<vmem_shared>>)
      %dma_wait3A_190 = arith.constant 0 : i32
      %dma_wait3A_191 = arith.constant 0 : i32
      %dma_wait3A_192 = tpu.memref_slice %arg10[%dma_wait3A_190, %dma_wait3A_191] : memref<128x128xf32, #tpu.memory_space<vmem>> -> memref<128x128xf32, #tpu.memory_space<vmem>>
      %dma_wait3A_193 = arith.constant 0 : i32
      %dma_wait3A_194 = tpu.memref_slice %arg16[%mul3A_2, %dma_wait3A_193] : memref<10000x128xf32, #tpu.memory_space<vmem_shared>> -> memref<128x128xf32, #tpu.memory_space<vmem_shared>>
      %dma_wait3A_195 = arith.constant 0 : i32
      %dma_wait3A_196 = tpu.memref_slice %arg16[%mul3A_2, %dma_wait3A_195] : memref<10000x128xf32, #tpu.memory_space<vmem_shared>> -> memref<128x128xf32, #tpu.memory_space<vmem_shared>>
      %dma_wait3A_197 = arith.constant 0 : i32
      %dma_wait3A_198 = arith.constant 0 : i32
      %dma_wait3A_199 = tpu.memref_slice %arg10[%dma_wait3A_197, %dma_wait3A_198] : memref<128x128xf32, #tpu.memory_space<vmem>> -> memref<128x128xf32, #tpu.memory_space<vmem>>
      tpu.wait_dma2 semaphore(%arg12 : memref<!tpu.dma_semaphore, #tpu.memory_space<semaphore_mem>>) src(%dma_wait3A_199 : memref<128x128xf32, #tpu.memory_space<vmem>>) dst(%dma_wait3A_196 : memref<128x128xf32, #tpu.memory_space<vmem_shared>>)
      %dma_wait3A_200 = arith.constant 0 : i32
      %dma_wait3A_201 = arith.constant 0 : i32
      %dma_wait3A_202 = tpu.memref_slice %arg10[%dma_wait3A_200, %dma_wait3A_201] : memref<128x128xf32, #tpu.memory_space<vmem>> -> memref<128x128xf32, #tpu.memory_space<vmem>>
      %dma_wait3A_203 = arith.constant 0 : i32
      %dma_wait3A_204 = tpu.memref_slice %arg16[%mul3A_2, %dma_wait3A_203] : memref<10000x128xf32, #tpu.memory_space<vmem_shared>> -> memref<128x128xf32, #tpu.memory_space<vmem_shared>>
      %dma_wait3A_205 = arith.constant 0 : i32
      %dma_wait3A_206 = tpu.memref_slice %arg16[%mul3A_2, %dma_wait3A_205] : memref<10000x128xf32, #tpu.memory_space<vmem_shared>> -> memref<128x128xf32, #tpu.memory_space<vmem_shared>>
      %dma_wait3A_207 = arith.constant 0 : i32
      %dma_wait3A_208 = arith.constant 0 : i32
      %dma_wait3A_209 = tpu.memref_slice %arg10[%dma_wait3A_207, %dma_wait3A_208] : memref<128x128xf32, #tpu.memory_space<vmem>> -> memref<128x128xf32, #tpu.memory_space<vmem>>
      tpu.wait_dma2 semaphore(%arg12 : memref<!tpu.dma_semaphore, #tpu.memory_space<semaphore_mem>>) src(%dma_wait3A_209 : memref<128x128xf32, #tpu.memory_space<vmem>>) dst(%dma_wait3A_206 : memref<128x128xf32, #tpu.memory_space<vmem_shared>>)
      %dma_wait3A_210 = arith.constant 0 : i32
      %dma_wait3A_211 = arith.constant 0 : i32
      %dma_wait3A_212 = tpu.memref_slice %arg10[%dma_wait3A_210, %dma_wait3A_211] : memref<128x128xf32, #tpu.memory_space<vmem>> -> memref<128x128xf32, #tpu.memory_space<vmem>>
      %dma_wait3A_213 = arith.constant 0 : i32
      %dma_wait3A_214 = tpu.memref_slice %arg16[%mul3A_2, %dma_wait3A_213] : memref<10000x128xf32, #tpu.memory_space<vmem_shared>> -> memref<128x128xf32, #tpu.memory_space<vmem_shared>>
      %dma_wait3A_215 = arith.constant 0 : i32
      %dma_wait3A_216 = tpu.memref_slice %arg16[%mul3A_2, %dma_wait3A_215] : memref<10000x128xf32, #tpu.memory_space<vmem_shared>> -> memref<128x128xf32, #tpu.memory_space<vmem_shared>>
      %dma_wait3A_217 = arith.constant 0 : i32
      %dma_wait3A_218 = arith.constant 0 : i32
      %dma_wait3A_219 = tpu.memref_slice %arg10[%dma_wait3A_217, %dma_wait3A_218] : memref<128x128xf32, #tpu.memory_space<vmem>> -> memref<128x128xf32, #tpu.memory_space<vmem>>
      tpu.wait_dma2 semaphore(%arg12 : memref<!tpu.dma_semaphore, #tpu.memory_space<semaphore_mem>>) src(%dma_wait3A_219 : memref<128x128xf32, #tpu.memory_space<vmem>>) dst(%dma_wait3A_216 : memref<128x128xf32, #tpu.memory_space<vmem_shared>>)
      %dma_wait3A_220 = arith.constant 0 : i32
      %dma_wait3A_221 = arith.constant 0 : i32
      %dma_wait3A_222 = tpu.memref_slice %arg10[%dma_wait3A_220, %dma_wait3A_221] : memref<128x128xf32, #tpu.memory_space<vmem>> -> memref<112x128xf32, #tpu.memory_space<vmem>>
      %dma_wait3A_223 = arith.constant 0 : i32
      %dma_wait3A_224 = tpu.memref_slice %arg16[%mul3A_2, %dma_wait3A_223] : memref<10000x128xf32, #tpu.memory_space<vmem_shared>> -> memref<112x128xf32, #tpu.memory_space<vmem_shared>>
      %dma_wait3A_225 = arith.constant 0 : i32
      %dma_wait3A_226 = tpu.memref_slice %arg16[%mul3A_2, %dma_wait3A_225] : memref<10000x128xf32, #tpu.memory_space<vmem_shared>> -> memref<112x128xf32, #tpu.memory_space<vmem_shared>>
      %dma_wait3A_227 = arith.constant 0 : i32
      %dma_wait3A_228 = arith.constant 0 : i32
      %dma_wait3A_229 = tpu.memref_slice %arg10[%dma_wait3A_227, %dma_wait3A_228] : memref<128x128xf32, #tpu.memory_space<vmem>> -> memref<112x128xf32, #tpu.memory_space<vmem>>
      tpu.wait_dma2 semaphore(%arg12 : memref<!tpu.dma_semaphore, #tpu.memory_space<semaphore_mem>>) src(%dma_wait3A_229 : memref<112x128xf32, #tpu.memory_space<vmem>>) dst(%dma_wait3A_226 : memref<112x128xf32, #tpu.memory_space<vmem_shared>>)
    } else {
    }
    %eq3A = arith.constant 15 : i32
    %eq3A_12 = arith.cmpi eq, %arg1, %eq3A : i32
    %convert_element_type3A_13 = arith.extui %eq3A_12 : i1 to i32
    %cond3A_14 = arith.constant 0 : i32
    %cond3A_15 = arith.cmpi ne, %convert_element_type3A_13, %cond3A_14 : i32
    scf.if %cond3A_15 {
      %dma_start3A_120 = arith.constant 0 : i32
      %dma_start3A_121 = arith.constant 0 : i32
      %dma_start3A_122 = tpu.memref_slice %arg10[%dma_start3A_120, %dma_start3A_121] : memref<128x128xf32, #tpu.memory_space<vmem>> -> memref<128x128xf32, #tpu.memory_space<vmem>>
      %dma_start3A_123 = arith.constant 9360 : i32
      %dma_start3A_124 = arith.constant 0 : i32
      %dma_start3A_125 = tpu.memref_slice %arg16[%dma_start3A_123, %dma_start3A_124] : memref<10000x128xf32, #tpu.memory_space<vmem_shared>> -> memref<128x128xf32, #tpu.memory_space<vmem_shared>>
      %dma_start3A_126 = arith.constant 9360 : i32
      %dma_start3A_127 = arith.constant 0 : i32
      %dma_start3A_128 = tpu.memref_slice %arg16[%dma_start3A_126, %dma_start3A_127] : memref<10000x128xf32, #tpu.memory_space<vmem_shared>> -> memref<128x128xf32, #tpu.memory_space<vmem_shared>>
      %dma_start3A_129 = arith.constant 0 : i32
      %dma_start3A_130 = arith.constant 0 : i32
      %dma_start3A_131 = tpu.memref_slice %arg10[%dma_start3A_129, %dma_start3A_130] : memref<128x128xf32, #tpu.memory_space<vmem>> -> memref<128x128xf32, #tpu.memory_space<vmem>>
      tpu.enqueue_dma source(%dma_start3A_131 : memref<128x128xf32, #tpu.memory_space<vmem>>) target(%dma_start3A_128 : memref<128x128xf32, #tpu.memory_space<vmem_shared>>) target_semaphore(%arg12 : memref<!tpu.dma_semaphore, #tpu.memory_space<semaphore_mem>>)
      %dma_start3A_132 = arith.constant 0 : i32
      %dma_start3A_133 = arith.constant 0 : i32
      %dma_start3A_134 = tpu.memref_slice %arg10[%dma_start3A_132, %dma_start3A_133] : memref<128x128xf32, #tpu.memory_space<vmem>> -> memref<128x128xf32, #tpu.memory_space<vmem>>
      %dma_start3A_135 = arith.constant 9488 : i32
      %dma_start3A_136 = arith.constant 0 : i32
      %dma_start3A_137 = tpu.memref_slice %arg16[%dma_start3A_135, %dma_start3A_136] : memref<10000x128xf32, #tpu.memory_space<vmem_shared>> -> memref<128x128xf32, #tpu.memory_space<vmem_shared>>
      %dma_start3A_138 = arith.constant 9488 : i32
      %dma_start3A_139 = arith.constant 0 : i32
      %dma_start3A_140 = tpu.memref_slice %arg16[%dma_start3A_138, %dma_start3A_139] : memref<10000x128xf32, #tpu.memory_space<vmem_shared>> -> memref<128x128xf32, #tpu.memory_space<vmem_shared>>
      %dma_start3A_141 = arith.constant 0 : i32
      %dma_start3A_142 = arith.constant 0 : i32
      %dma_start3A_143 = tpu.memref_slice %arg10[%dma_start3A_141, %dma_start3A_142] : memref<128x128xf32, #tpu.memory_space<vmem>> -> memref<128x128xf32, #tpu.memory_space<vmem>>
      tpu.enqueue_dma source(%dma_start3A_143 : memref<128x128xf32, #tpu.memory_space<vmem>>) target(%dma_start3A_140 : memref<128x128xf32, #tpu.memory_space<vmem_shared>>) target_semaphore(%arg12 : memref<!tpu.dma_semaphore, #tpu.memory_space<semaphore_mem>>)
      %dma_start3A_144 = arith.constant 0 : i32
      %dma_start3A_145 = arith.constant 0 : i32
      %dma_start3A_146 = tpu.memref_slice %arg10[%dma_start3A_144, %dma_start3A_145] : memref<128x128xf32, #tpu.memory_space<vmem>> -> memref<128x128xf32, #tpu.memory_space<vmem>>
      %dma_start3A_147 = arith.constant 9616 : i32
      %dma_start3A_148 = arith.constant 0 : i32
      %dma_start3A_149 = tpu.memref_slice %arg16[%dma_start3A_147, %dma_start3A_148] : memref<10000x128xf32, #tpu.memory_space<vmem_shared>> -> memref<128x128xf32, #tpu.memory_space<vmem_shared>>
      %dma_start3A_150 = arith.constant 9616 : i32
      %dma_start3A_151 = arith.constant 0 : i32
      %dma_start3A_152 = tpu.memref_slice %arg16[%dma_start3A_150, %dma_start3A_151] : memref<10000x128xf32, #tpu.memory_space<vmem_shared>> -> memref<128x128xf32, #tpu.memory_space<vmem_shared>>
      %dma_start3A_153 = arith.constant 0 : i32
      %dma_start3A_154 = arith.constant 0 : i32
      %dma_start3A_155 = tpu.memref_slice %arg10[%dma_start3A_153, %dma_start3A_154] : memref<128x128xf32, #tpu.memory_space<vmem>> -> memref<128x128xf32, #tpu.memory_space<vmem>>
      tpu.enqueue_dma source(%dma_start3A_155 : memref<128x128xf32, #tpu.memory_space<vmem>>) target(%dma_start3A_152 : memref<128x128xf32, #tpu.memory_space<vmem_shared>>) target_semaphore(%arg12 : memref<!tpu.dma_semaphore, #tpu.memory_space<semaphore_mem>>)
      %dma_start3A_156 = arith.constant 0 : i32
      %dma_start3A_157 = arith.constant 0 : i32
      %dma_start3A_158 = tpu.memref_slice %arg10[%dma_start3A_156, %dma_start3A_157] : memref<128x128xf32, #tpu.memory_space<vmem>> -> memref<128x128xf32, #tpu.memory_space<vmem>>
      %dma_start3A_159 = arith.constant 9744 : i32
      %dma_start3A_160 = arith.constant 0 : i32
      %dma_start3A_161 = tpu.memref_slice %arg16[%dma_start3A_159, %dma_start3A_160] : memref<10000x128xf32, #tpu.memory_space<vmem_shared>> -> memref<128x128xf32, #tpu.memory_space<vmem_shared>>
      %dma_start3A_162 = arith.constant 9744 : i32
      %dma_start3A_163 = arith.constant 0 : i32
      %dma_start3A_164 = tpu.memref_slice %arg16[%dma_start3A_162, %dma_start3A_163] : memref<10000x128xf32, #tpu.memory_space<vmem_shared>> -> memref<128x128xf32, #tpu.memory_space<vmem_shared>>
      %dma_start3A_165 = arith.constant 0 : i32
      %dma_start3A_166 = arith.constant 0 : i32
      %dma_start3A_167 = tpu.memref_slice %arg10[%dma_start3A_165, %dma_start3A_166] : memref<128x128xf32, #tpu.memory_space<vmem>> -> memref<128x128xf32, #tpu.memory_space<vmem>>
      tpu.enqueue_dma source(%dma_start3A_167 : memref<128x128xf32, #tpu.memory_space<vmem>>) target(%dma_start3A_164 : memref<128x128xf32, #tpu.memory_space<vmem_shared>>) target_semaphore(%arg12 : memref<!tpu.dma_semaphore, #tpu.memory_space<semaphore_mem>>)
      %dma_start3A_168 = arith.constant 0 : i32
      %dma_start3A_169 = arith.constant 0 : i32
      %dma_start3A_170 = tpu.memref_slice %arg10[%dma_start3A_168, %dma_start3A_169] : memref<128x128xf32, #tpu.memory_space<vmem>> -> memref<128x128xf32, #tpu.memory_space<vmem>>
      %dma_start3A_171 = arith.constant 9872 : i32
      %dma_start3A_172 = arith.constant 0 : i32
      %dma_start3A_173 = tpu.memref_slice %arg16[%dma_start3A_171, %dma_start3A_172] : memref<10000x128xf32, #tpu.memory_space<vmem_shared>> -> memref<128x128xf32, #tpu.memory_space<vmem_shared>>
      %dma_start3A_174 = arith.constant 9872 : i32
      %dma_start3A_175 = arith.constant 0 : i32
      %dma_start3A_176 = tpu.memref_slice %arg16[%dma_start3A_174, %dma_start3A_175] : memref<10000x128xf32, #tpu.memory_space<vmem_shared>> -> memref<128x128xf32, #tpu.memory_space<vmem_shared>>
      %dma_start3A_177 = arith.constant 0 : i32
      %dma_start3A_178 = arith.constant 0 : i32
      %dma_start3A_179 = tpu.memref_slice %arg10[%dma_start3A_177, %dma_start3A_178] : memref<128x128xf32, #tpu.memory_space<vmem>> -> memref<128x128xf32, #tpu.memory_space<vmem>>
      tpu.enqueue_dma source(%dma_start3A_179 : memref<128x128xf32, #tpu.memory_space<vmem>>) target(%dma_start3A_176 : memref<128x128xf32, #tpu.memory_space<vmem_shared>>) target_semaphore(%arg12 : memref<!tpu.dma_semaphore, #tpu.memory_space<semaphore_mem>>)
      %dma_wait3A_180 = arith.constant 0 : i32
      %dma_wait3A_181 = arith.constant 0 : i32
      %dma_wait3A_182 = tpu.memref_slice %arg10[%dma_wait3A_180, %dma_wait3A_181] : memref<128x128xf32, #tpu.memory_space<vmem>> -> memref<128x128xf32, #tpu.memory_space<vmem>>
      %dma_wait3A_183 = arith.constant 9360 : i32
      %dma_wait3A_184 = arith.constant 0 : i32
      %dma_wait3A_185 = tpu.memref_slice %arg16[%dma_wait3A_183, %dma_wait3A_184] : memref<10000x128xf32, #tpu.memory_space<vmem_shared>> -> memref<128x128xf32, #tpu.memory_space<vmem_shared>>
      %dma_wait3A_186 = arith.constant 9360 : i32
      %dma_wait3A_187 = arith.constant 0 : i32
      %dma_wait3A_188 = tpu.memref_slice %arg16[%dma_wait3A_186, %dma_wait3A_187] : memref<10000x128xf32, #tpu.memory_space<vmem_shared>> -> memref<128x128xf32, #tpu.memory_space<vmem_shared>>
      %dma_wait3A_189 = arith.constant 0 : i32
      %dma_wait3A_190 = arith.constant 0 : i32
      %dma_wait3A_191 = tpu.memref_slice %arg10[%dma_wait3A_189, %dma_wait3A_190] : memref<128x128xf32, #tpu.memory_space<vmem>> -> memref<128x128xf32, #tpu.memory_space<vmem>>
      tpu.wait_dma2 semaphore(%arg12 : memref<!tpu.dma_semaphore, #tpu.memory_space<semaphore_mem>>) src(%dma_wait3A_191 : memref<128x128xf32, #tpu.memory_space<vmem>>) dst(%dma_wait3A_188 : memref<128x128xf32, #tpu.memory_space<vmem_shared>>)
      %dma_wait3A_192 = arith.constant 0 : i32
      %dma_wait3A_193 = arith.constant 0 : i32
      %dma_wait3A_194 = tpu.memref_slice %arg10[%dma_wait3A_192, %dma_wait3A_193] : memref<128x128xf32, #tpu.memory_space<vmem>> -> memref<128x128xf32, #tpu.memory_space<vmem>>
      %dma_wait3A_195 = arith.constant 9360 : i32
      %dma_wait3A_196 = arith.constant 0 : i32
      %dma_wait3A_197 = tpu.memref_slice %arg16[%dma_wait3A_195, %dma_wait3A_196] : memref<10000x128xf32, #tpu.memory_space<vmem_shared>> -> memref<128x128xf32, #tpu.memory_space<vmem_shared>>
      %dma_wait3A_198 = arith.constant 9360 : i32
      %dma_wait3A_199 = arith.constant 0 : i32
      %dma_wait3A_200 = tpu.memref_slice %arg16[%dma_wait3A_198, %dma_wait3A_199] : memref<10000x128xf32, #tpu.memory_space<vmem_shared>> -> memref<128x128xf32, #tpu.memory_space<vmem_shared>>
      %dma_wait3A_201 = arith.constant 0 : i32
      %dma_wait3A_202 = arith.constant 0 : i32
      %dma_wait3A_203 = tpu.memref_slice %arg10[%dma_wait3A_201, %dma_wait3A_202] : memref<128x128xf32, #tpu.memory_space<vmem>> -> memref<128x128xf32, #tpu.memory_space<vmem>>
      tpu.wait_dma2 semaphore(%arg12 : memref<!tpu.dma_semaphore, #tpu.memory_space<semaphore_mem>>) src(%dma_wait3A_203 : memref<128x128xf32, #tpu.memory_space<vmem>>) dst(%dma_wait3A_200 : memref<128x128xf32, #tpu.memory_space<vmem_shared>>)
      %dma_wait3A_204 = arith.constant 0 : i32
      %dma_wait3A_205 = arith.constant 0 : i32
      %dma_wait3A_206 = tpu.memref_slice %arg10[%dma_wait3A_204, %dma_wait3A_205] : memref<128x128xf32, #tpu.memory_space<vmem>> -> memref<128x128xf32, #tpu.memory_space<vmem>>
      %dma_wait3A_207 = arith.constant 9360 : i32
      %dma_wait3A_208 = arith.constant 0 : i32
      %dma_wait3A_209 = tpu.memref_slice %arg16[%dma_wait3A_207, %dma_wait3A_208] : memref<10000x128xf32, #tpu.memory_space<vmem_shared>> -> memref<128x128xf32, #tpu.memory_space<vmem_shared>>
      %dma_wait3A_210 = arith.constant 9360 : i32
      %dma_wait3A_211 = arith.constant 0 : i32
      %dma_wait3A_212 = tpu.memref_slice %arg16[%dma_wait3A_210, %dma_wait3A_211] : memref<10000x128xf32, #tpu.memory_space<vmem_shared>> -> memref<128x128xf32, #tpu.memory_space<vmem_shared>>
      %dma_wait3A_213 = arith.constant 0 : i32
      %dma_wait3A_214 = arith.constant 0 : i32
      %dma_wait3A_215 = tpu.memref_slice %arg10[%dma_wait3A_213, %dma_wait3A_214] : memref<128x128xf32, #tpu.memory_space<vmem>> -> memref<128x128xf32, #tpu.memory_space<vmem>>
      tpu.wait_dma2 semaphore(%arg12 : memref<!tpu.dma_semaphore, #tpu.memory_space<semaphore_mem>>) src(%dma_wait3A_215 : memref<128x128xf32, #tpu.memory_space<vmem>>) dst(%dma_wait3A_212 : memref<128x128xf32, #tpu.memory_space<vmem_shared>>)
      %dma_wait3A_216 = arith.constant 0 : i32
      %dma_wait3A_217 = arith.constant 0 : i32
      %dma_wait3A_218 = tpu.memref_slice %arg10[%dma_wait3A_216, %dma_wait3A_217] : memref<128x128xf32, #tpu.memory_space<vmem>> -> memref<128x128xf32, #tpu.memory_space<vmem>>
      %dma_wait3A_219 = arith.constant 9360 : i32
      %dma_wait3A_220 = arith.constant 0 : i32
      %dma_wait3A_221 = tpu.memref_slice %arg16[%dma_wait3A_219, %dma_wait3A_220] : memref<10000x128xf32, #tpu.memory_space<vmem_shared>> -> memref<128x128xf32, #tpu.memory_space<vmem_shared>>
      %dma_wait3A_222 = arith.constant 9360 : i32
      %dma_wait3A_223 = arith.constant 0 : i32
      %dma_wait3A_224 = tpu.memref_slice %arg16[%dma_wait3A_222, %dma_wait3A_223] : memref<10000x128xf32, #tpu.memory_space<vmem_shared>> -> memref<128x128xf32, #tpu.memory_space<vmem_shared>>
      %dma_wait3A_225 = arith.constant 0 : i32
      %dma_wait3A_226 = arith.constant 0 : i32
      %dma_wait3A_227 = tpu.memref_slice %arg10[%dma_wait3A_225, %dma_wait3A_226] : memref<128x128xf32, #tpu.memory_space<vmem>> -> memref<128x128xf32, #tpu.memory_space<vmem>>
      tpu.wait_dma2 semaphore(%arg12 : memref<!tpu.dma_semaphore, #tpu.memory_space<semaphore_mem>>) src(%dma_wait3A_227 : memref<128x128xf32, #tpu.memory_space<vmem>>) dst(%dma_wait3A_224 : memref<128x128xf32, #tpu.memory_space<vmem_shared>>)
      %dma_wait3A_228 = arith.constant 0 : i32
      %dma_wait3A_229 = arith.constant 0 : i32
      %dma_wait3A_230 = tpu.memref_slice %arg10[%dma_wait3A_228, %dma_wait3A_229] : memref<128x128xf32, #tpu.memory_space<vmem>> -> memref<128x128xf32, #tpu.memory_space<vmem>>
      %dma_wait3A_231 = arith.constant 9360 : i32
      %dma_wait3A_232 = arith.constant 0 : i32
      %dma_wait3A_233 = tpu.memref_slice %arg16[%dma_wait3A_231, %dma_wait3A_232] : memref<10000x128xf32, #tpu.memory_space<vmem_shared>> -> memref<128x128xf32, #tpu.memory_space<vmem_shared>>
      %dma_wait3A_234 = arith.constant 9360 : i32
      %dma_wait3A_235 = arith.constant 0 : i32
      %dma_wait3A_236 = tpu.memref_slice %arg16[%dma_wait3A_234, %dma_wait3A_235] : memref<10000x128xf32, #tpu.memory_space<vmem_shared>> -> memref<128x128xf32, #tpu.memory_space<vmem_shared>>
      %dma_wait3A_237 = arith.constant 0 : i32
      %dma_wait3A_238 = arith.constant 0 : i32
      %dma_wait3A_239 = tpu.memref_slice %arg10[%dma_wait3A_237, %dma_wait3A_238] : memref<128x128xf32, #tpu.memory_space<vmem>> -> memref<128x128xf32, #tpu.memory_space<vmem>>
      tpu.wait_dma2 semaphore(%arg12 : memref<!tpu.dma_semaphore, #tpu.memory_space<semaphore_mem>>) src(%dma_wait3A_239 : memref<128x128xf32, #tpu.memory_space<vmem>>) dst(%dma_wait3A_236 : memref<128x128xf32, #tpu.memory_space<vmem_shared>>)
    } else {
    }
    %barrier3A = arith.constant 0 : index
    tpu.barrier barrier_id(%barrier3A)
    %mul3A_16 = arith.constant 128 : i32
    %mul3A_17 = arith.muli %add3A, %mul3A_16 : i32
    "tpu.region"() ({
      %run_scoped3A = tpu.sem_alloc : memref<!tpu.dma_semaphore, #tpu.memory_space<semaphore_mem>>
      %dma_start3A_120 = tpu.memref_slice %arg3[%mul3A_17] : memref<323584xi32, #tpu.memory_space<hbm>> -> memref<128xi32, #tpu.memory_space<hbm>>
      %dma_start3A_121 = tpu.memref_slice %arg3[%mul3A_17] : memref<323584xi32, #tpu.memory_space<hbm>> -> memref<128xi32, #tpu.memory_space<hbm>>
      tpu.enqueue_dma source(%dma_start3A_121 : memref<128xi32, #tpu.memory_space<hbm>>) target(%arg7 : memref<128xi32, #tpu.memory_space<vmem>>) target_semaphore(%run_scoped3A : memref<!tpu.dma_semaphore, #tpu.memory_space<semaphore_mem>>)
      %dma_wait3A_122 = tpu.memref_slice %arg3[%mul3A_17] : memref<323584xi32, #tpu.memory_space<hbm>> -> memref<128xi32, #tpu.memory_space<hbm>>
      %dma_wait3A_123 = tpu.memref_slice %arg3[%mul3A_17] : memref<323584xi32, #tpu.memory_space<hbm>> -> memref<128xi32, #tpu.memory_space<hbm>>
      tpu.wait_dma2 semaphore(%run_scoped3A : memref<!tpu.dma_semaphore, #tpu.memory_space<semaphore_mem>>) src(%dma_wait3A_123 : memref<128xi32, #tpu.memory_space<hbm>>) dst(%arg7 : memref<128xi32, #tpu.memory_space<vmem>>)
      tpu.yield
    }) : () -> ()
    %dma_start3A = arith.constant 0 : i32
    %dma_start3A_18 = arith.constant 0 : i32
    %dma_start3A_19 = tpu.memref_slice %arg2[%dma_start3A, %dma_start3A_18] : memref<10000x128xf32, #tpu.memory_space<hbm>> -> memref<10000x128xf32, #tpu.memory_space<hbm>>
    tpu.enqueue_indirect_dma source(%dma_start3A_19 : memref<10000x128xf32, #tpu.memory_space<hbm>>) target(%arg10 : memref<128x128xf32, #tpu.memory_space<vmem>>) offsets(%arg7 : memref<128xi32, #tpu.memory_space<vmem>>) semaphore(%arg12 : memref<!tpu.dma_semaphore, #tpu.memory_space<semaphore_mem>>)
    %add3A_20 = arith.constant 32 : i32
    %add3A_21 = arith.addi %add3A_20, %add3A : i32
    %mul3A_22 = arith.constant 128 : i32
    %mul3A_23 = arith.muli %add3A_21, %mul3A_22 : i32
    %dma_start3A_24 = tpu.memref_slice %arg3[%mul3A_23] : memref<323584xi32, #tpu.memory_space<hbm>> -> memref<128xi32, #tpu.memory_space<hbm>>
    %dma_start3A_25 = tpu.memref_slice %arg3[%mul3A_23] : memref<323584xi32, #tpu.memory_space<hbm>> -> memref<128xi32, #tpu.memory_space<hbm>>
    tpu.enqueue_dma source(%dma_start3A_25 : memref<128xi32, #tpu.memory_space<hbm>>) target(%arg8 : memref<128xi32, #tpu.memory_space<vmem>>) target_semaphore(%arg15 : memref<!tpu.dma_semaphore, #tpu.memory_space<semaphore_mem>>)
    %scan3A_26 = arith.constant 0 : i32
    %scan3A_27 = arith.constant 0 : i32
    %scan3A_28 = arith.constant 39 : i32
    %scan3A_29 = arith.addi %scan3A_27, %scan3A_28 : i32
    %scan3A_30 = arith.constant 1 : i32
    %scan3A_31 = scf.for %scan3A_120 = %scan3A_27 to %scan3A_29 step %scan3A_30 iter_args(%scan3A_121 = %scan3A_26) -> (i32)  : i32 {
      %mul3A_122 = arith.constant 2 : i32
      %mul3A_123 = arith.muli %mul3A_122, %scan3A_120 : i32
      %dma_wait3A_124 = arith.constant 0 : i32
      %dma_wait3A_125 = tpu.memref_slice %arg3[%dma_wait3A_124] : memref<323584xi32, #tpu.memory_space<hbm>> -> memref<128xi32, #tpu.memory_space<hbm>>
      %dma_wait3A_126 = arith.constant 0 : i32
      %dma_wait3A_127 = tpu.memref_slice %arg3[%dma_wait3A_126] : memref<323584xi32, #tpu.memory_space<hbm>> -> memref<128xi32, #tpu.memory_space<hbm>>
      tpu.wait_dma2 semaphore(%arg15 : memref<!tpu.dma_semaphore, #tpu.memory_space<semaphore_mem>>) src(%dma_wait3A_127 : memref<128xi32, #tpu.memory_space<hbm>>) dst(%arg8 : memref<128xi32, #tpu.memory_space<vmem>>)
      %dma_start3A_128 = arith.constant 0 : i32
      %dma_start3A_129 = arith.constant 0 : i32
      %dma_start3A_130 = tpu.memref_slice %arg2[%dma_start3A_128, %dma_start3A_129] : memref<10000x128xf32, #tpu.memory_space<hbm>> -> memref<10000x128xf32, #tpu.memory_space<hbm>>
      tpu.enqueue_indirect_dma source(%dma_start3A_130 : memref<10000x128xf32, #tpu.memory_space<hbm>>) target(%arg11 : memref<128x128xf32, #tpu.memory_space<vmem>>) offsets(%arg8 : memref<128xi32, #tpu.memory_space<vmem>>) semaphore(%arg13 : memref<!tpu.dma_semaphore, #tpu.memory_space<semaphore_mem>>)
      %dma_wait3A_131 = arith.constant 0 : i32
      %dma_wait3A_132 = arith.constant 0 : i32
      %dma_wait3A_133 = tpu.memref_slice %arg2[%dma_wait3A_131, %dma_wait3A_132] : memref<10000x128xf32, #tpu.memory_space<hbm>> -> memref<10000x128xf32, #tpu.memory_space<hbm>>
      tpu.wait_indirect_dma semaphore(%arg12 : memref<!tpu.dma_semaphore, #tpu.memory_space<semaphore_mem>>) src(%dma_wait3A_133 : memref<10000x128xf32, #tpu.memory_space<hbm>>) dst(%arg10 : memref<128x128xf32, #tpu.memory_space<vmem>>)
      %add3A_134 = arith.constant 2 : i32
      %add3A_135 = arith.addi %mul3A_123, %add3A_134 : i32
      %mul3A_136 = arith.constant 32 : i32
      %mul3A_137 = arith.muli %add3A_135, %mul3A_136 : i32
      %add3A_138 = arith.addi %mul3A_137, %add3A : i32
      %mul3A_139 = arith.constant 128 : i32
      %mul3A_140 = arith.muli %add3A_138, %mul3A_139 : i32
      %dma_start3A_141 = tpu.memref_slice %arg3[%mul3A_140] : memref<323584xi32, #tpu.memory_space<hbm>> -> memref<128xi32, #tpu.memory_space<hbm>>
      %dma_start3A_142 = tpu.memref_slice %arg3[%mul3A_140] : memref<323584xi32, #tpu.memory_space<hbm>> -> memref<128xi32, #tpu.memory_space<hbm>>
      tpu.enqueue_dma source(%dma_start3A_142 : memref<128xi32, #tpu.memory_space<hbm>>) target(%arg7 : memref<128xi32, #tpu.memory_space<vmem>>) target_semaphore(%arg14 : memref<!tpu.dma_semaphore, #tpu.memory_space<semaphore_mem>>)
      "tpu.region"() ({
        %run_scoped3A = tpu.sem_alloc : memref<!tpu.dma_semaphore, #tpu.memory_space<semaphore_mem>>
        %dma_start3A_161 = arith.constant 0 : i32
        %dma_start3A_162 = tpu.memref_slice %arg9[%mul3A_123, %dma_start3A_161] : memref<79x128xi32, #tpu.memory_space<vmem>> -> memref<1x128xi32, #tpu.memory_space<vmem>>
        %dma_start3A_163 = tpu.memref_squeeze %dma_start3A_162 : memref<1x128xi32, #tpu.memory_space<vmem>> -> memref<128xi32, #tpu.memory_space<vmem>>
        %dma_start3A_164 = arith.constant 0 : i32
        %dma_start3A_165 = arith.constant 0 : i32
        %dma_start3A_166 = tpu.memref_slice %arg16[%dma_start3A_164, %dma_start3A_165] : memref<10000x128xf32, #tpu.memory_space<vmem_shared>> -> memref<10000x128xf32, #tpu.memory_space<vmem_shared>>
        tpu.enqueue_indirect_dma source(%arg10 : memref<128x128xf32, #tpu.memory_space<vmem>>) target(%dma_start3A_166 : memref<10000x128xf32, #tpu.memory_space<vmem_shared>>) offsets(%dma_start3A_163 : memref<128xi32, #tpu.memory_space<vmem>>) semaphore(%run_scoped3A : memref<!tpu.dma_semaphore, #tpu.memory_space<semaphore_mem>>) {add = true}
        %dma_wait3A_167 = arith.constant 0 : i32
        %dma_wait3A_168 = tpu.memref_slice %arg9[%mul3A_123, %dma_wait3A_167] : memref<79x128xi32, #tpu.memory_space<vmem>> -> memref<1x128xi32, #tpu.memory_space<vmem>>
        %dma_wait3A_169 = tpu.memref_squeeze %dma_wait3A_168 : memref<1x128xi32, #tpu.memory_space<vmem>> -> memref<128xi32, #tpu.memory_space<vmem>>
        %dma_wait3A_170 = arith.constant 0 : i32
        %dma_wait3A_171 = arith.constant 0 : i32
        %dma_wait3A_172 = tpu.memref_slice %arg16[%dma_wait3A_170, %dma_wait3A_171] : memref<10000x128xf32, #tpu.memory_space<vmem_shared>> -> memref<10000x128xf32, #tpu.memory_space<vmem_shared>>
        tpu.wait_indirect_dma semaphore(%run_scoped3A : memref<!tpu.dma_semaphore, #tpu.memory_space<semaphore_mem>>) src(%arg10 : memref<128x128xf32, #tpu.memory_space<vmem>>) dst(%dma_wait3A_172 : memref<10000x128xf32, #tpu.memory_space<vmem_shared>>)
        tpu.yield
      }) : () -> ()
      %dma_wait3A_143 = arith.constant 0 : i32
      %dma_wait3A_144 = tpu.memref_slice %arg3[%dma_wait3A_143] : memref<323584xi32, #tpu.memory_space<hbm>> -> memref<128xi32, #tpu.memory_space<hbm>>
      %dma_wait3A_145 = arith.constant 0 : i32
      %dma_wait3A_146 = tpu.memref_slice %arg3[%dma_wait3A_145] : memref<323584xi32, #tpu.memory_space<hbm>> -> memref<128xi32, #tpu.memory_space<hbm>>
      tpu.wait_dma2 semaphore(%arg14 : memref<!tpu.dma_semaphore, #tpu.memory_space<semaphore_mem>>) src(%dma_wait3A_146 : memref<128xi32, #tpu.memory_space<hbm>>) dst(%arg7 : memref<128xi32, #tpu.memory_space<vmem>>)
      %dma_start3A_147 = arith.constant 0 : i32
      %dma_start3A_148 = arith.constant 0 : i32
      %dma_start3A_149 = tpu.memref_slice %arg2[%dma_start3A_147, %dma_start3A_148] : memref<10000x128xf32, #tpu.memory_space<hbm>> -> memref<10000x128xf32, #tpu.memory_space<hbm>>
      tpu.enqueue_indirect_dma source(%dma_start3A_149 : memref<10000x128xf32, #tpu.memory_space<hbm>>) target(%arg10 : memref<128x128xf32, #tpu.memory_space<vmem>>) offsets(%arg7 : memref<128xi32, #tpu.memory_space<vmem>>) semaphore(%arg12 : memref<!tpu.dma_semaphore, #tpu.memory_space<semaphore_mem>>)
      %dma_wait3A_150 = arith.constant 0 : i32
      %dma_wait3A_151 = arith.constant 0 : i32
      %dma_wait3A_152 = tpu.memref_slice %arg2[%dma_wait3A_150, %dma_wait3A_151] : memref<10000x128xf32, #tpu.memory_space<hbm>> -> memref<10000x128xf32, #tpu.memory_space<hbm>>
      tpu.wait_indirect_dma semaphore(%arg13 : memref<!tpu.dma_semaphore, #tpu.memory_space<semaphore_mem>>) src(%dma_wait3A_152 : memref<10000x128xf32, #tpu.memory_space<hbm>>) dst(%arg11 : memref<128x128xf32, #tpu.memory_space<vmem>>)
      %lt3A_153 = arith.constant 38 : i32
      %lt3A_154 = arith.cmpi slt, %scan3A_120, %lt3A_153 : i32
      %convert_element_type3A_155 = arith.extui %lt3A_154 : i1 to i32
      %cond3A_156 = arith.constant 0 : i32
      %cond3A_157 = arith.cmpi ne, %convert_element_type3A_155, %cond3A_156 : i32
      scf.if %cond3A_157 {
        %add3A_161 = arith.constant 3 : i32
        %add3A_162 = arith.addi %mul3A_123, %add3A_161 : i32
        %mul3A_163 = arith.constant 32 : i32
        %mul3A_164 = arith.muli %add3A_162, %mul3A_163 : i32
        %add3A_165 = arith.addi %mul3A_164, %add3A : i32
        %mul3A_166 = arith.constant 128 : i32
        %mul3A_167 = arith.muli %add3A_165, %mul3A_166 : i32
        %dma_start3A_168 = tpu.memref_slice %arg3[%mul3A_167] : memref<323584xi32, #tpu.memory_space<hbm>> -> memref<128xi32, #tpu.memory_space<hbm>>
        %dma_start3A_169 = tpu.memref_slice %arg3[%mul3A_167] : memref<323584xi32, #tpu.memory_space<hbm>> -> memref<128xi32, #tpu.memory_space<hbm>>
        tpu.enqueue_dma source(%dma_start3A_169 : memref<128xi32, #tpu.memory_space<hbm>>) target(%arg8 : memref<128xi32, #tpu.memory_space<vmem>>) target_semaphore(%arg15 : memref<!tpu.dma_semaphore, #tpu.memory_space<semaphore_mem>>)
      } else {
      }
      %add3A_158 = arith.constant 1 : i32
      %add3A_159 = arith.addi %mul3A_123, %add3A_158 : i32
      "tpu.region"() ({
        %run_scoped3A = tpu.sem_alloc : memref<!tpu.dma_semaphore, #tpu.memory_space<semaphore_mem>>
        %dma_start3A_161 = arith.constant 0 : i32
        %dma_start3A_162 = tpu.memref_slice %arg9[%add3A_159, %dma_start3A_161] : memref<79x128xi32, #tpu.memory_space<vmem>> -> memref<1x128xi32, #tpu.memory_space<vmem>>
        %dma_start3A_163 = tpu.memref_squeeze %dma_start3A_162 : memref<1x128xi32, #tpu.memory_space<vmem>> -> memref<128xi32, #tpu.memory_space<vmem>>
        %dma_start3A_164 = arith.constant 0 : i32
        %dma_start3A_165 = arith.constant 0 : i32
        %dma_start3A_166 = tpu.memref_slice %arg16[%dma_start3A_164, %dma_start3A_165] : memref<10000x128xf32, #tpu.memory_space<vmem_shared>> -> memref<10000x128xf32, #tpu.memory_space<vmem_shared>>
        tpu.enqueue_indirect_dma source(%arg11 : memref<128x128xf32, #tpu.memory_space<vmem>>) target(%dma_start3A_166 : memref<10000x128xf32, #tpu.memory_space<vmem_shared>>) offsets(%dma_start3A_163 : memref<128xi32, #tpu.memory_space<vmem>>) semaphore(%run_scoped3A : memref<!tpu.dma_semaphore, #tpu.memory_space<semaphore_mem>>) {add = true}
        %dma_wait3A_167 = arith.constant 0 : i32
        %dma_wait3A_168 = tpu.memref_slice %arg9[%add3A_159, %dma_wait3A_167] : memref<79x128xi32, #tpu.memory_space<vmem>> -> memref<1x128xi32, #tpu.memory_space<vmem>>
        %dma_wait3A_169 = tpu.memref_squeeze %dma_wait3A_168 : memref<1x128xi32, #tpu.memory_space<vmem>> -> memref<128xi32, #tpu.memory_space<vmem>>
        %dma_wait3A_170 = arith.constant 0 : i32
        %dma_wait3A_171 = arith.constant 0 : i32
        %dma_wait3A_172 = tpu.memref_slice %arg16[%dma_wait3A_170, %dma_wait3A_171] : memref<10000x128xf32, #tpu.memory_space<vmem_shared>> -> memref<10000x128xf32, #tpu.memory_space<vmem_shared>>
        tpu.wait_indirect_dma semaphore(%run_scoped3A : memref<!tpu.dma_semaphore, #tpu.memory_space<semaphore_mem>>) src(%arg11 : memref<128x128xf32, #tpu.memory_space<vmem>>) dst(%dma_wait3A_172 : memref<10000x128xf32, #tpu.memory_space<vmem_shared>>)
        tpu.yield
      }) : () -> ()
      %scan3A_160 = arith.constant 0 : i32
      scf.yield %scan3A_160 : i32
    }
    %scan3A_32 = arith.constant 39 : i32
    %dma_wait3A = arith.constant 0 : i32
    %dma_wait3A_33 = arith.constant 0 : i32
    %dma_wait3A_34 = tpu.memref_slice %arg2[%dma_wait3A, %dma_wait3A_33] : memref<10000x128xf32, #tpu.memory_space<hbm>> -> memref<10000x128xf32, #tpu.memory_space<hbm>>
    tpu.wait_indirect_dma semaphore(%arg12 : memref<!tpu.dma_semaphore, #tpu.memory_space<semaphore_mem>>) src(%dma_wait3A_34 : memref<10000x128xf32, #tpu.memory_space<hbm>>) dst(%arg10 : memref<128x128xf32, #tpu.memory_space<vmem>>)
    %lt3A_35 = arith.constant 4 : i32
    %lt3A_36 = arith.cmpi slt, %add3A, %lt3A_35 : i32
    %convert_element_type3A_37 = arith.extui %lt3A_36 : i1 to i32
    %cond3A_38 = arith.constant 0 : i32
    %cond3A_39 = arith.cmpi ne, %convert_element_type3A_37, %cond3A_38 : i32
    scf.if %cond3A_39 {
      %run_scoped3A = arith.constant 78 : i32
      "tpu.region"() ({
        %run_scoped3A_120 = tpu.sem_alloc : memref<!tpu.dma_semaphore, #tpu.memory_space<semaphore_mem>>
        %dma_start3A_121 = arith.constant 0 : i32
        %dma_start3A_122 = tpu.memref_slice %arg9[%run_scoped3A, %dma_start3A_121] : memref<79x128xi32, #tpu.memory_space<vmem>> -> memref<1x128xi32, #tpu.memory_space<vmem>>
        %dma_start3A_123 = tpu.memref_squeeze %dma_start3A_122 : memref<1x128xi32, #tpu.memory_space<vmem>> -> memref<128xi32, #tpu.memory_space<vmem>>
        %dma_start3A_124 = arith.constant 0 : i32
        %dma_start3A_125 = arith.constant 0 : i32
        %dma_start3A_126 = tpu.memref_slice %arg16[%dma_start3A_124, %dma_start3A_125] : memref<10000x128xf32, #tpu.memory_space<vmem_shared>> -> memref<10000x128xf32, #tpu.memory_space<vmem_shared>>
        tpu.enqueue_indirect_dma source(%arg10 : memref<128x128xf32, #tpu.memory_space<vmem>>) target(%dma_start3A_126 : memref<10000x128xf32, #tpu.memory_space<vmem_shared>>) offsets(%dma_start3A_123 : memref<128xi32, #tpu.memory_space<vmem>>) semaphore(%run_scoped3A_120 : memref<!tpu.dma_semaphore, #tpu.memory_space<semaphore_mem>>) {add = true}
        %dma_wait3A_127 = arith.constant 0 : i32
        %dma_wait3A_128 = tpu.memref_slice %arg9[%run_scoped3A, %dma_wait3A_127] : memref<79x128xi32, #tpu.memory_space<vmem>> -> memref<1x128xi32, #tpu.memory_space<vmem>>
        %dma_wait3A_129 = tpu.memref_squeeze %dma_wait3A_128 : memref<1x128xi32, #tpu.memory_space<vmem>> -> memref<128xi32, #tpu.memory_space<vmem>>
        %dma_wait3A_130 = arith.constant 0 : i32
        %dma_wait3A_131 = arith.constant 0 : i32
        %dma_wait3A_132 = tpu.memref_slice %arg16[%dma_wait3A_130, %dma_wait3A_131] : memref<10000x128xf32, #tpu.memory_space<vmem_shared>> -> memref<10000x128xf32, #tpu.memory_space<vmem_shared>>
        tpu.wait_indirect_dma semaphore(%run_scoped3A_120 : memref<!tpu.dma_semaphore, #tpu.memory_space<semaphore_mem>>) src(%arg10 : memref<128x128xf32, #tpu.memory_space<vmem>>) dst(%dma_wait3A_132 : memref<10000x128xf32, #tpu.memory_space<vmem_shared>>)
        tpu.yield
      }) : () -> ()
    } else {
    }
    %barrier3A_40 = arith.constant 0 : index
    tpu.barrier barrier_id(%barrier3A_40)
    %lt3A_41 = arith.constant 15 : i32
    %lt3A_42 = arith.cmpi slt, %arg1, %lt3A_41 : i32
    %convert_element_type3A_43 = arith.extui %lt3A_42 : i1 to i32
    %cond3A_44 = arith.constant 0 : i32
    %cond3A_45 = arith.cmpi ne, %convert_element_type3A_43, %cond3A_44 : i32
    scf.if %cond3A_45 {
      "tpu.region"() ({
        %run_scoped3A = tpu.sem_alloc : memref<!tpu.dma_semaphore, #tpu.memory_space<semaphore_mem>>
        %dma_start3A_120 = arith.constant 0 : i32
        %dma_start3A_121 = tpu.memref_slice %arg5[%arg0, %mul3A_2, %dma_start3A_120] : memref<2x10000x128xf32, #tpu.memory_space<hbm>> -> memref<1x624x128xf32, #tpu.memory_space<hbm>>
        %dma_start3A_122 = tpu.memref_squeeze %dma_start3A_121 : memref<1x624x128xf32, #tpu.memory_space<hbm>> -> memref<624x128xf32, #tpu.memory_space<hbm>>
        %dma_start3A_123 = arith.constant 0 : i32
        %dma_start3A_124 = tpu.memref_slice %arg16[%mul3A_2, %dma_start3A_123] : memref<10000x128xf32, #tpu.memory_space<vmem_shared>> -> memref<624x128xf32, #tpu.memory_space<vmem_shared>>
        tpu.enqueue_dma source(%dma_start3A_124 : memref<624x128xf32, #tpu.memory_space<vmem_shared>>) target(%dma_start3A_122 : memref<624x128xf32, #tpu.memory_space<hbm>>) target_semaphore(%run_scoped3A : memref<!tpu.dma_semaphore, #tpu.memory_space<semaphore_mem>>)
        %dma_wait3A_125 = arith.constant 0 : i32
        %dma_wait3A_126 = tpu.memref_slice %arg5[%arg0, %mul3A_2, %dma_wait3A_125] : memref<2x10000x128xf32, #tpu.memory_space<hbm>> -> memref<1x624x128xf32, #tpu.memory_space<hbm>>
        %dma_wait3A_127 = tpu.memref_squeeze %dma_wait3A_126 : memref<1x624x128xf32, #tpu.memory_space<hbm>> -> memref<624x128xf32, #tpu.memory_space<hbm>>
        %dma_wait3A_128 = arith.constant 0 : i32
        %dma_wait3A_129 = tpu.memref_slice %arg16[%mul3A_2, %dma_wait3A_128] : memref<10000x128xf32, #tpu.memory_space<vmem_shared>> -> memref<624x128xf32, #tpu.memory_space<vmem_shared>>
        tpu.wait_dma2 semaphore(%run_scoped3A : memref<!tpu.dma_semaphore, #tpu.memory_space<semaphore_mem>>) src(%dma_wait3A_129 : memref<624x128xf32, #tpu.memory_space<vmem_shared>>) dst(%dma_wait3A_127 : memref<624x128xf32, #tpu.memory_space<hbm>>)
        tpu.yield
      }) : () -> ()
    } else {
    }
    %eq3A_46 = arith.constant 15 : i32
    %eq3A_47 = arith.cmpi eq, %arg1, %eq3A_46 : i32
    %convert_element_type3A_48 = arith.extui %eq3A_47 : i1 to i32
    %cond3A_49 = arith.constant 0 : i32
    %cond3A_50 = arith.cmpi ne, %convert_element_type3A_48, %cond3A_49 : i32
    scf.if %cond3A_50 {
      "tpu.region"() ({
        %run_scoped3A = tpu.sem_alloc : memref<!tpu.dma_semaphore, #tpu.memory_space<semaphore_mem>>
        %dma_start3A_120 = arith.constant 9360 : i32
        %dma_start3A_121 = arith.constant 0 : i32
        %dma_start3A_122 = tpu.memref_slice %arg5[%arg0, %dma_start3A_120, %dma_start3A_121] : memref<2x10000x128xf32, #tpu.memory_space<hbm>> -> memref<1x640x128xf32, #tpu.memory_space<hbm>>
        %dma_start3A_123 = tpu.memref_squeeze %dma_start3A_122 : memref<1x640x128xf32, #tpu.memory_space<hbm>> -> memref<640x128xf32, #tpu.memory_space<hbm>>
        %dma_start3A_124 = arith.constant 9360 : i32
        %dma_start3A_125 = arith.constant 0 : i32
        %dma_start3A_126 = tpu.memref_slice %arg16[%dma_start3A_124, %dma_start3A_125] : memref<10000x128xf32, #tpu.memory_space<vmem_shared>> -> memref<640x128xf32, #tpu.memory_space<vmem_shared>>
        tpu.enqueue_dma source(%dma_start3A_126 : memref<640x128xf32, #tpu.memory_space<vmem_shared>>) target(%dma_start3A_123 : memref<640x128xf32, #tpu.memory_space<hbm>>) target_semaphore(%run_scoped3A : memref<!tpu.dma_semaphore, #tpu.memory_space<semaphore_mem>>)
        %dma_wait3A_127 = arith.constant 9360 : i32
        %dma_wait3A_128 = arith.constant 0 : i32
        %dma_wait3A_129 = tpu.memref_slice %arg5[%arg0, %dma_wait3A_127, %dma_wait3A_128] : memref<2x10000x128xf32, #tpu.memory_space<hbm>> -> memref<1x640x128xf32, #tpu.memory_space<hbm>>
        %dma_wait3A_130 = tpu.memref_squeeze %dma_wait3A_129 : memref<1x640x128xf32, #tpu.memory_space<hbm>> -> memref<640x128xf32, #tpu.memory_space<hbm>>
        %dma_wait3A_131 = arith.constant 9360 : i32
        %dma_wait3A_132 = arith.constant 0 : i32
        %dma_wait3A_133 = tpu.memref_slice %arg16[%dma_wait3A_131, %dma_wait3A_132] : memref<10000x128xf32, #tpu.memory_space<vmem_shared>> -> memref<640x128xf32, #tpu.memory_space<vmem_shared>>
        tpu.wait_dma2 semaphore(%run_scoped3A : memref<!tpu.dma_semaphore, #tpu.memory_space<semaphore_mem>>) src(%dma_wait3A_133 : memref<640x128xf32, #tpu.memory_space<vmem_shared>>) dst(%dma_wait3A_130 : memref<640x128xf32, #tpu.memory_space<hbm>>)
        tpu.yield
      }) : () -> ()
    } else {
    }
    %barrier3A_51 = arith.constant 0 : index
    tpu.barrier barrier_id(%barrier3A_51)
    %broadcast_in_dim3A_52 = arith.constant 0.000000e+00 : f32
    %broadcast_in_dim3A_53 = vector.broadcast %broadcast_in_dim3A_52 : f32 to vector<16xf32>
    %scan3A_54 = arith.constant 0 : i32
    %scan3A_55 = arith.constant 0 : i32
    %scan3A_56 = arith.constant 128 : i32
    %scan3A_57 = arith.addi %scan3A_55, %scan3A_56 : i32
    %scan3A_58 = arith.constant 1 : i32
    %scan3A_59 = scf.for %scan3A_120 = %scan3A_55 to %scan3A_57 step %scan3A_58 iter_args(%scan3A_121 = %scan3A_54) -> (i32)  : i32 {
      %swap3A = arith.index_cast %scan3A_120 : i32 to index
      %swap3A_122 = arith.constant 0 : index
      %swap3A_123 = tpu.vector_load %arg10[%swap3A, %swap3A_122] {strides = array<i32>} : memref<128x128xf32, #tpu.memory_space<vmem>>, vector<1x16xf32>,
      %swap3A_124 = vector.shape_cast %swap3A_123 : vector<1x16xf32> to vector<16xf32>
      %swap3A_125 = vector.shape_cast %broadcast_in_dim3A_53 : vector<16xf32> to vector<1x16xf32>
      tpu.vector_store %arg10[%swap3A, %swap3A_122], %swap3A_125 {strides = array<i32>} : memref<128x128xf32, #tpu.memory_space<vmem>>, vector<1x16xf32>,
      %swap3A_126 = arith.index_cast %scan3A_120 : i32 to index
      %swap3A_127 = arith.constant 16 : index
      %swap3A_128 = tpu.vector_load %arg10[%swap3A_126, %swap3A_127] {strides = array<i32>} : memref<128x128xf32, #tpu.memory_space<vmem>>, vector<1x16xf32>,
      %swap3A_129 = vector.shape_cast %swap3A_128 : vector<1x16xf32> to vector<16xf32>
      %swap3A_130 = vector.shape_cast %broadcast_in_dim3A_53 : vector<16xf32> to vector<1x16xf32>
      tpu.vector_store %arg10[%swap3A_126, %swap3A_127], %swap3A_130 {strides = array<i32>} : memref<128x128xf32, #tpu.memory_space<vmem>>, vector<1x16xf32>,
      %swap3A_131 = arith.index_cast %scan3A_120 : i32 to index
      %swap3A_132 = arith.constant 32 : index
      %swap3A_133 = tpu.vector_load %arg10[%swap3A_131, %swap3A_132] {strides = array<i32>} : memref<128x128xf32, #tpu.memory_space<vmem>>, vector<1x16xf32>,
      %swap3A_134 = vector.shape_cast %swap3A_133 : vector<1x16xf32> to vector<16xf32>
      %swap3A_135 = vector.shape_cast %broadcast_in_dim3A_53 : vector<16xf32> to vector<1x16xf32>
      tpu.vector_store %arg10[%swap3A_131, %swap3A_132], %swap3A_135 {strides = array<i32>} : memref<128x128xf32, #tpu.memory_space<vmem>>, vector<1x16xf32>,
      %swap3A_136 = arith.index_cast %scan3A_120 : i32 to index
      %swap3A_137 = arith.constant 48 : index
      %swap3A_138 = tpu.vector_load %arg10[%swap3A_136, %swap3A_137] {strides = array<i32>} : memref<128x128xf32, #tpu.memory_space<vmem>>, vector<1x16xf32>,
      %swap3A_139 = vector.shape_cast %swap3A_138 : vector<1x16xf32> to vector<16xf32>
      %swap3A_140 = vector.shape_cast %broadcast_in_dim3A_53 : vector<16xf32> to vector<1x16xf32>
      tpu.vector_store %arg10[%swap3A_136, %swap3A_137], %swap3A_140 {strides = array<i32>} : memref<128x128xf32, #tpu.memory_space<vmem>>, vector<1x16xf32>,
      %swap3A_141 = arith.index_cast %scan3A_120 : i32 to index
      %swap3A_142 = arith.constant 64 : index
      %swap3A_143 = tpu.vector_load %arg10[%swap3A_141, %swap3A_142] {strides = array<i32>} : memref<128x128xf32, #tpu.memory_space<vmem>>, vector<1x16xf32>,
      %swap3A_144 = vector.shape_cast %swap3A_143 : vector<1x16xf32> to vector<16xf32>
      %swap3A_145 = vector.shape_cast %broadcast_in_dim3A_53 : vector<16xf32> to vector<1x16xf32>
      tpu.vector_store %arg10[%swap3A_141, %swap3A_142], %swap3A_145 {strides = array<i32>} : memref<128x128xf32, #tpu.memory_space<vmem>>, vector<1x16xf32>,
      %swap3A_146 = arith.index_cast %scan3A_120 : i32 to index
      %swap3A_147 = arith.constant 80 : index
      %swap3A_148 = tpu.vector_load %arg10[%swap3A_146, %swap3A_147] {strides = array<i32>} : memref<128x128xf32, #tpu.memory_space<vmem>>, vector<1x16xf32>,
      %swap3A_149 = vector.shape_cast %swap3A_148 : vector<1x16xf32> to vector<16xf32>
      %swap3A_150 = vector.shape_cast %broadcast_in_dim3A_53 : vector<16xf32> to vector<1x16xf32>
      tpu.vector_store %arg10[%swap3A_146, %swap3A_147], %swap3A_150 {strides = array<i32>} : memref<128x128xf32, #tpu.memory_space<vmem>>, vector<1x16xf32>,
      %swap3A_151 = arith.index_cast %scan3A_120 : i32 to index
      %swap3A_152 = arith.constant 96 : index
      %swap3A_153 = tpu.vector_load %arg10[%swap3A_151, %swap3A_152] {strides = array<i32>} : memref<128x128xf32, #tpu.memory_space<vmem>>, vector<1x16xf32>,
      %swap3A_154 = vector.shape_cast %swap3A_153 : vector<1x16xf32> to vector<16xf32>
      %swap3A_155 = vector.shape_cast %broadcast_in_dim3A_53 : vector<16xf32> to vector<1x16xf32>
      tpu.vector_store %arg10[%swap3A_151, %swap3A_152], %swap3A_155 {strides = array<i32>} : memref<128x128xf32, #tpu.memory_space<vmem>>, vector<1x16xf32>,
      %swap3A_156 = arith.index_cast %scan3A_120 : i32 to index
      %swap3A_157 = arith.constant 112 : index
      %swap3A_158 = tpu.vector_load %arg10[%swap3A_156, %swap3A_157] {strides = array<i32>} : memref<128x128xf32, #tpu.memory_space<vmem>>, vector<1x16xf32>,
      %swap3A_159 = vector.shape_cast %swap3A_158 : vector<1x16xf32> to vector<16xf32>
      %swap3A_160 = vector.shape_cast %broadcast_in_dim3A_53 : vector<16xf32> to vector<1x16xf32>
      tpu.vector_store %arg10[%swap3A_156, %swap3A_157], %swap3A_160 {strides = array<i32>} : memref<128x128xf32, #tpu.memory_space<vmem>>, vector<1x16xf32>,
      %scan3A_161 = arith.constant 0 : i32
      scf.yield %scan3A_161 : i32
    }
    %scan3A_60 = arith.constant 128 : i32
    %lt3A_61 = arith.constant 15 : i32
    %lt3A_62 = arith.cmpi slt, %arg1, %lt3A_61 : i32
    %convert_element_type3A_63 = arith.extui %lt3A_62 : i1 to i32
    %cond3A_64 = arith.constant 0 : i32
    %cond3A_65 = arith.cmpi ne, %convert_element_type3A_63, %cond3A_64 : i32
    scf.if %cond3A_65 {
      %add3A_120 = arith.constant 0 : i32
      %add3A_121 = arith.addi %mul3A_2, %add3A_120 : i32
      %dma_start3A_122 = arith.constant 0 : i32
      %dma_start3A_123 = arith.constant 0 : i32
      %dma_start3A_124 = tpu.memref_slice %arg10[%dma_start3A_122, %dma_start3A_123] : memref<128x128xf32, #tpu.memory_space<vmem>> -> memref<128x128xf32, #tpu.memory_space<vmem>>
      %dma_start3A_125 = arith.constant 0 : i32
      %dma_start3A_126 = tpu.memref_slice %arg16[%add3A_121, %dma_start3A_125] : memref<10000x128xf32, #tpu.memory_space<vmem_shared>> -> memref<128x128xf32, #tpu.memory_space<vmem_shared>>
      %dma_start3A_127 = arith.constant 0 : i32
      %dma_start3A_128 = tpu.memref_slice %arg16[%add3A_121, %dma_start3A_127] : memref<10000x128xf32, #tpu.memory_space<vmem_shared>> -> memref<128x128xf32, #tpu.memory_space<vmem_shared>>
      %dma_start3A_129 = arith.constant 0 : i32
      %dma_start3A_130 = arith.constant 0 : i32
      %dma_start3A_131 = tpu.memref_slice %arg10[%dma_start3A_129, %dma_start3A_130] : memref<128x128xf32, #tpu.memory_space<vmem>> -> memref<128x128xf32, #tpu.memory_space<vmem>>
      tpu.enqueue_dma source(%dma_start3A_131 : memref<128x128xf32, #tpu.memory_space<vmem>>) target(%dma_start3A_128 : memref<128x128xf32, #tpu.memory_space<vmem_shared>>) target_semaphore(%arg12 : memref<!tpu.dma_semaphore, #tpu.memory_space<semaphore_mem>>)
      %add3A_132 = arith.constant 128 : i32
      %add3A_133 = arith.addi %mul3A_2, %add3A_132 : i32
      %dma_start3A_134 = arith.constant 0 : i32
      %dma_start3A_135 = arith.constant 0 : i32
      %dma_start3A_136 = tpu.memref_slice %arg10[%dma_start3A_134, %dma_start3A_135] : memref<128x128xf32, #tpu.memory_space<vmem>> -> memref<128x128xf32, #tpu.memory_space<vmem>>
      %dma_start3A_137 = arith.constant 0 : i32
      %dma_start3A_138 = tpu.memref_slice %arg16[%add3A_133, %dma_start3A_137] : memref<10000x128xf32, #tpu.memory_space<vmem_shared>> -> memref<128x128xf32, #tpu.memory_space<vmem_shared>>
      %dma_start3A_139 = arith.constant 0 : i32
      %dma_start3A_140 = tpu.memref_slice %arg16[%add3A_133, %dma_start3A_139] : memref<10000x128xf32, #tpu.memory_space<vmem_shared>> -> memref<128x128xf32, #tpu.memory_space<vmem_shared>>
      %dma_start3A_141 = arith.constant 0 : i32
      %dma_start3A_142 = arith.constant 0 : i32
      %dma_start3A_143 = tpu.memref_slice %arg10[%dma_start3A_141, %dma_start3A_142] : memref<128x128xf32, #tpu.memory_space<vmem>> -> memref<128x128xf32, #tpu.memory_space<vmem>>
      tpu.enqueue_dma source(%dma_start3A_143 : memref<128x128xf32, #tpu.memory_space<vmem>>) target(%dma_start3A_140 : memref<128x128xf32, #tpu.memory_space<vmem_shared>>) target_semaphore(%arg12 : memref<!tpu.dma_semaphore, #tpu.memory_space<semaphore_mem>>)
      %add3A_144 = arith.constant 256 : i32
      %add3A_145 = arith.addi %mul3A_2, %add3A_144 : i32
      %dma_start3A_146 = arith.constant 0 : i32
      %dma_start3A_147 = arith.constant 0 : i32
      %dma_start3A_148 = tpu.memref_slice %arg10[%dma_start3A_146, %dma_start3A_147] : memref<128x128xf32, #tpu.memory_space<vmem>> -> memref<128x128xf32, #tpu.memory_space<vmem>>
      %dma_start3A_149 = arith.constant 0 : i32
      %dma_start3A_150 = tpu.memref_slice %arg16[%add3A_145, %dma_start3A_149] : memref<10000x128xf32, #tpu.memory_space<vmem_shared>> -> memref<128x128xf32, #tpu.memory_space<vmem_shared>>
      %dma_start3A_151 = arith.constant 0 : i32
      %dma_start3A_152 = tpu.memref_slice %arg16[%add3A_145, %dma_start3A_151] : memref<10000x128xf32, #tpu.memory_space<vmem_shared>> -> memref<128x128xf32, #tpu.memory_space<vmem_shared>>
      %dma_start3A_153 = arith.constant 0 : i32
      %dma_start3A_154 = arith.constant 0 : i32
      %dma_start3A_155 = tpu.memref_slice %arg10[%dma_start3A_153, %dma_start3A_154] : memref<128x128xf32, #tpu.memory_space<vmem>> -> memref<128x128xf32, #tpu.memory_space<vmem>>
      tpu.enqueue_dma source(%dma_start3A_155 : memref<128x128xf32, #tpu.memory_space<vmem>>) target(%dma_start3A_152 : memref<128x128xf32, #tpu.memory_space<vmem_shared>>) target_semaphore(%arg12 : memref<!tpu.dma_semaphore, #tpu.memory_space<semaphore_mem>>)
      %add3A_156 = arith.constant 384 : i32
      %add3A_157 = arith.addi %mul3A_2, %add3A_156 : i32
      %dma_start3A_158 = arith.constant 0 : i32
      %dma_start3A_159 = arith.constant 0 : i32
      %dma_start3A_160 = tpu.memref_slice %arg10[%dma_start3A_158, %dma_start3A_159] : memref<128x128xf32, #tpu.memory_space<vmem>> -> memref<128x128xf32, #tpu.memory_space<vmem>>
      %dma_start3A_161 = arith.constant 0 : i32
      %dma_start3A_162 = tpu.memref_slice %arg16[%add3A_157, %dma_start3A_161] : memref<10000x128xf32, #tpu.memory_space<vmem_shared>> -> memref<128x128xf32, #tpu.memory_space<vmem_shared>>
      %dma_start3A_163 = arith.constant 0 : i32
      %dma_start3A_164 = tpu.memref_slice %arg16[%add3A_157, %dma_start3A_163] : memref<10000x128xf32, #tpu.memory_space<vmem_shared>> -> memref<128x128xf32, #tpu.memory_space<vmem_shared>>
      %dma_start3A_165 = arith.constant 0 : i32
      %dma_start3A_166 = arith.constant 0 : i32
      %dma_start3A_167 = tpu.memref_slice %arg10[%dma_start3A_165, %dma_start3A_166] : memref<128x128xf32, #tpu.memory_space<vmem>> -> memref<128x128xf32, #tpu.memory_space<vmem>>
      tpu.enqueue_dma source(%dma_start3A_167 : memref<128x128xf32, #tpu.memory_space<vmem>>) target(%dma_start3A_164 : memref<128x128xf32, #tpu.memory_space<vmem_shared>>) target_semaphore(%arg12 : memref<!tpu.dma_semaphore, #tpu.memory_space<semaphore_mem>>)
      %add3A_168 = arith.constant 512 : i32
      %add3A_169 = arith.addi %mul3A_2, %add3A_168 : i32
      %dma_start3A_170 = arith.constant 0 : i32
      %dma_start3A_171 = arith.constant 0 : i32
      %dma_start3A_172 = tpu.memref_slice %arg10[%dma_start3A_170, %dma_start3A_171] : memref<128x128xf32, #tpu.memory_space<vmem>> -> memref<112x128xf32, #tpu.memory_space<vmem>>
      %dma_start3A_173 = arith.constant 0 : i32
      %dma_start3A_174 = tpu.memref_slice %arg16[%add3A_169, %dma_start3A_173] : memref<10000x128xf32, #tpu.memory_space<vmem_shared>> -> memref<112x128xf32, #tpu.memory_space<vmem_shared>>
      %dma_start3A_175 = arith.constant 0 : i32
      %dma_start3A_176 = tpu.memref_slice %arg16[%add3A_169, %dma_start3A_175] : memref<10000x128xf32, #tpu.memory_space<vmem_shared>> -> memref<112x128xf32, #tpu.memory_space<vmem_shared>>
      %dma_start3A_177 = arith.constant 0 : i32
      %dma_start3A_178 = arith.constant 0 : i32
      %dma_start3A_179 = tpu.memref_slice %arg10[%dma_start3A_177, %dma_start3A_178] : memref<128x128xf32, #tpu.memory_space<vmem>> -> memref<112x128xf32, #tpu.memory_space<vmem>>
      tpu.enqueue_dma source(%dma_start3A_179 : memref<112x128xf32, #tpu.memory_space<vmem>>) target(%dma_start3A_176 : memref<112x128xf32, #tpu.memory_space<vmem_shared>>) target_semaphore(%arg12 : memref<!tpu.dma_semaphore, #tpu.memory_space<semaphore_mem>>)
      %dma_wait3A_180 = arith.constant 0 : i32
      %dma_wait3A_181 = arith.constant 0 : i32
      %dma_wait3A_182 = tpu.memref_slice %arg10[%dma_wait3A_180, %dma_wait3A_181] : memref<128x128xf32, #tpu.memory_space<vmem>> -> memref<128x128xf32, #tpu.memory_space<vmem>>
      %dma_wait3A_183 = arith.constant 0 : i32
      %dma_wait3A_184 = tpu.memref_slice %arg16[%mul3A_2, %dma_wait3A_183] : memref<10000x128xf32, #tpu.memory_space<vmem_shared>> -> memref<128x128xf32, #tpu.memory_space<vmem_shared>>
      %dma_wait3A_185 = arith.constant 0 : i32
      %dma_wait3A_186 = tpu.memref_slice %arg16[%mul3A_2, %dma_wait3A_185] : memref<10000x128xf32, #tpu.memory_space<vmem_shared>> -> memref<128x128xf32, #tpu.memory_space<vmem_shared>>
      %dma_wait3A_187 = arith.constant 0 : i32
      %dma_wait3A_188 = arith.constant 0 : i32
      %dma_wait3A_189 = tpu.memref_slice %arg10[%dma_wait3A_187, %dma_wait3A_188] : memref<128x128xf32, #tpu.memory_space<vmem>> -> memref<128x128xf32, #tpu.memory_space<vmem>>
      tpu.wait_dma2 semaphore(%arg12 : memref<!tpu.dma_semaphore, #tpu.memory_space<semaphore_mem>>) src(%dma_wait3A_189 : memref<128x128xf32, #tpu.memory_space<vmem>>) dst(%dma_wait3A_186 : memref<128x128xf32, #tpu.memory_space<vmem_shared>>)
      %dma_wait3A_190 = arith.constant 0 : i32
      %dma_wait3A_191 = arith.constant 0 : i32
      %dma_wait3A_192 = tpu.memref_slice %arg10[%dma_wait3A_190, %dma_wait3A_191] : memref<128x128xf32, #tpu.memory_space<vmem>> -> memref<128x128xf32, #tpu.memory_space<vmem>>
      %dma_wait3A_193 = arith.constant 0 : i32
      %dma_wait3A_194 = tpu.memref_slice %arg16[%mul3A_2, %dma_wait3A_193] : memref<10000x128xf32, #tpu.memory_space<vmem_shared>> -> memref<128x128xf32, #tpu.memory_space<vmem_shared>>
      %dma_wait3A_195 = arith.constant 0 : i32
      %dma_wait3A_196 = tpu.memref_slice %arg16[%mul3A_2, %dma_wait3A_195] : memref<10000x128xf32, #tpu.memory_space<vmem_shared>> -> memref<128x128xf32, #tpu.memory_space<vmem_shared>>
      %dma_wait3A_197 = arith.constant 0 : i32
      %dma_wait3A_198 = arith.constant 0 : i32
      %dma_wait3A_199 = tpu.memref_slice %arg10[%dma_wait3A_197, %dma_wait3A_198] : memref<128x128xf32, #tpu.memory_space<vmem>> -> memref<128x128xf32, #tpu.memory_space<vmem>>
      tpu.wait_dma2 semaphore(%arg12 : memref<!tpu.dma_semaphore, #tpu.memory_space<semaphore_mem>>) src(%dma_wait3A_199 : memref<128x128xf32, #tpu.memory_space<vmem>>) dst(%dma_wait3A_196 : memref<128x128xf32, #tpu.memory_space<vmem_shared>>)
      %dma_wait3A_200 = arith.constant 0 : i32
      %dma_wait3A_201 = arith.constant 0 : i32
      %dma_wait3A_202 = tpu.memref_slice %arg10[%dma_wait3A_200, %dma_wait3A_201] : memref<128x128xf32, #tpu.memory_space<vmem>> -> memref<128x128xf32, #tpu.memory_space<vmem>>
      %dma_wait3A_203 = arith.constant 0 : i32
      %dma_wait3A_204 = tpu.memref_slice %arg16[%mul3A_2, %dma_wait3A_203] : memref<10000x128xf32, #tpu.memory_space<vmem_shared>> -> memref<128x128xf32, #tpu.memory_space<vmem_shared>>
      %dma_wait3A_205 = arith.constant 0 : i32
      %dma_wait3A_206 = tpu.memref_slice %arg16[%mul3A_2, %dma_wait3A_205] : memref<10000x128xf32, #tpu.memory_space<vmem_shared>> -> memref<128x128xf32, #tpu.memory_space<vmem_shared>>
      %dma_wait3A_207 = arith.constant 0 : i32
      %dma_wait3A_208 = arith.constant 0 : i32
      %dma_wait3A_209 = tpu.memref_slice %arg10[%dma_wait3A_207, %dma_wait3A_208] : memref<128x128xf32, #tpu.memory_space<vmem>> -> memref<128x128xf32, #tpu.memory_space<vmem>>
      tpu.wait_dma2 semaphore(%arg12 : memref<!tpu.dma_semaphore, #tpu.memory_space<semaphore_mem>>) src(%dma_wait3A_209 : memref<128x128xf32, #tpu.memory_space<vmem>>) dst(%dma_wait3A_206 : memref<128x128xf32, #tpu.memory_space<vmem_shared>>)
      %dma_wait3A_210 = arith.constant 0 : i32
      %dma_wait3A_211 = arith.constant 0 : i32
      %dma_wait3A_212 = tpu.memref_slice %arg10[%dma_wait3A_210, %dma_wait3A_211] : memref<128x128xf32, #tpu.memory_space<vmem>> -> memref<128x128xf32, #tpu.memory_space<vmem>>
      %dma_wait3A_213 = arith.constant 0 : i32
      %dma_wait3A_214 = tpu.memref_slice %arg16[%mul3A_2, %dma_wait3A_213] : memref<10000x128xf32, #tpu.memory_space<vmem_shared>> -> memref<128x128xf32, #tpu.memory_space<vmem_shared>>
      %dma_wait3A_215 = arith.constant 0 : i32
      %dma_wait3A_216 = tpu.memref_slice %arg16[%mul3A_2, %dma_wait3A_215] : memref<10000x128xf32, #tpu.memory_space<vmem_shared>> -> memref<128x128xf32, #tpu.memory_space<vmem_shared>>
      %dma_wait3A_217 = arith.constant 0 : i32
      %dma_wait3A_218 = arith.constant 0 : i32
      %dma_wait3A_219 = tpu.memref_slice %arg10[%dma_wait3A_217, %dma_wait3A_218] : memref<128x128xf32, #tpu.memory_space<vmem>> -> memref<128x128xf32, #tpu.memory_space<vmem>>
      tpu.wait_dma2 semaphore(%arg12 : memref<!tpu.dma_semaphore, #tpu.memory_space<semaphore_mem>>) src(%dma_wait3A_219 : memref<128x128xf32, #tpu.memory_space<vmem>>) dst(%dma_wait3A_216 : memref<128x128xf32, #tpu.memory_space<vmem_shared>>)
      %dma_wait3A_220 = arith.constant 0 : i32
      %dma_wait3A_221 = arith.constant 0 : i32
      %dma_wait3A_222 = tpu.memref_slice %arg10[%dma_wait3A_220, %dma_wait3A_221] : memref<128x128xf32, #tpu.memory_space<vmem>> -> memref<112x128xf32, #tpu.memory_space<vmem>>
      %dma_wait3A_223 = arith.constant 0 : i32
      %dma_wait3A_224 = tpu.memref_slice %arg16[%mul3A_2, %dma_wait3A_223] : memref<10000x128xf32, #tpu.memory_space<vmem_shared>> -> memref<112x128xf32, #tpu.memory_space<vmem_shared>>
      %dma_wait3A_225 = arith.constant 0 : i32
      %dma_wait3A_226 = tpu.memref_slice %arg16[%mul3A_2, %dma_wait3A_225] : memref<10000x128xf32, #tpu.memory_space<vmem_shared>> -> memref<112x128xf32, #tpu.memory_space<vmem_shared>>
      %dma_wait3A_227 = arith.constant 0 : i32
      %dma_wait3A_228 = arith.constant 0 : i32
      %dma_wait3A_229 = tpu.memref_slice %arg10[%dma_wait3A_227, %dma_wait3A_228] : memref<128x128xf32, #tpu.memory_space<vmem>> -> memref<112x128xf32, #tpu.memory_space<vmem>>
      tpu.wait_dma2 semaphore(%arg12 : memref<!tpu.dma_semaphore, #tpu.memory_space<semaphore_mem>>) src(%dma_wait3A_229 : memref<112x128xf32, #tpu.memory_space<vmem>>) dst(%dma_wait3A_226 : memref<112x128xf32, #tpu.memory_space<vmem_shared>>)
    } else {
    }
    %eq3A_66 = arith.constant 15 : i32
    %eq3A_67 = arith.cmpi eq, %arg1, %eq3A_66 : i32
    %convert_element_type3A_68 = arith.extui %eq3A_67 : i1 to i32
    %cond3A_69 = arith.constant 0 : i32
    %cond3A_70 = arith.cmpi ne, %convert_element_type3A_68, %cond3A_69 : i32
    scf.if %cond3A_70 {
      %dma_start3A_120 = arith.constant 0 : i32
      %dma_start3A_121 = arith.constant 0 : i32
      %dma_start3A_122 = tpu.memref_slice %arg10[%dma_start3A_120, %dma_start3A_121] : memref<128x128xf32, #tpu.memory_space<vmem>> -> memref<128x128xf32, #tpu.memory_space<vmem>>
      %dma_start3A_123 = arith.constant 9360 : i32
      %dma_start3A_124 = arith.constant 0 : i32
      %dma_start3A_125 = tpu.memref_slice %arg16[%dma_start3A_123, %dma_start3A_124] : memref<10000x128xf32, #tpu.memory_space<vmem_shared>> -> memref<128x128xf32, #tpu.memory_space<vmem_shared>>
      %dma_start3A_126 = arith.constant 9360 : i32
      %dma_start3A_127 = arith.constant 0 : i32
      %dma_start3A_128 = tpu.memref_slice %arg16[%dma_start3A_126, %dma_start3A_127] : memref<10000x128xf32, #tpu.memory_space<vmem_shared>> -> memref<128x128xf32, #tpu.memory_space<vmem_shared>>
      %dma_start3A_129 = arith.constant 0 : i32
      %dma_start3A_130 = arith.constant 0 : i32
      %dma_start3A_131 = tpu.memref_slice %arg10[%dma_start3A_129, %dma_start3A_130] : memref<128x128xf32, #tpu.memory_space<vmem>> -> memref<128x128xf32, #tpu.memory_space<vmem>>
      tpu.enqueue_dma source(%dma_start3A_131 : memref<128x128xf32, #tpu.memory_space<vmem>>) target(%dma_start3A_128 : memref<128x128xf32, #tpu.memory_space<vmem_shared>>) target_semaphore(%arg12 : memref<!tpu.dma_semaphore, #tpu.memory_space<semaphore_mem>>)
      %dma_start3A_132 = arith.constant 0 : i32
      %dma_start3A_133 = arith.constant 0 : i32
      %dma_start3A_134 = tpu.memref_slice %arg10[%dma_start3A_132, %dma_start3A_133] : memref<128x128xf32, #tpu.memory_space<vmem>> -> memref<128x128xf32, #tpu.memory_space<vmem>>
      %dma_start3A_135 = arith.constant 9488 : i32
      %dma_start3A_136 = arith.constant 0 : i32
      %dma_start3A_137 = tpu.memref_slice %arg16[%dma_start3A_135, %dma_start3A_136] : memref<10000x128xf32, #tpu.memory_space<vmem_shared>> -> memref<128x128xf32, #tpu.memory_space<vmem_shared>>
      %dma_start3A_138 = arith.constant 9488 : i32
      %dma_start3A_139 = arith.constant 0 : i32
      %dma_start3A_140 = tpu.memref_slice %arg16[%dma_start3A_138, %dma_start3A_139] : memref<10000x128xf32, #tpu.memory_space<vmem_shared>> -> memref<128x128xf32, #tpu.memory_space<vmem_shared>>
      %dma_start3A_141 = arith.constant 0 : i32
      %dma_start3A_142 = arith.constant 0 : i32
      %dma_start3A_143 = tpu.memref_slice %arg10[%dma_start3A_141, %dma_start3A_142] : memref<128x128xf32, #tpu.memory_space<vmem>> -> memref<128x128xf32, #tpu.memory_space<vmem>>
      tpu.enqueue_dma source(%dma_start3A_143 : memref<128x128xf32, #tpu.memory_space<vmem>>) target(%dma_start3A_140 : memref<128x128xf32, #tpu.memory_space<vmem_shared>>) target_semaphore(%arg12 : memref<!tpu.dma_semaphore, #tpu.memory_space<semaphore_mem>>)
      %dma_start3A_144 = arith.constant 0 : i32
      %dma_start3A_145 = arith.constant 0 : i32
      %dma_start3A_146 = tpu.memref_slice %arg10[%dma_start3A_144, %dma_start3A_145] : memref<128x128xf32, #tpu.memory_space<vmem>> -> memref<128x128xf32, #tpu.memory_space<vmem>>
      %dma_start3A_147 = arith.constant 9616 : i32
      %dma_start3A_148 = arith.constant 0 : i32
      %dma_start3A_149 = tpu.memref_slice %arg16[%dma_start3A_147, %dma_start3A_148] : memref<10000x128xf32, #tpu.memory_space<vmem_shared>> -> memref<128x128xf32, #tpu.memory_space<vmem_shared>>
      %dma_start3A_150 = arith.constant 9616 : i32
      %dma_start3A_151 = arith.constant 0 : i32
      %dma_start3A_152 = tpu.memref_slice %arg16[%dma_start3A_150, %dma_start3A_151] : memref<10000x128xf32, #tpu.memory_space<vmem_shared>> -> memref<128x128xf32, #tpu.memory_space<vmem_shared>>
      %dma_start3A_153 = arith.constant 0 : i32
      %dma_start3A_154 = arith.constant 0 : i32
      %dma_start3A_155 = tpu.memref_slice %arg10[%dma_start3A_153, %dma_start3A_154] : memref<128x128xf32, #tpu.memory_space<vmem>> -> memref<128x128xf32, #tpu.memory_space<vmem>>
      tpu.enqueue_dma source(%dma_start3A_155 : memref<128x128xf32, #tpu.memory_space<vmem>>) target(%dma_start3A_152 : memref<128x128xf32, #tpu.memory_space<vmem_shared>>) target_semaphore(%arg12 : memref<!tpu.dma_semaphore, #tpu.memory_space<semaphore_mem>>)
      %dma_start3A_156 = arith.constant 0 : i32
      %dma_start3A_157 = arith.constant 0 : i32
      %dma_start3A_158 = tpu.memref_slice %arg10[%dma_start3A_156, %dma_start3A_157] : memref<128x128xf32, #tpu.memory_space<vmem>> -> memref<128x128xf32, #tpu.memory_space<vmem>>
      %dma_start3A_159 = arith.constant 9744 : i32
      %dma_start3A_160 = arith.constant 0 : i32
      %dma_start3A_161 = tpu.memref_slice %arg16[%dma_start3A_159, %dma_start3A_160] : memref<10000x128xf32, #tpu.memory_space<vmem_shared>> -> memref<128x128xf32, #tpu.memory_space<vmem_shared>>
      %dma_start3A_162 = arith.constant 9744 : i32
      %dma_start3A_163 = arith.constant 0 : i32
      %dma_start3A_164 = tpu.memref_slice %arg16[%dma_start3A_162, %dma_start3A_163] : memref<10000x128xf32, #tpu.memory_space<vmem_shared>> -> memref<128x128xf32, #tpu.memory_space<vmem_shared>>
      %dma_start3A_165 = arith.constant 0 : i32
      %dma_start3A_166 = arith.constant 0 : i32
      %dma_start3A_167 = tpu.memref_slice %arg10[%dma_start3A_165, %dma_start3A_166] : memref<128x128xf32, #tpu.memory_space<vmem>> -> memref<128x128xf32, #tpu.memory_space<vmem>>
      tpu.enqueue_dma source(%dma_start3A_167 : memref<128x128xf32, #tpu.memory_space<vmem>>) target(%dma_start3A_164 : memref<128x128xf32, #tpu.memory_space<vmem_shared>>) target_semaphore(%arg12 : memref<!tpu.dma_semaphore, #tpu.memory_space<semaphore_mem>>)
      %dma_start3A_168 = arith.constant 0 : i32
      %dma_start3A_169 = arith.constant 0 : i32
      %dma_start3A_170 = tpu.memref_slice %arg10[%dma_start3A_168, %dma_start3A_169] : memref<128x128xf32, #tpu.memory_space<vmem>> -> memref<128x128xf32, #tpu.memory_space<vmem>>
      %dma_start3A_171 = arith.constant 9872 : i32
      %dma_start3A_172 = arith.constant 0 : i32
      %dma_start3A_173 = tpu.memref_slice %arg16[%dma_start3A_171, %dma_start3A_172] : memref<10000x128xf32, #tpu.memory_space<vmem_shared>> -> memref<128x128xf32, #tpu.memory_space<vmem_shared>>
      %dma_start3A_174 = arith.constant 9872 : i32
      %dma_start3A_175 = arith.constant 0 : i32
      %dma_start3A_176 = tpu.memref_slice %arg16[%dma_start3A_174, %dma_start3A_175] : memref<10000x128xf32, #tpu.memory_space<vmem_shared>> -> memref<128x128xf32, #tpu.memory_space<vmem_shared>>
      %dma_start3A_177 = arith.constant 0 : i32
      %dma_start3A_178 = arith.constant 0 : i32
      %dma_start3A_179 = tpu.memref_slice %arg10[%dma_start3A_177, %dma_start3A_178] : memref<128x128xf32, #tpu.memory_space<vmem>> -> memref<128x128xf32, #tpu.memory_space<vmem>>
      tpu.enqueue_dma source(%dma_start3A_179 : memref<128x128xf32, #tpu.memory_space<vmem>>) target(%dma_start3A_176 : memref<128x128xf32, #tpu.memory_space<vmem_shared>>) target_semaphore(%arg12 : memref<!tpu.dma_semaphore, #tpu.memory_space<semaphore_mem>>)
      %dma_wait3A_180 = arith.constant 0 : i32
      %dma_wait3A_181 = arith.constant 0 : i32
      %dma_wait3A_182 = tpu.memref_slice %arg10[%dma_wait3A_180, %dma_wait3A_181] : memref<128x128xf32, #tpu.memory_space<vmem>> -> memref<128x128xf32, #tpu.memory_space<vmem>>
      %dma_wait3A_183 = arith.constant 9360 : i32
      %dma_wait3A_184 = arith.constant 0 : i32
      %dma_wait3A_185 = tpu.memref_slice %arg16[%dma_wait3A_183, %dma_wait3A_184] : memref<10000x128xf32, #tpu.memory_space<vmem_shared>> -> memref<128x128xf32, #tpu.memory_space<vmem_shared>>
      %dma_wait3A_186 = arith.constant 9360 : i32
      %dma_wait3A_187 = arith.constant 0 : i32
      %dma_wait3A_188 = tpu.memref_slice %arg16[%dma_wait3A_186, %dma_wait3A_187] : memref<10000x128xf32, #tpu.memory_space<vmem_shared>> -> memref<128x128xf32, #tpu.memory_space<vmem_shared>>
      %dma_wait3A_189 = arith.constant 0 : i32
      %dma_wait3A_190 = arith.constant 0 : i32
      %dma_wait3A_191 = tpu.memref_slice %arg10[%dma_wait3A_189, %dma_wait3A_190] : memref<128x128xf32, #tpu.memory_space<vmem>> -> memref<128x128xf32, #tpu.memory_space<vmem>>
      tpu.wait_dma2 semaphore(%arg12 : memref<!tpu.dma_semaphore, #tpu.memory_space<semaphore_mem>>) src(%dma_wait3A_191 : memref<128x128xf32, #tpu.memory_space<vmem>>) dst(%dma_wait3A_188 : memref<128x128xf32, #tpu.memory_space<vmem_shared>>)
      %dma_wait3A_192 = arith.constant 0 : i32
      %dma_wait3A_193 = arith.constant 0 : i32
      %dma_wait3A_194 = tpu.memref_slice %arg10[%dma_wait3A_192, %dma_wait3A_193] : memref<128x128xf32, #tpu.memory_space<vmem>> -> memref<128x128xf32, #tpu.memory_space<vmem>>
      %dma_wait3A_195 = arith.constant 9360 : i32
      %dma_wait3A_196 = arith.constant 0 : i32
      %dma_wait3A_197 = tpu.memref_slice %arg16[%dma_wait3A_195, %dma_wait3A_196] : memref<10000x128xf32, #tpu.memory_space<vmem_shared>> -> memref<128x128xf32, #tpu.memory_space<vmem_shared>>
      %dma_wait3A_198 = arith.constant 9360 : i32
      %dma_wait3A_199 = arith.constant 0 : i32
      %dma_wait3A_200 = tpu.memref_slice %arg16[%dma_wait3A_198, %dma_wait3A_199] : memref<10000x128xf32, #tpu.memory_space<vmem_shared>> -> memref<128x128xf32, #tpu.memory_space<vmem_shared>>
      %dma_wait3A_201 = arith.constant 0 : i32
      %dma_wait3A_202 = arith.constant 0 : i32
      %dma_wait3A_203 = tpu.memref_slice %arg10[%dma_wait3A_201, %dma_wait3A_202] : memref<128x128xf32, #tpu.memory_space<vmem>> -> memref<128x128xf32, #tpu.memory_space<vmem>>
      tpu.wait_dma2 semaphore(%arg12 : memref<!tpu.dma_semaphore, #tpu.memory_space<semaphore_mem>>) src(%dma_wait3A_203 : memref<128x128xf32, #tpu.memory_space<vmem>>) dst(%dma_wait3A_200 : memref<128x128xf32, #tpu.memory_space<vmem_shared>>)
      %dma_wait3A_204 = arith.constant 0 : i32
      %dma_wait3A_205 = arith.constant 0 : i32
      %dma_wait3A_206 = tpu.memref_slice %arg10[%dma_wait3A_204, %dma_wait3A_205] : memref<128x128xf32, #tpu.memory_space<vmem>> -> memref<128x128xf32, #tpu.memory_space<vmem>>
      %dma_wait3A_207 = arith.constant 9360 : i32
      %dma_wait3A_208 = arith.constant 0 : i32
      %dma_wait3A_209 = tpu.memref_slice %arg16[%dma_wait3A_207, %dma_wait3A_208] : memref<10000x128xf32, #tpu.memory_space<vmem_shared>> -> memref<128x128xf32, #tpu.memory_space<vmem_shared>>
      %dma_wait3A_210 = arith.constant 9360 : i32
      %dma_wait3A_211 = arith.constant 0 : i32
      %dma_wait3A_212 = tpu.memref_slice %arg16[%dma_wait3A_210, %dma_wait3A_211] : memref<10000x128xf32, #tpu.memory_space<vmem_shared>> -> memref<128x128xf32, #tpu.memory_space<vmem_shared>>
      %dma_wait3A_213 = arith.constant 0 : i32
      %dma_wait3A_214 = arith.constant 0 : i32
      %dma_wait3A_215 = tpu.memref_slice %arg10[%dma_wait3A_213, %dma_wait3A_214] : memref<128x128xf32, #tpu.memory_space<vmem>> -> memref<128x128xf32, #tpu.memory_space<vmem>>
      tpu.wait_dma2 semaphore(%arg12 : memref<!tpu.dma_semaphore, #tpu.memory_space<semaphore_mem>>) src(%dma_wait3A_215 : memref<128x128xf32, #tpu.memory_space<vmem>>) dst(%dma_wait3A_212 : memref<128x128xf32, #tpu.memory_space<vmem_shared>>)
      %dma_wait3A_216 = arith.constant 0 : i32
      %dma_wait3A_217 = arith.constant 0 : i32
      %dma_wait3A_218 = tpu.memref_slice %arg10[%dma_wait3A_216, %dma_wait3A_217] : memref<128x128xf32, #tpu.memory_space<vmem>> -> memref<128x128xf32, #tpu.memory_space<vmem>>
      %dma_wait3A_219 = arith.constant 9360 : i32
      %dma_wait3A_220 = arith.constant 0 : i32
      %dma_wait3A_221 = tpu.memref_slice %arg16[%dma_wait3A_219, %dma_wait3A_220] : memref<10000x128xf32, #tpu.memory_space<vmem_shared>> -> memref<128x128xf32, #tpu.memory_space<vmem_shared>>
      %dma_wait3A_222 = arith.constant 9360 : i32
      %dma_wait3A_223 = arith.constant 0 : i32
      %dma_wait3A_224 = tpu.memref_slice %arg16[%dma_wait3A_222, %dma_wait3A_223] : memref<10000x128xf32, #tpu.memory_space<vmem_shared>> -> memref<128x128xf32, #tpu.memory_space<vmem_shared>>
      %dma_wait3A_225 = arith.constant 0 : i32
      %dma_wait3A_226 = arith.constant 0 : i32
      %dma_wait3A_227 = tpu.memref_slice %arg10[%dma_wait3A_225, %dma_wait3A_226] : memref<128x128xf32, #tpu.memory_space<vmem>> -> memref<128x128xf32, #tpu.memory_space<vmem>>
      tpu.wait_dma2 semaphore(%arg12 : memref<!tpu.dma_semaphore, #tpu.memory_space<semaphore_mem>>) src(%dma_wait3A_227 : memref<128x128xf32, #tpu.memory_space<vmem>>) dst(%dma_wait3A_224 : memref<128x128xf32, #tpu.memory_space<vmem_shared>>)
      %dma_wait3A_228 = arith.constant 0 : i32
      %dma_wait3A_229 = arith.constant 0 : i32
      %dma_wait3A_230 = tpu.memref_slice %arg10[%dma_wait3A_228, %dma_wait3A_229] : memref<128x128xf32, #tpu.memory_space<vmem>> -> memref<128x128xf32, #tpu.memory_space<vmem>>
      %dma_wait3A_231 = arith.constant 9360 : i32
      %dma_wait3A_232 = arith.constant 0 : i32
      %dma_wait3A_233 = tpu.memref_slice %arg16[%dma_wait3A_231, %dma_wait3A_232] : memref<10000x128xf32, #tpu.memory_space<vmem_shared>> -> memref<128x128xf32, #tpu.memory_space<vmem_shared>>
      %dma_wait3A_234 = arith.constant 9360 : i32
      %dma_wait3A_235 = arith.constant 0 : i32
      %dma_wait3A_236 = tpu.memref_slice %arg16[%dma_wait3A_234, %dma_wait3A_235] : memref<10000x128xf32, #tpu.memory_space<vmem_shared>> -> memref<128x128xf32, #tpu.memory_space<vmem_shared>>
      %dma_wait3A_237 = arith.constant 0 : i32
      %dma_wait3A_238 = arith.constant 0 : i32
      %dma_wait3A_239 = tpu.memref_slice %arg10[%dma_wait3A_237, %dma_wait3A_238] : memref<128x128xf32, #tpu.memory_space<vmem>> -> memref<128x128xf32, #tpu.memory_space<vmem>>
      tpu.wait_dma2 semaphore(%arg12 : memref<!tpu.dma_semaphore, #tpu.memory_space<semaphore_mem>>) src(%dma_wait3A_239 : memref<128x128xf32, #tpu.memory_space<vmem>>) dst(%dma_wait3A_236 : memref<128x128xf32, #tpu.memory_space<vmem_shared>>)
    } else {
    }
    %broadcast_in_dim3A_71 = arith.constant 1.000000e+00 : f32
    %broadcast_in_dim3A_72 = vector.broadcast %broadcast_in_dim3A_71 : f32 to vector<16xf32>
    %scan3A_73 = arith.constant 0 : i32
    %scan3A_74 = arith.constant 0 : i32
    %scan3A_75 = arith.constant 128 : i32
    %scan3A_76 = arith.addi %scan3A_74, %scan3A_75 : i32
    %scan3A_77 = arith.constant 1 : i32
    %scan3A_78 = scf.for %scan3A_120 = %scan3A_74 to %scan3A_76 step %scan3A_77 iter_args(%scan3A_121 = %scan3A_73) -> (i32)  : i32 {
      %swap3A = arith.index_cast %scan3A_120 : i32 to index
      %swap3A_122 = arith.constant 0 : index
      %swap3A_123 = tpu.vector_load %arg10[%swap3A, %swap3A_122] {strides = array<i32>} : memref<128x128xf32, #tpu.memory_space<vmem>>, vector<1x16xf32>,
      %swap3A_124 = vector.shape_cast %swap3A_123 : vector<1x16xf32> to vector<16xf32>
      %swap3A_125 = vector.shape_cast %broadcast_in_dim3A_72 : vector<16xf32> to vector<1x16xf32>
      tpu.vector_store %arg10[%swap3A, %swap3A_122], %swap3A_125 {strides = array<i32>} : memref<128x128xf32, #tpu.memory_space<vmem>>, vector<1x16xf32>,
      %swap3A_126 = arith.index_cast %scan3A_120 : i32 to index
      %swap3A_127 = arith.constant 16 : index
      %swap3A_128 = tpu.vector_load %arg10[%swap3A_126, %swap3A_127] {strides = array<i32>} : memref<128x128xf32, #tpu.memory_space<vmem>>, vector<1x16xf32>,
      %swap3A_129 = vector.shape_cast %swap3A_128 : vector<1x16xf32> to vector<16xf32>
      %swap3A_130 = vector.shape_cast %broadcast_in_dim3A_72 : vector<16xf32> to vector<1x16xf32>
      tpu.vector_store %arg10[%swap3A_126, %swap3A_127], %swap3A_130 {strides = array<i32>} : memref<128x128xf32, #tpu.memory_space<vmem>>, vector<1x16xf32>,
      %swap3A_131 = arith.index_cast %scan3A_120 : i32 to index
      %swap3A_132 = arith.constant 32 : index
      %swap3A_133 = tpu.vector_load %arg10[%swap3A_131, %swap3A_132] {strides = array<i32>} : memref<128x128xf32, #tpu.memory_space<vmem>>, vector<1x16xf32>,
      %swap3A_134 = vector.shape_cast %swap3A_133 : vector<1x16xf32> to vector<16xf32>
      %swap3A_135 = vector.shape_cast %broadcast_in_dim3A_72 : vector<16xf32> to vector<1x16xf32>
      tpu.vector_store %arg10[%swap3A_131, %swap3A_132], %swap3A_135 {strides = array<i32>} : memref<128x128xf32, #tpu.memory_space<vmem>>, vector<1x16xf32>,
      %swap3A_136 = arith.index_cast %scan3A_120 : i32 to index
      %swap3A_137 = arith.constant 48 : index
      %swap3A_138 = tpu.vector_load %arg10[%swap3A_136, %swap3A_137] {strides = array<i32>} : memref<128x128xf32, #tpu.memory_space<vmem>>, vector<1x16xf32>,
      %swap3A_139 = vector.shape_cast %swap3A_138 : vector<1x16xf32> to vector<16xf32>
      %swap3A_140 = vector.shape_cast %broadcast_in_dim3A_72 : vector<16xf32> to vector<1x16xf32>
      tpu.vector_store %arg10[%swap3A_136, %swap3A_137], %swap3A_140 {strides = array<i32>} : memref<128x128xf32, #tpu.memory_space<vmem>>, vector<1x16xf32>,
      %swap3A_141 = arith.index_cast %scan3A_120 : i32 to index
      %swap3A_142 = arith.constant 64 : index
      %swap3A_143 = tpu.vector_load %arg10[%swap3A_141, %swap3A_142] {strides = array<i32>} : memref<128x128xf32, #tpu.memory_space<vmem>>, vector<1x16xf32>,
      %swap3A_144 = vector.shape_cast %swap3A_143 : vector<1x16xf32> to vector<16xf32>
      %swap3A_145 = vector.shape_cast %broadcast_in_dim3A_72 : vector<16xf32> to vector<1x16xf32>
      tpu.vector_store %arg10[%swap3A_141, %swap3A_142], %swap3A_145 {strides = array<i32>} : memref<128x128xf32, #tpu.memory_space<vmem>>, vector<1x16xf32>,
      %swap3A_146 = arith.index_cast %scan3A_120 : i32 to index
      %swap3A_147 = arith.constant 80 : index
      %swap3A_148 = tpu.vector_load %arg10[%swap3A_146, %swap3A_147] {strides = array<i32>} : memref<128x128xf32, #tpu.memory_space<vmem>>, vector<1x16xf32>,
      %swap3A_149 = vector.shape_cast %swap3A_148 : vector<1x16xf32> to vector<16xf32>
      %swap3A_150 = vector.shape_cast %broadcast_in_dim3A_72 : vector<16xf32> to vector<1x16xf32>
      tpu.vector_store %arg10[%swap3A_146, %swap3A_147], %swap3A_150 {strides = array<i32>} : memref<128x128xf32, #tpu.memory_space<vmem>>, vector<1x16xf32>,
      %swap3A_151 = arith.index_cast %scan3A_120 : i32 to index
      %swap3A_152 = arith.constant 96 : index
      %swap3A_153 = tpu.vector_load %arg10[%swap3A_151, %swap3A_152] {strides = array<i32>} : memref<128x128xf32, #tpu.memory_space<vmem>>, vector<1x16xf32>,
      %swap3A_154 = vector.shape_cast %swap3A_153 : vector<1x16xf32> to vector<16xf32>
      %swap3A_155 = vector.shape_cast %broadcast_in_dim3A_72 : vector<16xf32> to vector<1x16xf32>
      tpu.vector_store %arg10[%swap3A_151, %swap3A_152], %swap3A_155 {strides = array<i32>} : memref<128x128xf32, #tpu.memory_space<vmem>>, vector<1x16xf32>,
      %swap3A_156 = arith.index_cast %scan3A_120 : i32 to index
      %swap3A_157 = arith.constant 112 : index
      %swap3A_158 = tpu.vector_load %arg10[%swap3A_156, %swap3A_157] {strides = array<i32>} : memref<128x128xf32, #tpu.memory_space<vmem>>, vector<1x16xf32>,
      %swap3A_159 = vector.shape_cast %swap3A_158 : vector<1x16xf32> to vector<16xf32>
      %swap3A_160 = vector.shape_cast %broadcast_in_dim3A_72 : vector<16xf32> to vector<1x16xf32>
      tpu.vector_store %arg10[%swap3A_156, %swap3A_157], %swap3A_160 {strides = array<i32>} : memref<128x128xf32, #tpu.memory_space<vmem>>, vector<1x16xf32>,
      %scan3A_161 = arith.constant 0 : i32
      scf.yield %scan3A_161 : i32
    }
    %scan3A_79 = arith.constant 128 : i32
    %barrier3A_80 = arith.constant 0 : index
    tpu.barrier barrier_id(%barrier3A_80)
    %lt3A_81 = arith.constant 4 : i32
    %lt3A_82 = arith.cmpi slt, %add3A, %lt3A_81 : i32
    %jit3A = arith.constant 1 : i32
    %jit3A_83 = arith.constant 0 : i32
    %select_n3A = arith.select %lt3A_82, %jit3A, %jit3A_83 : i32
    %add3A_84 = arith.constant 78 : i32
    %add3A_85 = arith.addi %add3A_84, %select_n3A : i32
    %while3A = arith.constant 0 : i32
    %while3A_86 = arith.constant 0 : i32
    %while3A_87 = arith.subi %add3A_85, %while3A : i32
    %while3A_88 = arith.addi %while3A, %while3A_87 : i32
    %while3A_89 = arith.constant 1 : i32
    %while3A_90 = arith.divsi %while3A_87, %while3A_89 : i32
    %while3A_91 = arith.muli %while3A_90, %while3A_89 : i32
    %while3A_92 = arith.addi %while3A, %while3A_91 : i32
    %while3A_93 = arith.constant 1 : i32
    %while3A_94 = scf.for %while3A_120 = %while3A to %while3A_92 step %while3A_93 iter_args(%while3A_121 = %while3A_86) -> (i32)  : i32 {
      %dma_start3A_122 = arith.constant 0 : i32
      %dma_start3A_123 = tpu.memref_slice %arg9[%while3A_120, %dma_start3A_122] : memref<79x128xi32, #tpu.memory_space<vmem>> -> memref<1x128xi32, #tpu.memory_space<vmem>>
      %dma_start3A_124 = tpu.memref_squeeze %dma_start3A_123 : memref<1x128xi32, #tpu.memory_space<vmem>> -> memref<128xi32, #tpu.memory_space<vmem>>
      %dma_start3A_125 = arith.constant 0 : i32
      %dma_start3A_126 = arith.constant 0 : i32
      %dma_start3A_127 = tpu.memref_slice %arg16[%dma_start3A_125, %dma_start3A_126] : memref<10000x128xf32, #tpu.memory_space<vmem_shared>> -> memref<10000x128xf32, #tpu.memory_space<vmem_shared>>
      tpu.enqueue_indirect_dma source(%arg10 : memref<128x128xf32, #tpu.memory_space<vmem>>) target(%dma_start3A_127 : memref<10000x128xf32, #tpu.memory_space<vmem_shared>>) offsets(%dma_start3A_124 : memref<128xi32, #tpu.memory_space<vmem>>) semaphore(%arg12 : memref<!tpu.dma_semaphore, #tpu.memory_space<semaphore_mem>>) {add = true}
      %while3A_128 = arith.constant 0 : i32
      scf.yield %while3A_128 : i32
    }
    %while3A_95 = arith.constant 1 : i32
    %while3A_96 = scf.for %while3A_120 = %while3A_92 to %while3A_88 step %while3A_95 iter_args(%while3A_121 = %while3A_94) -> (i32)  : i32 {
      %dma_start3A_122 = arith.constant 0 : i32
      %dma_start3A_123 = tpu.memref_slice %arg9[%while3A_120, %dma_start3A_122] : memref<79x128xi32, #tpu.memory_space<vmem>> -> memref<1x128xi32, #tpu.memory_space<vmem>>
      %dma_start3A_124 = tpu.memref_squeeze %dma_start3A_123 : memref<1x128xi32, #tpu.memory_space<vmem>> -> memref<128xi32, #tpu.memory_space<vmem>>
      %dma_start3A_125 = arith.constant 0 : i32
      %dma_start3A_126 = arith.constant 0 : i32
      %dma_start3A_127 = tpu.memref_slice %arg16[%dma_start3A_125, %dma_start3A_126] : memref<10000x128xf32, #tpu.memory_space<vmem_shared>> -> memref<10000x128xf32, #tpu.memory_space<vmem_shared>>
      tpu.enqueue_indirect_dma source(%arg10 : memref<128x128xf32, #tpu.memory_space<vmem>>) target(%dma_start3A_127 : memref<10000x128xf32, #tpu.memory_space<vmem_shared>>) offsets(%dma_start3A_124 : memref<128xi32, #tpu.memory_space<vmem>>) semaphore(%arg12 : memref<!tpu.dma_semaphore, #tpu.memory_space<semaphore_mem>>) {add = true}
      %while3A_128 = arith.constant 0 : i32
      scf.yield %while3A_128 : i32
    }
    %while3A_97 = arith.constant 0 : i32
    %while3A_98 = arith.constant 0 : i32
    %while3A_99 = arith.subi %add3A_85, %while3A_97 : i32
    %while3A_100 = arith.addi %while3A_97, %while3A_99 : i32
    %while3A_101 = arith.constant 1 : i32
    %while3A_102 = arith.divsi %while3A_99, %while3A_101 : i32
    %while3A_103 = arith.muli %while3A_102, %while3A_101 : i32
    %while3A_104 = arith.addi %while3A_97, %while3A_103 : i32
    %while3A_105 = arith.constant 1 : i32
    %while3A_106 = scf.for %while3A_120 = %while3A_97 to %while3A_104 step %while3A_105 iter_args(%while3A_121 = %while3A_98) -> (i32)  : i32 {
      %dma_wait3A_122 = arith.constant 0 : i32
      %dma_wait3A_123 = arith.constant 0 : i32
      %dma_wait3A_124 = tpu.memref_slice %arg9[%dma_wait3A_122, %dma_wait3A_123] : memref<79x128xi32, #tpu.memory_space<vmem>> -> memref<1x128xi32, #tpu.memory_space<vmem>>
      %dma_wait3A_125 = tpu.memref_squeeze %dma_wait3A_124 : memref<1x128xi32, #tpu.memory_space<vmem>> -> memref<128xi32, #tpu.memory_space<vmem>>
      %dma_wait3A_126 = arith.constant 0 : i32
      %dma_wait3A_127 = arith.constant 0 : i32
      %dma_wait3A_128 = tpu.memref_slice %arg16[%dma_wait3A_126, %dma_wait3A_127] : memref<10000x128xf32, #tpu.memory_space<vmem_shared>> -> memref<10000x128xf32, #tpu.memory_space<vmem_shared>>
      tpu.wait_indirect_dma semaphore(%arg12 : memref<!tpu.dma_semaphore, #tpu.memory_space<semaphore_mem>>) src(%arg10 : memref<128x128xf32, #tpu.memory_space<vmem>>) dst(%dma_wait3A_128 : memref<10000x128xf32, #tpu.memory_space<vmem_shared>>)
      %while3A_129 = arith.constant 0 : i32
      scf.yield %while3A_129 : i32
    }
    %while3A_107 = arith.constant 1 : i32
    %while3A_108 = scf.for %while3A_120 = %while3A_104 to %while3A_100 step %while3A_107 iter_args(%while3A_121 = %while3A_106) -> (i32)  : i32 {
      %dma_wait3A_122 = arith.constant 0 : i32
      %dma_wait3A_123 = arith.constant 0 : i32
      %dma_wait3A_124 = tpu.memref_slice %arg9[%dma_wait3A_122, %dma_wait3A_123] : memref<79x128xi32, #tpu.memory_space<vmem>> -> memref<1x128xi32, #tpu.memory_space<vmem>>
      %dma_wait3A_125 = tpu.memref_squeeze %dma_wait3A_124 : memref<1x128xi32, #tpu.memory_space<vmem>> -> memref<128xi32, #tpu.memory_space<vmem>>
      %dma_wait3A_126 = arith.constant 0 : i32
      %dma_wait3A_127 = arith.constant 0 : i32
      %dma_wait3A_128 = tpu.memref_slice %arg16[%dma_wait3A_126, %dma_wait3A_127] : memref<10000x128xf32, #tpu.memory_space<vmem_shared>> -> memref<10000x128xf32, #tpu.memory_space<vmem_shared>>
      tpu.wait_indirect_dma semaphore(%arg12 : memref<!tpu.dma_semaphore, #tpu.memory_space<semaphore_mem>>) src(%arg10 : memref<128x128xf32, #tpu.memory_space<vmem>>) dst(%dma_wait3A_128 : memref<10000x128xf32, #tpu.memory_space<vmem_shared>>)
      %while3A_129 = arith.constant 0 : i32
      scf.yield %while3A_129 : i32
    }
    %barrier3A_109 = arith.constant 0 : index
    tpu.barrier barrier_id(%barrier3A_109)
    %lt3A_110 = arith.constant 15 : i32
    %lt3A_111 = arith.cmpi slt, %arg1, %lt3A_110 : i32
    %convert_element_type3A_112 = arith.extui %lt3A_111 : i1 to i32
    %cond3A_113 = arith.constant 0 : i32
    %cond3A_114 = arith.cmpi ne, %convert_element_type3A_112, %cond3A_113 : i32
    scf.if %cond3A_114 {
      "tpu.region"() ({
        %run_scoped3A = tpu.sem_alloc : memref<!tpu.dma_semaphore, #tpu.memory_space<semaphore_mem>>
        %dma_start3A_120 = arith.constant 0 : i32
        %dma_start3A_121 = tpu.memref_slice %arg6[%arg0, %mul3A_2, %dma_start3A_120] : memref<2x10000x128xf32, #tpu.memory_space<hbm>> -> memref<1x624x128xf32, #tpu.memory_space<hbm>>
        %dma_start3A_122 = tpu.memref_squeeze %dma_start3A_121 : memref<1x624x128xf32, #tpu.memory_space<hbm>> -> memref<624x128xf32, #tpu.memory_space<hbm>>
        %dma_start3A_123 = arith.constant 0 : i32
        %dma_start3A_124 = tpu.memref_slice %arg16[%mul3A_2, %dma_start3A_123] : memref<10000x128xf32, #tpu.memory_space<vmem_shared>> -> memref<624x128xf32, #tpu.memory_space<vmem_shared>>
        tpu.enqueue_dma source(%dma_start3A_124 : memref<624x128xf32, #tpu.memory_space<vmem_shared>>) target(%dma_start3A_122 : memref<624x128xf32, #tpu.memory_space<hbm>>) target_semaphore(%run_scoped3A : memref<!tpu.dma_semaphore, #tpu.memory_space<semaphore_mem>>)
        %dma_wait3A_125 = arith.constant 0 : i32
        %dma_wait3A_126 = tpu.memref_slice %arg6[%arg0, %mul3A_2, %dma_wait3A_125] : memref<2x10000x128xf32, #tpu.memory_space<hbm>> -> memref<1x624x128xf32, #tpu.memory_space<hbm>>
        %dma_wait3A_127 = tpu.memref_squeeze %dma_wait3A_126 : memref<1x624x128xf32, #tpu.memory_space<hbm>> -> memref<624x128xf32, #tpu.memory_space<hbm>>
        %dma_wait3A_128 = arith.constant 0 : i32
        %dma_wait3A_129 = tpu.memref_slice %arg16[%mul3A_2, %dma_wait3A_128] : memref<10000x128xf32, #tpu.memory_space<vmem_shared>> -> memref<624x128xf32, #tpu.memory_space<vmem_shared>>
        tpu.wait_dma2 semaphore(%run_scoped3A : memref<!tpu.dma_semaphore, #tpu.memory_space<semaphore_mem>>) src(%dma_wait3A_129 : memref<624x128xf32, #tpu.memory_space<vmem_shared>>) dst(%dma_wait3A_127 : memref<624x128xf32, #tpu.memory_space<hbm>>)
        tpu.yield
      }) : () -> ()
    } else {
    }
    %eq3A_115 = arith.constant 15 : i32
    %eq3A_116 = arith.cmpi eq, %arg1, %eq3A_115 : i32
    %convert_element_type3A_117 = arith.extui %eq3A_116 : i1 to i32
    %cond3A_118 = arith.constant 0 : i32
    %cond3A_119 = arith.cmpi ne, %convert_element_type3A_117, %cond3A_118 : i32
    scf.if %cond3A_119 {
      "tpu.region"() ({
        %run_scoped3A = tpu.sem_alloc : memref<!tpu.dma_semaphore, #tpu.memory_space<semaphore_mem>>
        %dma_start3A_120 = arith.constant 9360 : i32
        %dma_start3A_121 = arith.constant 0 : i32
        %dma_start3A_122 = tpu.memref_slice %arg6[%arg0, %dma_start3A_120, %dma_start3A_121] : memref<2x10000x128xf32, #tpu.memory_space<hbm>> -> memref<1x640x128xf32, #tpu.memory_space<hbm>>
        %dma_start3A_123 = tpu.memref_squeeze %dma_start3A_122 : memref<1x640x128xf32, #tpu.memory_space<hbm>> -> memref<640x128xf32, #tpu.memory_space<hbm>>
        %dma_start3A_124 = arith.constant 9360 : i32
        %dma_start3A_125 = arith.constant 0 : i32
        %dma_start3A_126 = tpu.memref_slice %arg16[%dma_start3A_124, %dma_start3A_125] : memref<10000x128xf32, #tpu.memory_space<vmem_shared>> -> memref<640x128xf32, #tpu.memory_space<vmem_shared>>
        tpu.enqueue_dma source(%dma_start3A_126 : memref<640x128xf32, #tpu.memory_space<vmem_shared>>) target(%dma_start3A_123 : memref<640x128xf32, #tpu.memory_space<hbm>>) target_semaphore(%run_scoped3A : memref<!tpu.dma_semaphore, #tpu.memory_space<semaphore_mem>>)
        %dma_wait3A_127 = arith.constant 9360 : i32
        %dma_wait3A_128 = arith.constant 0 : i32
        %dma_wait3A_129 = tpu.memref_slice %arg6[%arg0, %dma_wait3A_127, %dma_wait3A_128] : memref<2x10000x128xf32, #tpu.memory_space<hbm>> -> memref<1x640x128xf32, #tpu.memory_space<hbm>>
        %dma_wait3A_130 = tpu.memref_squeeze %dma_wait3A_129 : memref<1x640x128xf32, #tpu.memory_space<hbm>> -> memref<640x128xf32, #tpu.memory_space<hbm>>
        %dma_wait3A_131 = arith.constant 9360 : i32
        %dma_wait3A_132 = arith.constant 0 : i32
        %dma_wait3A_133 = tpu.memref_slice %arg16[%dma_wait3A_131, %dma_wait3A_132] : memref<10000x128xf32, #tpu.memory_space<vmem_shared>> -> memref<640x128xf32, #tpu.memory_space<vmem_shared>>
        tpu.wait_dma2 semaphore(%run_scoped3A : memref<!tpu.dma_semaphore, #tpu.memory_space<semaphore_mem>>) src(%dma_wait3A_133 : memref<640x128xf32, #tpu.memory_space<vmem_shared>>) dst(%dma_wait3A_130 : memref<640x128xf32, #tpu.memory_space<hbm>>)
        tpu.yield
      }) : () -> ()
    } else {
    }
    return
  }
}

#map = affine_map<(d0, d1) -> (0, 0)>
#map1 = affine_map<(d0, d1) -> (0)>
#map2 = affine_map<(d0, d1) -> (0, 0, 0)>
module attributes {stable_mosaic.version = 14 : i64} {
  func.func @sc_agg(%arg0: i32, %arg1: i32, %arg2: memref<10000x128xf32, #tpu.memory_space<hbm>>, %arg3: memref<323584xi32, #tpu.memory_space<hbm>>, %arg4: memref<79x32x128xi32, #tpu.memory_space<hbm>>, %arg5: memref<2x10000x128xf32, #tpu.memory_space<hbm>>, %arg6: memref<128xi32, #tpu.memory_space<vmem>>, %arg7: memref<128xi32, #tpu.memory_space<vmem>>, %arg8: memref<79x128xi32, #tpu.memory_space<vmem>>, %arg9: memref<128x128xf32, #tpu.memory_space<vmem>>, %arg10: memref<128x128xf32, #tpu.memory_space<vmem>>, %arg11: memref<!tpu.dma_semaphore, #tpu.memory_space<semaphore_mem>>, %arg12: memref<!tpu.dma_semaphore, #tpu.memory_space<semaphore_mem>>, %arg13: memref<!tpu.dma_semaphore, #tpu.memory_space<semaphore_mem>>, %arg14: memref<!tpu.dma_semaphore, #tpu.memory_space<semaphore_mem>>, %arg15: memref<10000x128xf32, #tpu.memory_space<vmem_shared>>) attributes {dimension_semantics = [#tpu.dimension_semantics<core_parallel>, #tpu.dimension_semantics<subcore_parallel>], iteration_bounds = array<i64: 2, 16>, scalar_prefetch = 0 : i64, scratch_operands = 10 : i64, tpu.core_type = #tpu.core_type<sc_vector_subcore>, window_params = [{transform_indices = #map}, {transform_indices = #map1}, {transform_indices = #map2}, {transform_indices = #map2}]} {
    %mul3A = arith.constant 2 : i32
    %mul3A_0 = arith.muli %arg1, %mul3A : i32
    %add3A = arith.addi %mul3A_0, %arg0 : i32
    "tpu.region"() ({
      %run_scoped3A = tpu.sem_alloc : memref<!tpu.dma_semaphore, #tpu.memory_space<semaphore_mem>>
      %dma_start3A_51 = arith.constant 0 : i32
      %dma_start3A_52 = arith.constant 0 : i32
      %dma_start3A_53 = tpu.memref_slice %arg4[%dma_start3A_51, %add3A, %dma_start3A_52] : memref<79x32x128xi32, #tpu.memory_space<hbm>> -> memref<79x1x128xi32, #tpu.memory_space<hbm>>
      %dma_start3A_54 = tpu.memref_squeeze %dma_start3A_53 : memref<79x1x128xi32, #tpu.memory_space<hbm>> -> memref<79x128xi32, #tpu.memory_space<hbm>>
      %dma_start3A_55 = arith.constant 0 : i32
      %dma_start3A_56 = arith.constant 0 : i32
      %dma_start3A_57 = tpu.memref_slice %arg4[%dma_start3A_55, %add3A, %dma_start3A_56] : memref<79x32x128xi32, #tpu.memory_space<hbm>> -> memref<79x1x128xi32, #tpu.memory_space<hbm>>
      %dma_start3A_58 = tpu.memref_squeeze %dma_start3A_57 : memref<79x1x128xi32, #tpu.memory_space<hbm>> -> memref<79x128xi32, #tpu.memory_space<hbm>>
      tpu.enqueue_dma source(%dma_start3A_58 : memref<79x128xi32, #tpu.memory_space<hbm>>) target(%arg8 : memref<79x128xi32, #tpu.memory_space<vmem>>) target_semaphore(%run_scoped3A : memref<!tpu.dma_semaphore, #tpu.memory_space<semaphore_mem>>)
      %dma_wait3A_59 = arith.constant 0 : i32
      %dma_wait3A_60 = arith.constant 0 : i32
      %dma_wait3A_61 = tpu.memref_slice %arg4[%dma_wait3A_59, %add3A, %dma_wait3A_60] : memref<79x32x128xi32, #tpu.memory_space<hbm>> -> memref<79x1x128xi32, #tpu.memory_space<hbm>>
      %dma_wait3A_62 = tpu.memref_squeeze %dma_wait3A_61 : memref<79x1x128xi32, #tpu.memory_space<hbm>> -> memref<79x128xi32, #tpu.memory_space<hbm>>
      %dma_wait3A_63 = arith.constant 0 : i32
      %dma_wait3A_64 = arith.constant 0 : i32
      %dma_wait3A_65 = tpu.memref_slice %arg4[%dma_wait3A_63, %add3A, %dma_wait3A_64] : memref<79x32x128xi32, #tpu.memory_space<hbm>> -> memref<79x1x128xi32, #tpu.memory_space<hbm>>
      %dma_wait3A_66 = tpu.memref_squeeze %dma_wait3A_65 : memref<79x1x128xi32, #tpu.memory_space<hbm>> -> memref<79x128xi32, #tpu.memory_space<hbm>>
      tpu.wait_dma2 semaphore(%run_scoped3A : memref<!tpu.dma_semaphore, #tpu.memory_space<semaphore_mem>>) src(%dma_wait3A_66 : memref<79x128xi32, #tpu.memory_space<hbm>>) dst(%arg8 : memref<79x128xi32, #tpu.memory_space<vmem>>)
      tpu.yield
    }) : () -> ()
    %mul3A_1 = arith.constant 624 : i32
    %mul3A_2 = arith.muli %arg1, %mul3A_1 : i32
    %broadcast_in_dim3A = arith.constant 0.000000e+00 : f32
    %broadcast_in_dim3A_3 = vector.broadcast %broadcast_in_dim3A : f32 to vector<16xf32>
    %scan3A = arith.constant 0 : i32
    %scan3A_4 = arith.constant 0 : i32
    %scan3A_5 = arith.constant 128 : i32
    %scan3A_6 = arith.addi %scan3A_4, %scan3A_5 : i32
    %scan3A_7 = arith.constant 1 : i32
    %scan3A_8 = scf.for %scan3A_51 = %scan3A_4 to %scan3A_6 step %scan3A_7 iter_args(%scan3A_52 = %scan3A) -> (i32)  : i32 {
      %swap3A = arith.index_cast %scan3A_51 : i32 to index
      %swap3A_53 = arith.constant 0 : index
      %swap3A_54 = tpu.vector_load %arg9[%swap3A, %swap3A_53] {strides = array<i32>} : memref<128x128xf32, #tpu.memory_space<vmem>>, vector<1x16xf32>,
      %swap3A_55 = vector.shape_cast %swap3A_54 : vector<1x16xf32> to vector<16xf32>
      %swap3A_56 = vector.shape_cast %broadcast_in_dim3A_3 : vector<16xf32> to vector<1x16xf32>
      tpu.vector_store %arg9[%swap3A, %swap3A_53], %swap3A_56 {strides = array<i32>} : memref<128x128xf32, #tpu.memory_space<vmem>>, vector<1x16xf32>,
      %swap3A_57 = arith.index_cast %scan3A_51 : i32 to index
      %swap3A_58 = arith.constant 16 : index
      %swap3A_59 = tpu.vector_load %arg9[%swap3A_57, %swap3A_58] {strides = array<i32>} : memref<128x128xf32, #tpu.memory_space<vmem>>, vector<1x16xf32>,
      %swap3A_60 = vector.shape_cast %swap3A_59 : vector<1x16xf32> to vector<16xf32>
      %swap3A_61 = vector.shape_cast %broadcast_in_dim3A_3 : vector<16xf32> to vector<1x16xf32>
      tpu.vector_store %arg9[%swap3A_57, %swap3A_58], %swap3A_61 {strides = array<i32>} : memref<128x128xf32, #tpu.memory_space<vmem>>, vector<1x16xf32>,
      %swap3A_62 = arith.index_cast %scan3A_51 : i32 to index
      %swap3A_63 = arith.constant 32 : index
      %swap3A_64 = tpu.vector_load %arg9[%swap3A_62, %swap3A_63] {strides = array<i32>} : memref<128x128xf32, #tpu.memory_space<vmem>>, vector<1x16xf32>,
      %swap3A_65 = vector.shape_cast %swap3A_64 : vector<1x16xf32> to vector<16xf32>
      %swap3A_66 = vector.shape_cast %broadcast_in_dim3A_3 : vector<16xf32> to vector<1x16xf32>
      tpu.vector_store %arg9[%swap3A_62, %swap3A_63], %swap3A_66 {strides = array<i32>} : memref<128x128xf32, #tpu.memory_space<vmem>>, vector<1x16xf32>,
      %swap3A_67 = arith.index_cast %scan3A_51 : i32 to index
      %swap3A_68 = arith.constant 48 : index
      %swap3A_69 = tpu.vector_load %arg9[%swap3A_67, %swap3A_68] {strides = array<i32>} : memref<128x128xf32, #tpu.memory_space<vmem>>, vector<1x16xf32>,
      %swap3A_70 = vector.shape_cast %swap3A_69 : vector<1x16xf32> to vector<16xf32>
      %swap3A_71 = vector.shape_cast %broadcast_in_dim3A_3 : vector<16xf32> to vector<1x16xf32>
      tpu.vector_store %arg9[%swap3A_67, %swap3A_68], %swap3A_71 {strides = array<i32>} : memref<128x128xf32, #tpu.memory_space<vmem>>, vector<1x16xf32>,
      %swap3A_72 = arith.index_cast %scan3A_51 : i32 to index
      %swap3A_73 = arith.constant 64 : index
      %swap3A_74 = tpu.vector_load %arg9[%swap3A_72, %swap3A_73] {strides = array<i32>} : memref<128x128xf32, #tpu.memory_space<vmem>>, vector<1x16xf32>,
      %swap3A_75 = vector.shape_cast %swap3A_74 : vector<1x16xf32> to vector<16xf32>
      %swap3A_76 = vector.shape_cast %broadcast_in_dim3A_3 : vector<16xf32> to vector<1x16xf32>
      tpu.vector_store %arg9[%swap3A_72, %swap3A_73], %swap3A_76 {strides = array<i32>} : memref<128x128xf32, #tpu.memory_space<vmem>>, vector<1x16xf32>,
      %swap3A_77 = arith.index_cast %scan3A_51 : i32 to index
      %swap3A_78 = arith.constant 80 : index
      %swap3A_79 = tpu.vector_load %arg9[%swap3A_77, %swap3A_78] {strides = array<i32>} : memref<128x128xf32, #tpu.memory_space<vmem>>, vector<1x16xf32>,
      %swap3A_80 = vector.shape_cast %swap3A_79 : vector<1x16xf32> to vector<16xf32>
      %swap3A_81 = vector.shape_cast %broadcast_in_dim3A_3 : vector<16xf32> to vector<1x16xf32>
      tpu.vector_store %arg9[%swap3A_77, %swap3A_78], %swap3A_81 {strides = array<i32>} : memref<128x128xf32, #tpu.memory_space<vmem>>, vector<1x16xf32>,
      %swap3A_82 = arith.index_cast %scan3A_51 : i32 to index
      %swap3A_83 = arith.constant 96 : index
      %swap3A_84 = tpu.vector_load %arg9[%swap3A_82, %swap3A_83] {strides = array<i32>} : memref<128x128xf32, #tpu.memory_space<vmem>>, vector<1x16xf32>,
      %swap3A_85 = vector.shape_cast %swap3A_84 : vector<1x16xf32> to vector<16xf32>
      %swap3A_86 = vector.shape_cast %broadcast_in_dim3A_3 : vector<16xf32> to vector<1x16xf32>
      tpu.vector_store %arg9[%swap3A_82, %swap3A_83], %swap3A_86 {strides = array<i32>} : memref<128x128xf32, #tpu.memory_space<vmem>>, vector<1x16xf32>,
      %swap3A_87 = arith.index_cast %scan3A_51 : i32 to index
      %swap3A_88 = arith.constant 112 : index
      %swap3A_89 = tpu.vector_load %arg9[%swap3A_87, %swap3A_88] {strides = array<i32>} : memref<128x128xf32, #tpu.memory_space<vmem>>, vector<1x16xf32>,
      %swap3A_90 = vector.shape_cast %swap3A_89 : vector<1x16xf32> to vector<16xf32>
      %swap3A_91 = vector.shape_cast %broadcast_in_dim3A_3 : vector<16xf32> to vector<1x16xf32>
      tpu.vector_store %arg9[%swap3A_87, %swap3A_88], %swap3A_91 {strides = array<i32>} : memref<128x128xf32, #tpu.memory_space<vmem>>, vector<1x16xf32>,
      %scan3A_92 = arith.constant 0 : i32
      scf.yield %scan3A_92 : i32
    }
    %scan3A_9 = arith.constant 128 : i32
    %lt3A = arith.constant 15 : i32
    %lt3A_10 = arith.cmpi slt, %arg1, %lt3A : i32
    %convert_element_type3A = arith.extui %lt3A_10 : i1 to i32
    %cond3A = arith.constant 0 : i32
    %cond3A_11 = arith.cmpi ne, %convert_element_type3A, %cond3A : i32
    scf.if %cond3A_11 {
      %add3A_51 = arith.constant 0 : i32
      %add3A_52 = arith.addi %mul3A_2, %add3A_51 : i32
      %dma_start3A_53 = arith.constant 0 : i32
      %dma_start3A_54 = arith.constant 0 : i32
      %dma_start3A_55 = tpu.memref_slice %arg9[%dma_start3A_53, %dma_start3A_54] : memref<128x128xf32, #tpu.memory_space<vmem>> -> memref<128x128xf32, #tpu.memory_space<vmem>>
      %dma_start3A_56 = arith.constant 0 : i32
      %dma_start3A_57 = tpu.memref_slice %arg15[%add3A_52, %dma_start3A_56] : memref<10000x128xf32, #tpu.memory_space<vmem_shared>> -> memref<128x128xf32, #tpu.memory_space<vmem_shared>>
      %dma_start3A_58 = arith.constant 0 : i32
      %dma_start3A_59 = tpu.memref_slice %arg15[%add3A_52, %dma_start3A_58] : memref<10000x128xf32, #tpu.memory_space<vmem_shared>> -> memref<128x128xf32, #tpu.memory_space<vmem_shared>>
      %dma_start3A_60 = arith.constant 0 : i32
      %dma_start3A_61 = arith.constant 0 : i32
      %dma_start3A_62 = tpu.memref_slice %arg9[%dma_start3A_60, %dma_start3A_61] : memref<128x128xf32, #tpu.memory_space<vmem>> -> memref<128x128xf32, #tpu.memory_space<vmem>>
      tpu.enqueue_dma source(%dma_start3A_62 : memref<128x128xf32, #tpu.memory_space<vmem>>) target(%dma_start3A_59 : memref<128x128xf32, #tpu.memory_space<vmem_shared>>) target_semaphore(%arg11 : memref<!tpu.dma_semaphore, #tpu.memory_space<semaphore_mem>>)
      %add3A_63 = arith.constant 128 : i32
      %add3A_64 = arith.addi %mul3A_2, %add3A_63 : i32
      %dma_start3A_65 = arith.constant 0 : i32
      %dma_start3A_66 = arith.constant 0 : i32
      %dma_start3A_67 = tpu.memref_slice %arg9[%dma_start3A_65, %dma_start3A_66] : memref<128x128xf32, #tpu.memory_space<vmem>> -> memref<128x128xf32, #tpu.memory_space<vmem>>
      %dma_start3A_68 = arith.constant 0 : i32
      %dma_start3A_69 = tpu.memref_slice %arg15[%add3A_64, %dma_start3A_68] : memref<10000x128xf32, #tpu.memory_space<vmem_shared>> -> memref<128x128xf32, #tpu.memory_space<vmem_shared>>
      %dma_start3A_70 = arith.constant 0 : i32
      %dma_start3A_71 = tpu.memref_slice %arg15[%add3A_64, %dma_start3A_70] : memref<10000x128xf32, #tpu.memory_space<vmem_shared>> -> memref<128x128xf32, #tpu.memory_space<vmem_shared>>
      %dma_start3A_72 = arith.constant 0 : i32
      %dma_start3A_73 = arith.constant 0 : i32
      %dma_start3A_74 = tpu.memref_slice %arg9[%dma_start3A_72, %dma_start3A_73] : memref<128x128xf32, #tpu.memory_space<vmem>> -> memref<128x128xf32, #tpu.memory_space<vmem>>
      tpu.enqueue_dma source(%dma_start3A_74 : memref<128x128xf32, #tpu.memory_space<vmem>>) target(%dma_start3A_71 : memref<128x128xf32, #tpu.memory_space<vmem_shared>>) target_semaphore(%arg11 : memref<!tpu.dma_semaphore, #tpu.memory_space<semaphore_mem>>)
      %add3A_75 = arith.constant 256 : i32
      %add3A_76 = arith.addi %mul3A_2, %add3A_75 : i32
      %dma_start3A_77 = arith.constant 0 : i32
      %dma_start3A_78 = arith.constant 0 : i32
      %dma_start3A_79 = tpu.memref_slice %arg9[%dma_start3A_77, %dma_start3A_78] : memref<128x128xf32, #tpu.memory_space<vmem>> -> memref<128x128xf32, #tpu.memory_space<vmem>>
      %dma_start3A_80 = arith.constant 0 : i32
      %dma_start3A_81 = tpu.memref_slice %arg15[%add3A_76, %dma_start3A_80] : memref<10000x128xf32, #tpu.memory_space<vmem_shared>> -> memref<128x128xf32, #tpu.memory_space<vmem_shared>>
      %dma_start3A_82 = arith.constant 0 : i32
      %dma_start3A_83 = tpu.memref_slice %arg15[%add3A_76, %dma_start3A_82] : memref<10000x128xf32, #tpu.memory_space<vmem_shared>> -> memref<128x128xf32, #tpu.memory_space<vmem_shared>>
      %dma_start3A_84 = arith.constant 0 : i32
      %dma_start3A_85 = arith.constant 0 : i32
      %dma_start3A_86 = tpu.memref_slice %arg9[%dma_start3A_84, %dma_start3A_85] : memref<128x128xf32, #tpu.memory_space<vmem>> -> memref<128x128xf32, #tpu.memory_space<vmem>>
      tpu.enqueue_dma source(%dma_start3A_86 : memref<128x128xf32, #tpu.memory_space<vmem>>) target(%dma_start3A_83 : memref<128x128xf32, #tpu.memory_space<vmem_shared>>) target_semaphore(%arg11 : memref<!tpu.dma_semaphore, #tpu.memory_space<semaphore_mem>>)
      %add3A_87 = arith.constant 384 : i32
      %add3A_88 = arith.addi %mul3A_2, %add3A_87 : i32
      %dma_start3A_89 = arith.constant 0 : i32
      %dma_start3A_90 = arith.constant 0 : i32
      %dma_start3A_91 = tpu.memref_slice %arg9[%dma_start3A_89, %dma_start3A_90] : memref<128x128xf32, #tpu.memory_space<vmem>> -> memref<128x128xf32, #tpu.memory_space<vmem>>
      %dma_start3A_92 = arith.constant 0 : i32
      %dma_start3A_93 = tpu.memref_slice %arg15[%add3A_88, %dma_start3A_92] : memref<10000x128xf32, #tpu.memory_space<vmem_shared>> -> memref<128x128xf32, #tpu.memory_space<vmem_shared>>
      %dma_start3A_94 = arith.constant 0 : i32
      %dma_start3A_95 = tpu.memref_slice %arg15[%add3A_88, %dma_start3A_94] : memref<10000x128xf32, #tpu.memory_space<vmem_shared>> -> memref<128x128xf32, #tpu.memory_space<vmem_shared>>
      %dma_start3A_96 = arith.constant 0 : i32
      %dma_start3A_97 = arith.constant 0 : i32
      %dma_start3A_98 = tpu.memref_slice %arg9[%dma_start3A_96, %dma_start3A_97] : memref<128x128xf32, #tpu.memory_space<vmem>> -> memref<128x128xf32, #tpu.memory_space<vmem>>
      tpu.enqueue_dma source(%dma_start3A_98 : memref<128x128xf32, #tpu.memory_space<vmem>>) target(%dma_start3A_95 : memref<128x128xf32, #tpu.memory_space<vmem_shared>>) target_semaphore(%arg11 : memref<!tpu.dma_semaphore, #tpu.memory_space<semaphore_mem>>)
      %add3A_99 = arith.constant 512 : i32
      %add3A_100 = arith.addi %mul3A_2, %add3A_99 : i32
      %dma_start3A_101 = arith.constant 0 : i32
      %dma_start3A_102 = arith.constant 0 : i32
      %dma_start3A_103 = tpu.memref_slice %arg9[%dma_start3A_101, %dma_start3A_102] : memref<128x128xf32, #tpu.memory_space<vmem>> -> memref<112x128xf32, #tpu.memory_space<vmem>>
      %dma_start3A_104 = arith.constant 0 : i32
      %dma_start3A_105 = tpu.memref_slice %arg15[%add3A_100, %dma_start3A_104] : memref<10000x128xf32, #tpu.memory_space<vmem_shared>> -> memref<112x128xf32, #tpu.memory_space<vmem_shared>>
      %dma_start3A_106 = arith.constant 0 : i32
      %dma_start3A_107 = tpu.memref_slice %arg15[%add3A_100, %dma_start3A_106] : memref<10000x128xf32, #tpu.memory_space<vmem_shared>> -> memref<112x128xf32, #tpu.memory_space<vmem_shared>>
      %dma_start3A_108 = arith.constant 0 : i32
      %dma_start3A_109 = arith.constant 0 : i32
      %dma_start3A_110 = tpu.memref_slice %arg9[%dma_start3A_108, %dma_start3A_109] : memref<128x128xf32, #tpu.memory_space<vmem>> -> memref<112x128xf32, #tpu.memory_space<vmem>>
      tpu.enqueue_dma source(%dma_start3A_110 : memref<112x128xf32, #tpu.memory_space<vmem>>) target(%dma_start3A_107 : memref<112x128xf32, #tpu.memory_space<vmem_shared>>) target_semaphore(%arg11 : memref<!tpu.dma_semaphore, #tpu.memory_space<semaphore_mem>>)
      %dma_wait3A_111 = arith.constant 0 : i32
      %dma_wait3A_112 = arith.constant 0 : i32
      %dma_wait3A_113 = tpu.memref_slice %arg9[%dma_wait3A_111, %dma_wait3A_112] : memref<128x128xf32, #tpu.memory_space<vmem>> -> memref<128x128xf32, #tpu.memory_space<vmem>>
      %dma_wait3A_114 = arith.constant 0 : i32
      %dma_wait3A_115 = tpu.memref_slice %arg15[%mul3A_2, %dma_wait3A_114] : memref<10000x128xf32, #tpu.memory_space<vmem_shared>> -> memref<128x128xf32, #tpu.memory_space<vmem_shared>>
      %dma_wait3A_116 = arith.constant 0 : i32
      %dma_wait3A_117 = tpu.memref_slice %arg15[%mul3A_2, %dma_wait3A_116] : memref<10000x128xf32, #tpu.memory_space<vmem_shared>> -> memref<128x128xf32, #tpu.memory_space<vmem_shared>>
      %dma_wait3A_118 = arith.constant 0 : i32
      %dma_wait3A_119 = arith.constant 0 : i32
      %dma_wait3A_120 = tpu.memref_slice %arg9[%dma_wait3A_118, %dma_wait3A_119] : memref<128x128xf32, #tpu.memory_space<vmem>> -> memref<128x128xf32, #tpu.memory_space<vmem>>
      tpu.wait_dma2 semaphore(%arg11 : memref<!tpu.dma_semaphore, #tpu.memory_space<semaphore_mem>>) src(%dma_wait3A_120 : memref<128x128xf32, #tpu.memory_space<vmem>>) dst(%dma_wait3A_117 : memref<128x128xf32, #tpu.memory_space<vmem_shared>>)
      %dma_wait3A_121 = arith.constant 0 : i32
      %dma_wait3A_122 = arith.constant 0 : i32
      %dma_wait3A_123 = tpu.memref_slice %arg9[%dma_wait3A_121, %dma_wait3A_122] : memref<128x128xf32, #tpu.memory_space<vmem>> -> memref<128x128xf32, #tpu.memory_space<vmem>>
      %dma_wait3A_124 = arith.constant 0 : i32
      %dma_wait3A_125 = tpu.memref_slice %arg15[%mul3A_2, %dma_wait3A_124] : memref<10000x128xf32, #tpu.memory_space<vmem_shared>> -> memref<128x128xf32, #tpu.memory_space<vmem_shared>>
      %dma_wait3A_126 = arith.constant 0 : i32
      %dma_wait3A_127 = tpu.memref_slice %arg15[%mul3A_2, %dma_wait3A_126] : memref<10000x128xf32, #tpu.memory_space<vmem_shared>> -> memref<128x128xf32, #tpu.memory_space<vmem_shared>>
      %dma_wait3A_128 = arith.constant 0 : i32
      %dma_wait3A_129 = arith.constant 0 : i32
      %dma_wait3A_130 = tpu.memref_slice %arg9[%dma_wait3A_128, %dma_wait3A_129] : memref<128x128xf32, #tpu.memory_space<vmem>> -> memref<128x128xf32, #tpu.memory_space<vmem>>
      tpu.wait_dma2 semaphore(%arg11 : memref<!tpu.dma_semaphore, #tpu.memory_space<semaphore_mem>>) src(%dma_wait3A_130 : memref<128x128xf32, #tpu.memory_space<vmem>>) dst(%dma_wait3A_127 : memref<128x128xf32, #tpu.memory_space<vmem_shared>>)
      %dma_wait3A_131 = arith.constant 0 : i32
      %dma_wait3A_132 = arith.constant 0 : i32
      %dma_wait3A_133 = tpu.memref_slice %arg9[%dma_wait3A_131, %dma_wait3A_132] : memref<128x128xf32, #tpu.memory_space<vmem>> -> memref<128x128xf32, #tpu.memory_space<vmem>>
      %dma_wait3A_134 = arith.constant 0 : i32
      %dma_wait3A_135 = tpu.memref_slice %arg15[%mul3A_2, %dma_wait3A_134] : memref<10000x128xf32, #tpu.memory_space<vmem_shared>> -> memref<128x128xf32, #tpu.memory_space<vmem_shared>>
      %dma_wait3A_136 = arith.constant 0 : i32
      %dma_wait3A_137 = tpu.memref_slice %arg15[%mul3A_2, %dma_wait3A_136] : memref<10000x128xf32, #tpu.memory_space<vmem_shared>> -> memref<128x128xf32, #tpu.memory_space<vmem_shared>>
      %dma_wait3A_138 = arith.constant 0 : i32
      %dma_wait3A_139 = arith.constant 0 : i32
      %dma_wait3A_140 = tpu.memref_slice %arg9[%dma_wait3A_138, %dma_wait3A_139] : memref<128x128xf32, #tpu.memory_space<vmem>> -> memref<128x128xf32, #tpu.memory_space<vmem>>
      tpu.wait_dma2 semaphore(%arg11 : memref<!tpu.dma_semaphore, #tpu.memory_space<semaphore_mem>>) src(%dma_wait3A_140 : memref<128x128xf32, #tpu.memory_space<vmem>>) dst(%dma_wait3A_137 : memref<128x128xf32, #tpu.memory_space<vmem_shared>>)
      %dma_wait3A_141 = arith.constant 0 : i32
      %dma_wait3A_142 = arith.constant 0 : i32
      %dma_wait3A_143 = tpu.memref_slice %arg9[%dma_wait3A_141, %dma_wait3A_142] : memref<128x128xf32, #tpu.memory_space<vmem>> -> memref<128x128xf32, #tpu.memory_space<vmem>>
      %dma_wait3A_144 = arith.constant 0 : i32
      %dma_wait3A_145 = tpu.memref_slice %arg15[%mul3A_2, %dma_wait3A_144] : memref<10000x128xf32, #tpu.memory_space<vmem_shared>> -> memref<128x128xf32, #tpu.memory_space<vmem_shared>>
      %dma_wait3A_146 = arith.constant 0 : i32
      %dma_wait3A_147 = tpu.memref_slice %arg15[%mul3A_2, %dma_wait3A_146] : memref<10000x128xf32, #tpu.memory_space<vmem_shared>> -> memref<128x128xf32, #tpu.memory_space<vmem_shared>>
      %dma_wait3A_148 = arith.constant 0 : i32
      %dma_wait3A_149 = arith.constant 0 : i32
      %dma_wait3A_150 = tpu.memref_slice %arg9[%dma_wait3A_148, %dma_wait3A_149] : memref<128x128xf32, #tpu.memory_space<vmem>> -> memref<128x128xf32, #tpu.memory_space<vmem>>
      tpu.wait_dma2 semaphore(%arg11 : memref<!tpu.dma_semaphore, #tpu.memory_space<semaphore_mem>>) src(%dma_wait3A_150 : memref<128x128xf32, #tpu.memory_space<vmem>>) dst(%dma_wait3A_147 : memref<128x128xf32, #tpu.memory_space<vmem_shared>>)
      %dma_wait3A_151 = arith.constant 0 : i32
      %dma_wait3A_152 = arith.constant 0 : i32
      %dma_wait3A_153 = tpu.memref_slice %arg9[%dma_wait3A_151, %dma_wait3A_152] : memref<128x128xf32, #tpu.memory_space<vmem>> -> memref<112x128xf32, #tpu.memory_space<vmem>>
      %dma_wait3A_154 = arith.constant 0 : i32
      %dma_wait3A_155 = tpu.memref_slice %arg15[%mul3A_2, %dma_wait3A_154] : memref<10000x128xf32, #tpu.memory_space<vmem_shared>> -> memref<112x128xf32, #tpu.memory_space<vmem_shared>>
      %dma_wait3A_156 = arith.constant 0 : i32
      %dma_wait3A_157 = tpu.memref_slice %arg15[%mul3A_2, %dma_wait3A_156] : memref<10000x128xf32, #tpu.memory_space<vmem_shared>> -> memref<112x128xf32, #tpu.memory_space<vmem_shared>>
      %dma_wait3A_158 = arith.constant 0 : i32
      %dma_wait3A_159 = arith.constant 0 : i32
      %dma_wait3A_160 = tpu.memref_slice %arg9[%dma_wait3A_158, %dma_wait3A_159] : memref<128x128xf32, #tpu.memory_space<vmem>> -> memref<112x128xf32, #tpu.memory_space<vmem>>
      tpu.wait_dma2 semaphore(%arg11 : memref<!tpu.dma_semaphore, #tpu.memory_space<semaphore_mem>>) src(%dma_wait3A_160 : memref<112x128xf32, #tpu.memory_space<vmem>>) dst(%dma_wait3A_157 : memref<112x128xf32, #tpu.memory_space<vmem_shared>>)
    } else {
    }
    %eq3A = arith.constant 15 : i32
    %eq3A_12 = arith.cmpi eq, %arg1, %eq3A : i32
    %convert_element_type3A_13 = arith.extui %eq3A_12 : i1 to i32
    %cond3A_14 = arith.constant 0 : i32
    %cond3A_15 = arith.cmpi ne, %convert_element_type3A_13, %cond3A_14 : i32
    scf.if %cond3A_15 {
      %dma_start3A_51 = arith.constant 0 : i32
      %dma_start3A_52 = arith.constant 0 : i32
      %dma_start3A_53 = tpu.memref_slice %arg9[%dma_start3A_51, %dma_start3A_52] : memref<128x128xf32, #tpu.memory_space<vmem>> -> memref<128x128xf32, #tpu.memory_space<vmem>>
      %dma_start3A_54 = arith.constant 9360 : i32
      %dma_start3A_55 = arith.constant 0 : i32
      %dma_start3A_56 = tpu.memref_slice %arg15[%dma_start3A_54, %dma_start3A_55] : memref<10000x128xf32, #tpu.memory_space<vmem_shared>> -> memref<128x128xf32, #tpu.memory_space<vmem_shared>>
      %dma_start3A_57 = arith.constant 9360 : i32
      %dma_start3A_58 = arith.constant 0 : i32
      %dma_start3A_59 = tpu.memref_slice %arg15[%dma_start3A_57, %dma_start3A_58] : memref<10000x128xf32, #tpu.memory_space<vmem_shared>> -> memref<128x128xf32, #tpu.memory_space<vmem_shared>>
      %dma_start3A_60 = arith.constant 0 : i32
      %dma_start3A_61 = arith.constant 0 : i32
      %dma_start3A_62 = tpu.memref_slice %arg9[%dma_start3A_60, %dma_start3A_61] : memref<128x128xf32, #tpu.memory_space<vmem>> -> memref<128x128xf32, #tpu.memory_space<vmem>>
      tpu.enqueue_dma source(%dma_start3A_62 : memref<128x128xf32, #tpu.memory_space<vmem>>) target(%dma_start3A_59 : memref<128x128xf32, #tpu.memory_space<vmem_shared>>) target_semaphore(%arg11 : memref<!tpu.dma_semaphore, #tpu.memory_space<semaphore_mem>>)
      %dma_start3A_63 = arith.constant 0 : i32
      %dma_start3A_64 = arith.constant 0 : i32
      %dma_start3A_65 = tpu.memref_slice %arg9[%dma_start3A_63, %dma_start3A_64] : memref<128x128xf32, #tpu.memory_space<vmem>> -> memref<128x128xf32, #tpu.memory_space<vmem>>
      %dma_start3A_66 = arith.constant 9488 : i32
      %dma_start3A_67 = arith.constant 0 : i32
      %dma_start3A_68 = tpu.memref_slice %arg15[%dma_start3A_66, %dma_start3A_67] : memref<10000x128xf32, #tpu.memory_space<vmem_shared>> -> memref<128x128xf32, #tpu.memory_space<vmem_shared>>
      %dma_start3A_69 = arith.constant 9488 : i32
      %dma_start3A_70 = arith.constant 0 : i32
      %dma_start3A_71 = tpu.memref_slice %arg15[%dma_start3A_69, %dma_start3A_70] : memref<10000x128xf32, #tpu.memory_space<vmem_shared>> -> memref<128x128xf32, #tpu.memory_space<vmem_shared>>
      %dma_start3A_72 = arith.constant 0 : i32
      %dma_start3A_73 = arith.constant 0 : i32
      %dma_start3A_74 = tpu.memref_slice %arg9[%dma_start3A_72, %dma_start3A_73] : memref<128x128xf32, #tpu.memory_space<vmem>> -> memref<128x128xf32, #tpu.memory_space<vmem>>
      tpu.enqueue_dma source(%dma_start3A_74 : memref<128x128xf32, #tpu.memory_space<vmem>>) target(%dma_start3A_71 : memref<128x128xf32, #tpu.memory_space<vmem_shared>>) target_semaphore(%arg11 : memref<!tpu.dma_semaphore, #tpu.memory_space<semaphore_mem>>)
      %dma_start3A_75 = arith.constant 0 : i32
      %dma_start3A_76 = arith.constant 0 : i32
      %dma_start3A_77 = tpu.memref_slice %arg9[%dma_start3A_75, %dma_start3A_76] : memref<128x128xf32, #tpu.memory_space<vmem>> -> memref<128x128xf32, #tpu.memory_space<vmem>>
      %dma_start3A_78 = arith.constant 9616 : i32
      %dma_start3A_79 = arith.constant 0 : i32
      %dma_start3A_80 = tpu.memref_slice %arg15[%dma_start3A_78, %dma_start3A_79] : memref<10000x128xf32, #tpu.memory_space<vmem_shared>> -> memref<128x128xf32, #tpu.memory_space<vmem_shared>>
      %dma_start3A_81 = arith.constant 9616 : i32
      %dma_start3A_82 = arith.constant 0 : i32
      %dma_start3A_83 = tpu.memref_slice %arg15[%dma_start3A_81, %dma_start3A_82] : memref<10000x128xf32, #tpu.memory_space<vmem_shared>> -> memref<128x128xf32, #tpu.memory_space<vmem_shared>>
      %dma_start3A_84 = arith.constant 0 : i32
      %dma_start3A_85 = arith.constant 0 : i32
      %dma_start3A_86 = tpu.memref_slice %arg9[%dma_start3A_84, %dma_start3A_85] : memref<128x128xf32, #tpu.memory_space<vmem>> -> memref<128x128xf32, #tpu.memory_space<vmem>>
      tpu.enqueue_dma source(%dma_start3A_86 : memref<128x128xf32, #tpu.memory_space<vmem>>) target(%dma_start3A_83 : memref<128x128xf32, #tpu.memory_space<vmem_shared>>) target_semaphore(%arg11 : memref<!tpu.dma_semaphore, #tpu.memory_space<semaphore_mem>>)
      %dma_start3A_87 = arith.constant 0 : i32
      %dma_start3A_88 = arith.constant 0 : i32
      %dma_start3A_89 = tpu.memref_slice %arg9[%dma_start3A_87, %dma_start3A_88] : memref<128x128xf32, #tpu.memory_space<vmem>> -> memref<128x128xf32, #tpu.memory_space<vmem>>
      %dma_start3A_90 = arith.constant 9744 : i32
      %dma_start3A_91 = arith.constant 0 : i32
      %dma_start3A_92 = tpu.memref_slice %arg15[%dma_start3A_90, %dma_start3A_91] : memref<10000x128xf32, #tpu.memory_space<vmem_shared>> -> memref<128x128xf32, #tpu.memory_space<vmem_shared>>
      %dma_start3A_93 = arith.constant 9744 : i32
      %dma_start3A_94 = arith.constant 0 : i32
      %dma_start3A_95 = tpu.memref_slice %arg15[%dma_start3A_93, %dma_start3A_94] : memref<10000x128xf32, #tpu.memory_space<vmem_shared>> -> memref<128x128xf32, #tpu.memory_space<vmem_shared>>
      %dma_start3A_96 = arith.constant 0 : i32
      %dma_start3A_97 = arith.constant 0 : i32
      %dma_start3A_98 = tpu.memref_slice %arg9[%dma_start3A_96, %dma_start3A_97] : memref<128x128xf32, #tpu.memory_space<vmem>> -> memref<128x128xf32, #tpu.memory_space<vmem>>
      tpu.enqueue_dma source(%dma_start3A_98 : memref<128x128xf32, #tpu.memory_space<vmem>>) target(%dma_start3A_95 : memref<128x128xf32, #tpu.memory_space<vmem_shared>>) target_semaphore(%arg11 : memref<!tpu.dma_semaphore, #tpu.memory_space<semaphore_mem>>)
      %dma_start3A_99 = arith.constant 0 : i32
      %dma_start3A_100 = arith.constant 0 : i32
      %dma_start3A_101 = tpu.memref_slice %arg9[%dma_start3A_99, %dma_start3A_100] : memref<128x128xf32, #tpu.memory_space<vmem>> -> memref<128x128xf32, #tpu.memory_space<vmem>>
      %dma_start3A_102 = arith.constant 9872 : i32
      %dma_start3A_103 = arith.constant 0 : i32
      %dma_start3A_104 = tpu.memref_slice %arg15[%dma_start3A_102, %dma_start3A_103] : memref<10000x128xf32, #tpu.memory_space<vmem_shared>> -> memref<128x128xf32, #tpu.memory_space<vmem_shared>>
      %dma_start3A_105 = arith.constant 9872 : i32
      %dma_start3A_106 = arith.constant 0 : i32
      %dma_start3A_107 = tpu.memref_slice %arg15[%dma_start3A_105, %dma_start3A_106] : memref<10000x128xf32, #tpu.memory_space<vmem_shared>> -> memref<128x128xf32, #tpu.memory_space<vmem_shared>>
      %dma_start3A_108 = arith.constant 0 : i32
      %dma_start3A_109 = arith.constant 0 : i32
      %dma_start3A_110 = tpu.memref_slice %arg9[%dma_start3A_108, %dma_start3A_109] : memref<128x128xf32, #tpu.memory_space<vmem>> -> memref<128x128xf32, #tpu.memory_space<vmem>>
      tpu.enqueue_dma source(%dma_start3A_110 : memref<128x128xf32, #tpu.memory_space<vmem>>) target(%dma_start3A_107 : memref<128x128xf32, #tpu.memory_space<vmem_shared>>) target_semaphore(%arg11 : memref<!tpu.dma_semaphore, #tpu.memory_space<semaphore_mem>>)
      %dma_wait3A_111 = arith.constant 0 : i32
      %dma_wait3A_112 = arith.constant 0 : i32
      %dma_wait3A_113 = tpu.memref_slice %arg9[%dma_wait3A_111, %dma_wait3A_112] : memref<128x128xf32, #tpu.memory_space<vmem>> -> memref<128x128xf32, #tpu.memory_space<vmem>>
      %dma_wait3A_114 = arith.constant 9360 : i32
      %dma_wait3A_115 = arith.constant 0 : i32
      %dma_wait3A_116 = tpu.memref_slice %arg15[%dma_wait3A_114, %dma_wait3A_115] : memref<10000x128xf32, #tpu.memory_space<vmem_shared>> -> memref<128x128xf32, #tpu.memory_space<vmem_shared>>
      %dma_wait3A_117 = arith.constant 9360 : i32
      %dma_wait3A_118 = arith.constant 0 : i32
      %dma_wait3A_119 = tpu.memref_slice %arg15[%dma_wait3A_117, %dma_wait3A_118] : memref<10000x128xf32, #tpu.memory_space<vmem_shared>> -> memref<128x128xf32, #tpu.memory_space<vmem_shared>>
      %dma_wait3A_120 = arith.constant 0 : i32
      %dma_wait3A_121 = arith.constant 0 : i32
      %dma_wait3A_122 = tpu.memref_slice %arg9[%dma_wait3A_120, %dma_wait3A_121] : memref<128x128xf32, #tpu.memory_space<vmem>> -> memref<128x128xf32, #tpu.memory_space<vmem>>
      tpu.wait_dma2 semaphore(%arg11 : memref<!tpu.dma_semaphore, #tpu.memory_space<semaphore_mem>>) src(%dma_wait3A_122 : memref<128x128xf32, #tpu.memory_space<vmem>>) dst(%dma_wait3A_119 : memref<128x128xf32, #tpu.memory_space<vmem_shared>>)
      %dma_wait3A_123 = arith.constant 0 : i32
      %dma_wait3A_124 = arith.constant 0 : i32
      %dma_wait3A_125 = tpu.memref_slice %arg9[%dma_wait3A_123, %dma_wait3A_124] : memref<128x128xf32, #tpu.memory_space<vmem>> -> memref<128x128xf32, #tpu.memory_space<vmem>>
      %dma_wait3A_126 = arith.constant 9360 : i32
      %dma_wait3A_127 = arith.constant 0 : i32
      %dma_wait3A_128 = tpu.memref_slice %arg15[%dma_wait3A_126, %dma_wait3A_127] : memref<10000x128xf32, #tpu.memory_space<vmem_shared>> -> memref<128x128xf32, #tpu.memory_space<vmem_shared>>
      %dma_wait3A_129 = arith.constant 9360 : i32
      %dma_wait3A_130 = arith.constant 0 : i32
      %dma_wait3A_131 = tpu.memref_slice %arg15[%dma_wait3A_129, %dma_wait3A_130] : memref<10000x128xf32, #tpu.memory_space<vmem_shared>> -> memref<128x128xf32, #tpu.memory_space<vmem_shared>>
      %dma_wait3A_132 = arith.constant 0 : i32
      %dma_wait3A_133 = arith.constant 0 : i32
      %dma_wait3A_134 = tpu.memref_slice %arg9[%dma_wait3A_132, %dma_wait3A_133] : memref<128x128xf32, #tpu.memory_space<vmem>> -> memref<128x128xf32, #tpu.memory_space<vmem>>
      tpu.wait_dma2 semaphore(%arg11 : memref<!tpu.dma_semaphore, #tpu.memory_space<semaphore_mem>>) src(%dma_wait3A_134 : memref<128x128xf32, #tpu.memory_space<vmem>>) dst(%dma_wait3A_131 : memref<128x128xf32, #tpu.memory_space<vmem_shared>>)
      %dma_wait3A_135 = arith.constant 0 : i32
      %dma_wait3A_136 = arith.constant 0 : i32
      %dma_wait3A_137 = tpu.memref_slice %arg9[%dma_wait3A_135, %dma_wait3A_136] : memref<128x128xf32, #tpu.memory_space<vmem>> -> memref<128x128xf32, #tpu.memory_space<vmem>>
      %dma_wait3A_138 = arith.constant 9360 : i32
      %dma_wait3A_139 = arith.constant 0 : i32
      %dma_wait3A_140 = tpu.memref_slice %arg15[%dma_wait3A_138, %dma_wait3A_139] : memref<10000x128xf32, #tpu.memory_space<vmem_shared>> -> memref<128x128xf32, #tpu.memory_space<vmem_shared>>
      %dma_wait3A_141 = arith.constant 9360 : i32
      %dma_wait3A_142 = arith.constant 0 : i32
      %dma_wait3A_143 = tpu.memref_slice %arg15[%dma_wait3A_141, %dma_wait3A_142] : memref<10000x128xf32, #tpu.memory_space<vmem_shared>> -> memref<128x128xf32, #tpu.memory_space<vmem_shared>>
      %dma_wait3A_144 = arith.constant 0 : i32
      %dma_wait3A_145 = arith.constant 0 : i32
      %dma_wait3A_146 = tpu.memref_slice %arg9[%dma_wait3A_144, %dma_wait3A_145] : memref<128x128xf32, #tpu.memory_space<vmem>> -> memref<128x128xf32, #tpu.memory_space<vmem>>
      tpu.wait_dma2 semaphore(%arg11 : memref<!tpu.dma_semaphore, #tpu.memory_space<semaphore_mem>>) src(%dma_wait3A_146 : memref<128x128xf32, #tpu.memory_space<vmem>>) dst(%dma_wait3A_143 : memref<128x128xf32, #tpu.memory_space<vmem_shared>>)
      %dma_wait3A_147 = arith.constant 0 : i32
      %dma_wait3A_148 = arith.constant 0 : i32
      %dma_wait3A_149 = tpu.memref_slice %arg9[%dma_wait3A_147, %dma_wait3A_148] : memref<128x128xf32, #tpu.memory_space<vmem>> -> memref<128x128xf32, #tpu.memory_space<vmem>>
      %dma_wait3A_150 = arith.constant 9360 : i32
      %dma_wait3A_151 = arith.constant 0 : i32
      %dma_wait3A_152 = tpu.memref_slice %arg15[%dma_wait3A_150, %dma_wait3A_151] : memref<10000x128xf32, #tpu.memory_space<vmem_shared>> -> memref<128x128xf32, #tpu.memory_space<vmem_shared>>
      %dma_wait3A_153 = arith.constant 9360 : i32
      %dma_wait3A_154 = arith.constant 0 : i32
      %dma_wait3A_155 = tpu.memref_slice %arg15[%dma_wait3A_153, %dma_wait3A_154] : memref<10000x128xf32, #tpu.memory_space<vmem_shared>> -> memref<128x128xf32, #tpu.memory_space<vmem_shared>>
      %dma_wait3A_156 = arith.constant 0 : i32
      %dma_wait3A_157 = arith.constant 0 : i32
      %dma_wait3A_158 = tpu.memref_slice %arg9[%dma_wait3A_156, %dma_wait3A_157] : memref<128x128xf32, #tpu.memory_space<vmem>> -> memref<128x128xf32, #tpu.memory_space<vmem>>
      tpu.wait_dma2 semaphore(%arg11 : memref<!tpu.dma_semaphore, #tpu.memory_space<semaphore_mem>>) src(%dma_wait3A_158 : memref<128x128xf32, #tpu.memory_space<vmem>>) dst(%dma_wait3A_155 : memref<128x128xf32, #tpu.memory_space<vmem_shared>>)
      %dma_wait3A_159 = arith.constant 0 : i32
      %dma_wait3A_160 = arith.constant 0 : i32
      %dma_wait3A_161 = tpu.memref_slice %arg9[%dma_wait3A_159, %dma_wait3A_160] : memref<128x128xf32, #tpu.memory_space<vmem>> -> memref<128x128xf32, #tpu.memory_space<vmem>>
      %dma_wait3A_162 = arith.constant 9360 : i32
      %dma_wait3A_163 = arith.constant 0 : i32
      %dma_wait3A_164 = tpu.memref_slice %arg15[%dma_wait3A_162, %dma_wait3A_163] : memref<10000x128xf32, #tpu.memory_space<vmem_shared>> -> memref<128x128xf32, #tpu.memory_space<vmem_shared>>
      %dma_wait3A_165 = arith.constant 9360 : i32
      %dma_wait3A_166 = arith.constant 0 : i32
      %dma_wait3A_167 = tpu.memref_slice %arg15[%dma_wait3A_165, %dma_wait3A_166] : memref<10000x128xf32, #tpu.memory_space<vmem_shared>> -> memref<128x128xf32, #tpu.memory_space<vmem_shared>>
      %dma_wait3A_168 = arith.constant 0 : i32
      %dma_wait3A_169 = arith.constant 0 : i32
      %dma_wait3A_170 = tpu.memref_slice %arg9[%dma_wait3A_168, %dma_wait3A_169] : memref<128x128xf32, #tpu.memory_space<vmem>> -> memref<128x128xf32, #tpu.memory_space<vmem>>
      tpu.wait_dma2 semaphore(%arg11 : memref<!tpu.dma_semaphore, #tpu.memory_space<semaphore_mem>>) src(%dma_wait3A_170 : memref<128x128xf32, #tpu.memory_space<vmem>>) dst(%dma_wait3A_167 : memref<128x128xf32, #tpu.memory_space<vmem_shared>>)
    } else {
    }
    %barrier3A = arith.constant 0 : index
    tpu.barrier barrier_id(%barrier3A)
    %mul3A_16 = arith.constant 128 : i32
    %mul3A_17 = arith.muli %add3A, %mul3A_16 : i32
    "tpu.region"() ({
      %run_scoped3A = tpu.sem_alloc : memref<!tpu.dma_semaphore, #tpu.memory_space<semaphore_mem>>
      %dma_start3A_51 = tpu.memref_slice %arg3[%mul3A_17] : memref<323584xi32, #tpu.memory_space<hbm>> -> memref<128xi32, #tpu.memory_space<hbm>>
      %dma_start3A_52 = tpu.memref_slice %arg3[%mul3A_17] : memref<323584xi32, #tpu.memory_space<hbm>> -> memref<128xi32, #tpu.memory_space<hbm>>
      tpu.enqueue_dma source(%dma_start3A_52 : memref<128xi32, #tpu.memory_space<hbm>>) target(%arg6 : memref<128xi32, #tpu.memory_space<vmem>>) target_semaphore(%run_scoped3A : memref<!tpu.dma_semaphore, #tpu.memory_space<semaphore_mem>>)
      %dma_wait3A_53 = tpu.memref_slice %arg3[%mul3A_17] : memref<323584xi32, #tpu.memory_space<hbm>> -> memref<128xi32, #tpu.memory_space<hbm>>
      %dma_wait3A_54 = tpu.memref_slice %arg3[%mul3A_17] : memref<323584xi32, #tpu.memory_space<hbm>> -> memref<128xi32, #tpu.memory_space<hbm>>
      tpu.wait_dma2 semaphore(%run_scoped3A : memref<!tpu.dma_semaphore, #tpu.memory_space<semaphore_mem>>) src(%dma_wait3A_54 : memref<128xi32, #tpu.memory_space<hbm>>) dst(%arg6 : memref<128xi32, #tpu.memory_space<vmem>>)
      tpu.yield
    }) : () -> ()
    %dma_start3A = arith.constant 0 : i32
    %dma_start3A_18 = arith.constant 0 : i32
    %dma_start3A_19 = tpu.memref_slice %arg2[%dma_start3A, %dma_start3A_18] : memref<10000x128xf32, #tpu.memory_space<hbm>> -> memref<10000x128xf32, #tpu.memory_space<hbm>>
    tpu.enqueue_indirect_dma source(%dma_start3A_19 : memref<10000x128xf32, #tpu.memory_space<hbm>>) target(%arg9 : memref<128x128xf32, #tpu.memory_space<vmem>>) offsets(%arg6 : memref<128xi32, #tpu.memory_space<vmem>>) semaphore(%arg11 : memref<!tpu.dma_semaphore, #tpu.memory_space<semaphore_mem>>)
    %add3A_20 = arith.constant 32 : i32
    %add3A_21 = arith.addi %add3A_20, %add3A : i32
    %mul3A_22 = arith.constant 128 : i32
    %mul3A_23 = arith.muli %add3A_21, %mul3A_22 : i32
    %dma_start3A_24 = tpu.memref_slice %arg3[%mul3A_23] : memref<323584xi32, #tpu.memory_space<hbm>> -> memref<128xi32, #tpu.memory_space<hbm>>
    %dma_start3A_25 = tpu.memref_slice %arg3[%mul3A_23] : memref<323584xi32, #tpu.memory_space<hbm>> -> memref<128xi32, #tpu.memory_space<hbm>>
    tpu.enqueue_dma source(%dma_start3A_25 : memref<128xi32, #tpu.memory_space<hbm>>) target(%arg7 : memref<128xi32, #tpu.memory_space<vmem>>) target_semaphore(%arg14 : memref<!tpu.dma_semaphore, #tpu.memory_space<semaphore_mem>>)
    %scan3A_26 = arith.constant 0 : i32
    %scan3A_27 = arith.constant 0 : i32
    %scan3A_28 = arith.constant 39 : i32
    %scan3A_29 = arith.addi %scan3A_27, %scan3A_28 : i32
    %scan3A_30 = arith.constant 1 : i32
    %scan3A_31 = scf.for %scan3A_51 = %scan3A_27 to %scan3A_29 step %scan3A_30 iter_args(%scan3A_52 = %scan3A_26) -> (i32)  : i32 {
      %mul3A_53 = arith.constant 2 : i32
      %mul3A_54 = arith.muli %mul3A_53, %scan3A_51 : i32
      %dma_wait3A_55 = arith.constant 0 : i32
      %dma_wait3A_56 = tpu.memref_slice %arg3[%dma_wait3A_55] : memref<323584xi32, #tpu.memory_space<hbm>> -> memref<128xi32, #tpu.memory_space<hbm>>
      %dma_wait3A_57 = arith.constant 0 : i32
      %dma_wait3A_58 = tpu.memref_slice %arg3[%dma_wait3A_57] : memref<323584xi32, #tpu.memory_space<hbm>> -> memref<128xi32, #tpu.memory_space<hbm>>
      tpu.wait_dma2 semaphore(%arg14 : memref<!tpu.dma_semaphore, #tpu.memory_space<semaphore_mem>>) src(%dma_wait3A_58 : memref<128xi32, #tpu.memory_space<hbm>>) dst(%arg7 : memref<128xi32, #tpu.memory_space<vmem>>)
      %dma_start3A_59 = arith.constant 0 : i32
      %dma_start3A_60 = arith.constant 0 : i32
      %dma_start3A_61 = tpu.memref_slice %arg2[%dma_start3A_59, %dma_start3A_60] : memref<10000x128xf32, #tpu.memory_space<hbm>> -> memref<10000x128xf32, #tpu.memory_space<hbm>>
      tpu.enqueue_indirect_dma source(%dma_start3A_61 : memref<10000x128xf32, #tpu.memory_space<hbm>>) target(%arg10 : memref<128x128xf32, #tpu.memory_space<vmem>>) offsets(%arg7 : memref<128xi32, #tpu.memory_space<vmem>>) semaphore(%arg12 : memref<!tpu.dma_semaphore, #tpu.memory_space<semaphore_mem>>)
      %dma_wait3A_62 = arith.constant 0 : i32
      %dma_wait3A_63 = arith.constant 0 : i32
      %dma_wait3A_64 = tpu.memref_slice %arg2[%dma_wait3A_62, %dma_wait3A_63] : memref<10000x128xf32, #tpu.memory_space<hbm>> -> memref<10000x128xf32, #tpu.memory_space<hbm>>
      tpu.wait_indirect_dma semaphore(%arg11 : memref<!tpu.dma_semaphore, #tpu.memory_space<semaphore_mem>>) src(%dma_wait3A_64 : memref<10000x128xf32, #tpu.memory_space<hbm>>) dst(%arg9 : memref<128x128xf32, #tpu.memory_space<vmem>>)
      %add3A_65 = arith.constant 2 : i32
      %add3A_66 = arith.addi %mul3A_54, %add3A_65 : i32
      %mul3A_67 = arith.constant 32 : i32
      %mul3A_68 = arith.muli %add3A_66, %mul3A_67 : i32
      %add3A_69 = arith.addi %mul3A_68, %add3A : i32
      %mul3A_70 = arith.constant 128 : i32
      %mul3A_71 = arith.muli %add3A_69, %mul3A_70 : i32
      %dma_start3A_72 = tpu.memref_slice %arg3[%mul3A_71] : memref<323584xi32, #tpu.memory_space<hbm>> -> memref<128xi32, #tpu.memory_space<hbm>>
      %dma_start3A_73 = tpu.memref_slice %arg3[%mul3A_71] : memref<323584xi32, #tpu.memory_space<hbm>> -> memref<128xi32, #tpu.memory_space<hbm>>
      tpu.enqueue_dma source(%dma_start3A_73 : memref<128xi32, #tpu.memory_space<hbm>>) target(%arg6 : memref<128xi32, #tpu.memory_space<vmem>>) target_semaphore(%arg13 : memref<!tpu.dma_semaphore, #tpu.memory_space<semaphore_mem>>)
      "tpu.region"() ({
        %run_scoped3A = tpu.sem_alloc : memref<!tpu.dma_semaphore, #tpu.memory_space<semaphore_mem>>
        %dma_start3A_92 = arith.constant 0 : i32
        %dma_start3A_93 = tpu.memref_slice %arg8[%mul3A_54, %dma_start3A_92] : memref<79x128xi32, #tpu.memory_space<vmem>> -> memref<1x128xi32, #tpu.memory_space<vmem>>
        %dma_start3A_94 = tpu.memref_squeeze %dma_start3A_93 : memref<1x128xi32, #tpu.memory_space<vmem>> -> memref<128xi32, #tpu.memory_space<vmem>>
        %dma_start3A_95 = arith.constant 0 : i32
        %dma_start3A_96 = arith.constant 0 : i32
        %dma_start3A_97 = tpu.memref_slice %arg15[%dma_start3A_95, %dma_start3A_96] : memref<10000x128xf32, #tpu.memory_space<vmem_shared>> -> memref<10000x128xf32, #tpu.memory_space<vmem_shared>>
        tpu.enqueue_indirect_dma source(%arg9 : memref<128x128xf32, #tpu.memory_space<vmem>>) target(%dma_start3A_97 : memref<10000x128xf32, #tpu.memory_space<vmem_shared>>) offsets(%dma_start3A_94 : memref<128xi32, #tpu.memory_space<vmem>>) semaphore(%run_scoped3A : memref<!tpu.dma_semaphore, #tpu.memory_space<semaphore_mem>>) {add = true}
        %dma_wait3A_98 = arith.constant 0 : i32
        %dma_wait3A_99 = tpu.memref_slice %arg8[%mul3A_54, %dma_wait3A_98] : memref<79x128xi32, #tpu.memory_space<vmem>> -> memref<1x128xi32, #tpu.memory_space<vmem>>
        %dma_wait3A_100 = tpu.memref_squeeze %dma_wait3A_99 : memref<1x128xi32, #tpu.memory_space<vmem>> -> memref<128xi32, #tpu.memory_space<vmem>>
        %dma_wait3A_101 = arith.constant 0 : i32
        %dma_wait3A_102 = arith.constant 0 : i32
        %dma_wait3A_103 = tpu.memref_slice %arg15[%dma_wait3A_101, %dma_wait3A_102] : memref<10000x128xf32, #tpu.memory_space<vmem_shared>> -> memref<10000x128xf32, #tpu.memory_space<vmem_shared>>
        tpu.wait_indirect_dma semaphore(%run_scoped3A : memref<!tpu.dma_semaphore, #tpu.memory_space<semaphore_mem>>) src(%arg9 : memref<128x128xf32, #tpu.memory_space<vmem>>) dst(%dma_wait3A_103 : memref<10000x128xf32, #tpu.memory_space<vmem_shared>>)
        tpu.yield
      }) : () -> ()
      %dma_wait3A_74 = arith.constant 0 : i32
      %dma_wait3A_75 = tpu.memref_slice %arg3[%dma_wait3A_74] : memref<323584xi32, #tpu.memory_space<hbm>> -> memref<128xi32, #tpu.memory_space<hbm>>
      %dma_wait3A_76 = arith.constant 0 : i32
      %dma_wait3A_77 = tpu.memref_slice %arg3[%dma_wait3A_76] : memref<323584xi32, #tpu.memory_space<hbm>> -> memref<128xi32, #tpu.memory_space<hbm>>
      tpu.wait_dma2 semaphore(%arg13 : memref<!tpu.dma_semaphore, #tpu.memory_space<semaphore_mem>>) src(%dma_wait3A_77 : memref<128xi32, #tpu.memory_space<hbm>>) dst(%arg6 : memref<128xi32, #tpu.memory_space<vmem>>)
      %dma_start3A_78 = arith.constant 0 : i32
      %dma_start3A_79 = arith.constant 0 : i32
      %dma_start3A_80 = tpu.memref_slice %arg2[%dma_start3A_78, %dma_start3A_79] : memref<10000x128xf32, #tpu.memory_space<hbm>> -> memref<10000x128xf32, #tpu.memory_space<hbm>>
      tpu.enqueue_indirect_dma source(%dma_start3A_80 : memref<10000x128xf32, #tpu.memory_space<hbm>>) target(%arg9 : memref<128x128xf32, #tpu.memory_space<vmem>>) offsets(%arg6 : memref<128xi32, #tpu.memory_space<vmem>>) semaphore(%arg11 : memref<!tpu.dma_semaphore, #tpu.memory_space<semaphore_mem>>)
      %dma_wait3A_81 = arith.constant 0 : i32
      %dma_wait3A_82 = arith.constant 0 : i32
      %dma_wait3A_83 = tpu.memref_slice %arg2[%dma_wait3A_81, %dma_wait3A_82] : memref<10000x128xf32, #tpu.memory_space<hbm>> -> memref<10000x128xf32, #tpu.memory_space<hbm>>
      tpu.wait_indirect_dma semaphore(%arg12 : memref<!tpu.dma_semaphore, #tpu.memory_space<semaphore_mem>>) src(%dma_wait3A_83 : memref<10000x128xf32, #tpu.memory_space<hbm>>) dst(%arg10 : memref<128x128xf32, #tpu.memory_space<vmem>>)
      %lt3A_84 = arith.constant 38 : i32
      %lt3A_85 = arith.cmpi slt, %scan3A_51, %lt3A_84 : i32
      %convert_element_type3A_86 = arith.extui %lt3A_85 : i1 to i32
      %cond3A_87 = arith.constant 0 : i32
      %cond3A_88 = arith.cmpi ne, %convert_element_type3A_86, %cond3A_87 : i32
      scf.if %cond3A_88 {
        %add3A_92 = arith.constant 3 : i32
        %add3A_93 = arith.addi %mul3A_54, %add3A_92 : i32
        %mul3A_94 = arith.constant 32 : i32
        %mul3A_95 = arith.muli %add3A_93, %mul3A_94 : i32
        %add3A_96 = arith.addi %mul3A_95, %add3A : i32
        %mul3A_97 = arith.constant 128 : i32
        %mul3A_98 = arith.muli %add3A_96, %mul3A_97 : i32
        %dma_start3A_99 = tpu.memref_slice %arg3[%mul3A_98] : memref<323584xi32, #tpu.memory_space<hbm>> -> memref<128xi32, #tpu.memory_space<hbm>>
        %dma_start3A_100 = tpu.memref_slice %arg3[%mul3A_98] : memref<323584xi32, #tpu.memory_space<hbm>> -> memref<128xi32, #tpu.memory_space<hbm>>
        tpu.enqueue_dma source(%dma_start3A_100 : memref<128xi32, #tpu.memory_space<hbm>>) target(%arg7 : memref<128xi32, #tpu.memory_space<vmem>>) target_semaphore(%arg14 : memref<!tpu.dma_semaphore, #tpu.memory_space<semaphore_mem>>)
      } else {
      }
      %add3A_89 = arith.constant 1 : i32
      %add3A_90 = arith.addi %mul3A_54, %add3A_89 : i32
      "tpu.region"() ({
        %run_scoped3A = tpu.sem_alloc : memref<!tpu.dma_semaphore, #tpu.memory_space<semaphore_mem>>
        %dma_start3A_92 = arith.constant 0 : i32
        %dma_start3A_93 = tpu.memref_slice %arg8[%add3A_90, %dma_start3A_92] : memref<79x128xi32, #tpu.memory_space<vmem>> -> memref<1x128xi32, #tpu.memory_space<vmem>>
        %dma_start3A_94 = tpu.memref_squeeze %dma_start3A_93 : memref<1x128xi32, #tpu.memory_space<vmem>> -> memref<128xi32, #tpu.memory_space<vmem>>
        %dma_start3A_95 = arith.constant 0 : i32
        %dma_start3A_96 = arith.constant 0 : i32
        %dma_start3A_97 = tpu.memref_slice %arg15[%dma_start3A_95, %dma_start3A_96] : memref<10000x128xf32, #tpu.memory_space<vmem_shared>> -> memref<10000x128xf32, #tpu.memory_space<vmem_shared>>
        tpu.enqueue_indirect_dma source(%arg10 : memref<128x128xf32, #tpu.memory_space<vmem>>) target(%dma_start3A_97 : memref<10000x128xf32, #tpu.memory_space<vmem_shared>>) offsets(%dma_start3A_94 : memref<128xi32, #tpu.memory_space<vmem>>) semaphore(%run_scoped3A : memref<!tpu.dma_semaphore, #tpu.memory_space<semaphore_mem>>) {add = true}
        %dma_wait3A_98 = arith.constant 0 : i32
        %dma_wait3A_99 = tpu.memref_slice %arg8[%add3A_90, %dma_wait3A_98] : memref<79x128xi32, #tpu.memory_space<vmem>> -> memref<1x128xi32, #tpu.memory_space<vmem>>
        %dma_wait3A_100 = tpu.memref_squeeze %dma_wait3A_99 : memref<1x128xi32, #tpu.memory_space<vmem>> -> memref<128xi32, #tpu.memory_space<vmem>>
        %dma_wait3A_101 = arith.constant 0 : i32
        %dma_wait3A_102 = arith.constant 0 : i32
        %dma_wait3A_103 = tpu.memref_slice %arg15[%dma_wait3A_101, %dma_wait3A_102] : memref<10000x128xf32, #tpu.memory_space<vmem_shared>> -> memref<10000x128xf32, #tpu.memory_space<vmem_shared>>
        tpu.wait_indirect_dma semaphore(%run_scoped3A : memref<!tpu.dma_semaphore, #tpu.memory_space<semaphore_mem>>) src(%arg10 : memref<128x128xf32, #tpu.memory_space<vmem>>) dst(%dma_wait3A_103 : memref<10000x128xf32, #tpu.memory_space<vmem_shared>>)
        tpu.yield
      }) : () -> ()
      %scan3A_91 = arith.constant 0 : i32
      scf.yield %scan3A_91 : i32
    }
    %scan3A_32 = arith.constant 39 : i32
    %dma_wait3A = arith.constant 0 : i32
    %dma_wait3A_33 = arith.constant 0 : i32
    %dma_wait3A_34 = tpu.memref_slice %arg2[%dma_wait3A, %dma_wait3A_33] : memref<10000x128xf32, #tpu.memory_space<hbm>> -> memref<10000x128xf32, #tpu.memory_space<hbm>>
    tpu.wait_indirect_dma semaphore(%arg11 : memref<!tpu.dma_semaphore, #tpu.memory_space<semaphore_mem>>) src(%dma_wait3A_34 : memref<10000x128xf32, #tpu.memory_space<hbm>>) dst(%arg9 : memref<128x128xf32, #tpu.memory_space<vmem>>)
    %lt3A_35 = arith.constant 4 : i32
    %lt3A_36 = arith.cmpi slt, %add3A, %lt3A_35 : i32
    %convert_element_type3A_37 = arith.extui %lt3A_36 : i1 to i32
    %cond3A_38 = arith.constant 0 : i32
    %cond3A_39 = arith.cmpi ne, %convert_element_type3A_37, %cond3A_38 : i32
    scf.if %cond3A_39 {
      %run_scoped3A = arith.constant 78 : i32
      "tpu.region"() ({
        %run_scoped3A_51 = tpu.sem_alloc : memref<!tpu.dma_semaphore, #tpu.memory_space<semaphore_mem>>
        %dma_start3A_52 = arith.constant 0 : i32
        %dma_start3A_53 = tpu.memref_slice %arg8[%run_scoped3A, %dma_start3A_52] : memref<79x128xi32, #tpu.memory_space<vmem>> -> memref<1x128xi32, #tpu.memory_space<vmem>>
        %dma_start3A_54 = tpu.memref_squeeze %dma_start3A_53 : memref<1x128xi32, #tpu.memory_space<vmem>> -> memref<128xi32, #tpu.memory_space<vmem>>
        %dma_start3A_55 = arith.constant 0 : i32
        %dma_start3A_56 = arith.constant 0 : i32
        %dma_start3A_57 = tpu.memref_slice %arg15[%dma_start3A_55, %dma_start3A_56] : memref<10000x128xf32, #tpu.memory_space<vmem_shared>> -> memref<10000x128xf32, #tpu.memory_space<vmem_shared>>
        tpu.enqueue_indirect_dma source(%arg9 : memref<128x128xf32, #tpu.memory_space<vmem>>) target(%dma_start3A_57 : memref<10000x128xf32, #tpu.memory_space<vmem_shared>>) offsets(%dma_start3A_54 : memref<128xi32, #tpu.memory_space<vmem>>) semaphore(%run_scoped3A_51 : memref<!tpu.dma_semaphore, #tpu.memory_space<semaphore_mem>>) {add = true}
        %dma_wait3A_58 = arith.constant 0 : i32
        %dma_wait3A_59 = tpu.memref_slice %arg8[%run_scoped3A, %dma_wait3A_58] : memref<79x128xi32, #tpu.memory_space<vmem>> -> memref<1x128xi32, #tpu.memory_space<vmem>>
        %dma_wait3A_60 = tpu.memref_squeeze %dma_wait3A_59 : memref<1x128xi32, #tpu.memory_space<vmem>> -> memref<128xi32, #tpu.memory_space<vmem>>
        %dma_wait3A_61 = arith.constant 0 : i32
        %dma_wait3A_62 = arith.constant 0 : i32
        %dma_wait3A_63 = tpu.memref_slice %arg15[%dma_wait3A_61, %dma_wait3A_62] : memref<10000x128xf32, #tpu.memory_space<vmem_shared>> -> memref<10000x128xf32, #tpu.memory_space<vmem_shared>>
        tpu.wait_indirect_dma semaphore(%run_scoped3A_51 : memref<!tpu.dma_semaphore, #tpu.memory_space<semaphore_mem>>) src(%arg9 : memref<128x128xf32, #tpu.memory_space<vmem>>) dst(%dma_wait3A_63 : memref<10000x128xf32, #tpu.memory_space<vmem_shared>>)
        tpu.yield
      }) : () -> ()
    } else {
    }
    %barrier3A_40 = arith.constant 0 : index
    tpu.barrier barrier_id(%barrier3A_40)
    %lt3A_41 = arith.constant 15 : i32
    %lt3A_42 = arith.cmpi slt, %arg1, %lt3A_41 : i32
    %convert_element_type3A_43 = arith.extui %lt3A_42 : i1 to i32
    %cond3A_44 = arith.constant 0 : i32
    %cond3A_45 = arith.cmpi ne, %convert_element_type3A_43, %cond3A_44 : i32
    scf.if %cond3A_45 {
      "tpu.region"() ({
        %run_scoped3A = tpu.sem_alloc : memref<!tpu.dma_semaphore, #tpu.memory_space<semaphore_mem>>
        %dma_start3A_51 = arith.constant 0 : i32
        %dma_start3A_52 = tpu.memref_slice %arg5[%arg0, %mul3A_2, %dma_start3A_51] : memref<2x10000x128xf32, #tpu.memory_space<hbm>> -> memref<1x624x128xf32, #tpu.memory_space<hbm>>
        %dma_start3A_53 = tpu.memref_squeeze %dma_start3A_52 : memref<1x624x128xf32, #tpu.memory_space<hbm>> -> memref<624x128xf32, #tpu.memory_space<hbm>>
        %dma_start3A_54 = arith.constant 0 : i32
        %dma_start3A_55 = tpu.memref_slice %arg15[%mul3A_2, %dma_start3A_54] : memref<10000x128xf32, #tpu.memory_space<vmem_shared>> -> memref<624x128xf32, #tpu.memory_space<vmem_shared>>
        tpu.enqueue_dma source(%dma_start3A_55 : memref<624x128xf32, #tpu.memory_space<vmem_shared>>) target(%dma_start3A_53 : memref<624x128xf32, #tpu.memory_space<hbm>>) target_semaphore(%run_scoped3A : memref<!tpu.dma_semaphore, #tpu.memory_space<semaphore_mem>>)
        %dma_wait3A_56 = arith.constant 0 : i32
        %dma_wait3A_57 = tpu.memref_slice %arg5[%arg0, %mul3A_2, %dma_wait3A_56] : memref<2x10000x128xf32, #tpu.memory_space<hbm>> -> memref<1x624x128xf32, #tpu.memory_space<hbm>>
        %dma_wait3A_58 = tpu.memref_squeeze %dma_wait3A_57 : memref<1x624x128xf32, #tpu.memory_space<hbm>> -> memref<624x128xf32, #tpu.memory_space<hbm>>
        %dma_wait3A_59 = arith.constant 0 : i32
        %dma_wait3A_60 = tpu.memref_slice %arg15[%mul3A_2, %dma_wait3A_59] : memref<10000x128xf32, #tpu.memory_space<vmem_shared>> -> memref<624x128xf32, #tpu.memory_space<vmem_shared>>
        tpu.wait_dma2 semaphore(%run_scoped3A : memref<!tpu.dma_semaphore, #tpu.memory_space<semaphore_mem>>) src(%dma_wait3A_60 : memref<624x128xf32, #tpu.memory_space<vmem_shared>>) dst(%dma_wait3A_58 : memref<624x128xf32, #tpu.memory_space<hbm>>)
        tpu.yield
      }) : () -> ()
    } else {
    }
    %eq3A_46 = arith.constant 15 : i32
    %eq3A_47 = arith.cmpi eq, %arg1, %eq3A_46 : i32
    %convert_element_type3A_48 = arith.extui %eq3A_47 : i1 to i32
    %cond3A_49 = arith.constant 0 : i32
    %cond3A_50 = arith.cmpi ne, %convert_element_type3A_48, %cond3A_49 : i32
    scf.if %cond3A_50 {
      "tpu.region"() ({
        %run_scoped3A = tpu.sem_alloc : memref<!tpu.dma_semaphore, #tpu.memory_space<semaphore_mem>>
        %dma_start3A_51 = arith.constant 9360 : i32
        %dma_start3A_52 = arith.constant 0 : i32
        %dma_start3A_53 = tpu.memref_slice %arg5[%arg0, %dma_start3A_51, %dma_start3A_52] : memref<2x10000x128xf32, #tpu.memory_space<hbm>> -> memref<1x640x128xf32, #tpu.memory_space<hbm>>
        %dma_start3A_54 = tpu.memref_squeeze %dma_start3A_53 : memref<1x640x128xf32, #tpu.memory_space<hbm>> -> memref<640x128xf32, #tpu.memory_space<hbm>>
        %dma_start3A_55 = arith.constant 9360 : i32
        %dma_start3A_56 = arith.constant 0 : i32
        %dma_start3A_57 = tpu.memref_slice %arg15[%dma_start3A_55, %dma_start3A_56] : memref<10000x128xf32, #tpu.memory_space<vmem_shared>> -> memref<640x128xf32, #tpu.memory_space<vmem_shared>>
        tpu.enqueue_dma source(%dma_start3A_57 : memref<640x128xf32, #tpu.memory_space<vmem_shared>>) target(%dma_start3A_54 : memref<640x128xf32, #tpu.memory_space<hbm>>) target_semaphore(%run_scoped3A : memref<!tpu.dma_semaphore, #tpu.memory_space<semaphore_mem>>)
        %dma_wait3A_58 = arith.constant 9360 : i32
        %dma_wait3A_59 = arith.constant 0 : i32
        %dma_wait3A_60 = tpu.memref_slice %arg5[%arg0, %dma_wait3A_58, %dma_wait3A_59] : memref<2x10000x128xf32, #tpu.memory_space<hbm>> -> memref<1x640x128xf32, #tpu.memory_space<hbm>>
        %dma_wait3A_61 = tpu.memref_squeeze %dma_wait3A_60 : memref<1x640x128xf32, #tpu.memory_space<hbm>> -> memref<640x128xf32, #tpu.memory_space<hbm>>
        %dma_wait3A_62 = arith.constant 9360 : i32
        %dma_wait3A_63 = arith.constant 0 : i32
        %dma_wait3A_64 = tpu.memref_slice %arg15[%dma_wait3A_62, %dma_wait3A_63] : memref<10000x128xf32, #tpu.memory_space<vmem_shared>> -> memref<640x128xf32, #tpu.memory_space<vmem_shared>>
        tpu.wait_dma2 semaphore(%run_scoped3A : memref<!tpu.dma_semaphore, #tpu.memory_space<semaphore_mem>>) src(%dma_wait3A_64 : memref<640x128xf32, #tpu.memory_space<vmem_shared>>) dst(%dma_wait3A_61 : memref<640x128xf32, #tpu.memory_space<hbm>>)
        tpu.yield
      }) : () -> ()
    } else {
    }
    return
  }
}

module attributes {stable_mosaic.version = 14 : i64} {
  func.func @_tc_dense_body(%arg0: i32, %arg1: memref<2x1000x128xf32, #tpu.memory_space<vmem>>, %arg2: memref<2x1000x16xf32, #tpu.memory_space<vmem>>, %arg3: memref<1000x128xf32, #tpu.memory_space<vmem>>, %arg4: memref<128x128xf32, #tpu.memory_space<vmem>>, %arg5: memref<128x128xf32, #tpu.memory_space<vmem>>, %arg6: memref<1x128xf32, #tpu.memory_space<vmem>>, %arg7: memref<1000x128xf32, #tpu.memory_space<vmem>>) attributes {dimension_semantics = [#tpu.dimension_semantics<arbitrary>], iteration_bounds = array<i64: 10>, scalar_prefetch = 0 : i64, scratch_operands = 0 : i64, tpu.core_type = #tpu.core_type<tc>, window_params = [{transform_indices = @transform_0, window_bounds = array<i64: 2, 1000, 128>}, {transform_indices = @transform_1, window_bounds = array<i64: 2, 1000, 16>}, {transform_indices = @transform_2, window_bounds = array<i64: 1000, 128>}, {pipeline_mode = #tpu.pipeline_mode<synchronous>, transform_indices = @transform_3, window_bounds = array<i64: 128, 128>}, {pipeline_mode = #tpu.pipeline_mode<synchronous>, transform_indices = @transform_4, window_bounds = array<i64: 128, 128>}, {pipeline_mode = #tpu.pipeline_mode<synchronous>, transform_indices = @transform_5, window_bounds = array<i64: 1, 128>}, {transform_indices = @transform_6, window_bounds = array<i64: 1000, 128>}]} {
    %get3A = arith.constant 0 : index
    %get3A_0 = arith.constant 0 : index
    %get3A_1 = arith.constant 0 : index
    %get3A_2 = vector.load %arg1[%get3A, %get3A_0, %get3A_1] : memref<2x1000x128xf32, #tpu.memory_space<vmem>>, vector<1x1000x128xf32>
    %get3A_3 = vector.shape_cast %get3A_2 : vector<1x1000x128xf32> to vector<1000x128xf32>
    %get3A_4 = arith.constant 1 : index
    %get3A_5 = arith.constant 0 : index
    %get3A_6 = arith.constant 0 : index
    %get3A_7 = vector.load %arg1[%get3A_4, %get3A_5, %get3A_6] : memref<2x1000x128xf32, #tpu.memory_space<vmem>>, vector<1x1000x128xf32>
    %get3A_8 = vector.shape_cast %get3A_7 : vector<1x1000x128xf32> to vector<1000x128xf32>
    %add3A = arith.addf %get3A_3, %get3A_8 : vector<1000x128xf32>
    %get3A_9 = arith.constant 0 : index
    %get3A_10 = arith.constant 0 : index
    %get3A_11 = arith.constant 0 : index
    %get3A_12 = vector.load %arg2[%get3A_9, %get3A_10, %get3A_11] : memref<2x1000x16xf32, #tpu.memory_space<vmem>>, vector<1x1000x1xf32>
    %get3A_13 = vector.shape_cast %get3A_12 : vector<1x1000x1xf32> to vector<1000x1xf32>
    %get3A_14 = arith.constant 1 : index
    %get3A_15 = arith.constant 0 : index
    %get3A_16 = arith.constant 0 : index
    %get3A_17 = vector.load %arg2[%get3A_14, %get3A_15, %get3A_16] : memref<2x1000x16xf32, #tpu.memory_space<vmem>>, vector<1x1000x1xf32>
    %get3A_18 = vector.shape_cast %get3A_17 : vector<1x1000x1xf32> to vector<1000x1xf32>
    %add3A_19 = arith.addf %get3A_13, %get3A_18 : vector<1000x1xf32>
    %max3A = arith.constant 1.000000e+00 : f32
    %max3A_20 = vector.broadcast %max3A : f32 to vector<1000x1xf32>
    %max3A_21 = arith.maximumf %add3A_19, %max3A_20 : vector<1000x1xf32>
    %div3A = vector.broadcast %max3A_21 : vector<1000x1xf32> to vector<1000x128xf32>
    %div3A_22 = arith.divf %add3A, %div3A : vector<1000x128xf32>
    %get3A_23 = arith.constant 0 : index
    %get3A_24 = arith.constant 0 : index
    %get3A_25 = vector.load %arg4[%get3A_23, %get3A_24] : memref<128x128xf32, #tpu.memory_space<vmem>>, vector<128x128xf32>
    %dot_general3A = arith.constant dense<0.000000e+00> : vector<1000x128xf32>
    %dot_general3A_26 = tpu.matmul %div3A_22, %get3A_25, %dot_general3A {dimension_numbers = #tpu.dot_dimension_numbers<[1], [0], [0], [1], [0, 0, 1, 1], [], []>, transpose_lhs_hint = false} : vector<1000x128xf32>, vector<128x128xf32>, vector<1000x128xf32> -> vector<1000x128xf32>
    %get3A_27 = arith.constant 0 : index
    %get3A_28 = arith.constant 0 : index
    %get3A_29 = vector.load %arg3[%get3A_27, %get3A_28] : memref<1000x128xf32, #tpu.memory_space<vmem>>, vector<1000x128xf32>
    %get3A_30 = arith.constant 0 : index
    %get3A_31 = arith.constant 0 : index
    %get3A_32 = vector.load %arg5[%get3A_30, %get3A_31] : memref<128x128xf32, #tpu.memory_space<vmem>>, vector<128x128xf32>
    %dot_general3A_33 = arith.constant dense<0.000000e+00> : vector<1000x128xf32>
    %dot_general3A_34 = tpu.matmul %get3A_29, %get3A_32, %dot_general3A_33 {dimension_numbers = #tpu.dot_dimension_numbers<[1], [0], [0], [1], [0, 0, 1, 1], [], []>, transpose_lhs_hint = false} : vector<1000x128xf32>, vector<128x128xf32>, vector<1000x128xf32> -> vector<1000x128xf32>
    %add3A_35 = arith.addf %dot_general3A_26, %dot_general3A_34 : vector<1000x128xf32>
    %get3A_36 = arith.constant 0 : index
    %get3A_37 = arith.constant 0 : index
    %get3A_38 = vector.load %arg6[%get3A_36, %get3A_37] : memref<1x128xf32, #tpu.memory_space<vmem>>, vector<1x128xf32>
    %add3A_39 = vector.broadcast %get3A_38 : vector<1x128xf32> to vector<1000x128xf32>
    %add3A_40 = arith.addf %add3A_35, %add3A_39 : vector<1000x128xf32>
    %max3A_41 = arith.constant 0.000000e+00 : f32
    %max3A_42 = vector.broadcast %max3A_41 : f32 to vector<1000x128xf32>
    %max3A_43 = arith.maximumf %add3A_40, %max3A_42 : vector<1000x128xf32>
    %swap3A = arith.constant 0 : index
    %swap3A_44 = arith.constant 0 : index
    %swap3A_45 = vector.load %arg7[%swap3A, %swap3A_44] : memref<1000x128xf32, #tpu.memory_space<vmem>>, vector<1000x128xf32>
    tpu.vector_store %arg7[%swap3A, %swap3A_44], %max3A_43 {strides = array<i32>} : memref<1000x128xf32, #tpu.memory_space<vmem>>, vector<1000x128xf32>,
    return
  }
  func.func @transform_0(%arg0: i32) -> (i32, i32, i32) {
    %c0_i32 = arith.constant 0 : i32
    %c0_i32_0 = arith.constant 0 : i32
    %c0_i32_1 = arith.constant 0 : i32
    return %c0_i32, %arg0, %c0_i32_0 : i32, i32, i32
  }
  func.func @transform_1(%arg0: i32) -> (i32, i32, i32) {
    %c0_i32 = arith.constant 0 : i32
    %c0_i32_0 = arith.constant 0 : i32
    %c0_i32_1 = arith.constant 0 : i32
    return %c0_i32, %arg0, %c0_i32_0 : i32, i32, i32
  }
  func.func @transform_2(%arg0: i32) -> (i32, i32) {
    %c0_i32 = arith.constant 0 : i32
    %c0_i32_0 = arith.constant 0 : i32
    return %arg0, %c0_i32 : i32, i32
  }
  func.func @transform_3(%arg0: i32) -> (i32, i32) {
    %c0_i32 = arith.constant 0 : i32
    %c0_i32_0 = arith.constant 0 : i32
    %c0_i32_1 = arith.constant 0 : i32
    return %c0_i32, %c0_i32_0 : i32, i32
  }
  func.func @transform_4(%arg0: i32) -> (i32, i32) {
    %c0_i32 = arith.constant 0 : i32
    %c0_i32_0 = arith.constant 0 : i32
    %c0_i32_1 = arith.constant 0 : i32
    return %c0_i32, %c0_i32_0 : i32, i32
  }
  func.func @transform_5(%arg0: i32) -> (i32, i32) {
    %c0_i32 = arith.constant 0 : i32
    %c0_i32_0 = arith.constant 0 : i32
    %c0_i32_1 = arith.constant 0 : i32
    return %c0_i32, %c0_i32_0 : i32, i32
  }
  func.func @transform_6(%arg0: i32) -> (i32, i32) {
    %c0_i32 = arith.constant 0 : i32
    %c0_i32_0 = arith.constant 0 : i32
    return %arg0, %c0_i32 : i32, i32
  }
}

module attributes {stable_mosaic.version = 14 : i64} {
  func.func @_tc_dense_body(%arg0: i32, %arg1: memref<2x1000x128xf32, #tpu.memory_space<vmem>>, %arg2: memref<2x1000x16xf32, #tpu.memory_space<vmem>>, %arg3: memref<1000x128xf32, #tpu.memory_space<vmem>>, %arg4: memref<128x128xf32, #tpu.memory_space<vmem>>, %arg5: memref<128x128xf32, #tpu.memory_space<vmem>>, %arg6: memref<1x128xf32, #tpu.memory_space<vmem>>, %arg7: memref<1000x128xf32, #tpu.memory_space<vmem>>) attributes {dimension_semantics = [#tpu.dimension_semantics<arbitrary>], iteration_bounds = array<i64: 10>, scalar_prefetch = 0 : i64, scratch_operands = 0 : i64, tpu.core_type = #tpu.core_type<tc>, window_params = [{transform_indices = @transform_0, window_bounds = array<i64: 2, 1000, 128>}, {transform_indices = @transform_1, window_bounds = array<i64: 2, 1000, 16>}, {transform_indices = @transform_2, window_bounds = array<i64: 1000, 128>}, {pipeline_mode = #tpu.pipeline_mode<synchronous>, transform_indices = @transform_3, window_bounds = array<i64: 128, 128>}, {pipeline_mode = #tpu.pipeline_mode<synchronous>, transform_indices = @transform_4, window_bounds = array<i64: 128, 128>}, {pipeline_mode = #tpu.pipeline_mode<synchronous>, transform_indices = @transform_5, window_bounds = array<i64: 1, 128>}, {transform_indices = @transform_6, window_bounds = array<i64: 1000, 128>}]} {
    %get3A = arith.constant 0 : index
    %get3A_0 = arith.constant 0 : index
    %get3A_1 = arith.constant 0 : index
    %get3A_2 = vector.load %arg1[%get3A, %get3A_0, %get3A_1] : memref<2x1000x128xf32, #tpu.memory_space<vmem>>, vector<1x1000x128xf32>
    %get3A_3 = vector.shape_cast %get3A_2 : vector<1x1000x128xf32> to vector<1000x128xf32>
    %get3A_4 = arith.constant 1 : index
    %get3A_5 = arith.constant 0 : index
    %get3A_6 = arith.constant 0 : index
    %get3A_7 = vector.load %arg1[%get3A_4, %get3A_5, %get3A_6] : memref<2x1000x128xf32, #tpu.memory_space<vmem>>, vector<1x1000x128xf32>
    %get3A_8 = vector.shape_cast %get3A_7 : vector<1x1000x128xf32> to vector<1000x128xf32>
    %add3A = arith.addf %get3A_3, %get3A_8 : vector<1000x128xf32>
    %get3A_9 = arith.constant 0 : index
    %get3A_10 = arith.constant 0 : index
    %get3A_11 = arith.constant 0 : index
    %get3A_12 = vector.load %arg2[%get3A_9, %get3A_10, %get3A_11] : memref<2x1000x16xf32, #tpu.memory_space<vmem>>, vector<1x1000x1xf32>
    %get3A_13 = vector.shape_cast %get3A_12 : vector<1x1000x1xf32> to vector<1000x1xf32>
    %get3A_14 = arith.constant 1 : index
    %get3A_15 = arith.constant 0 : index
    %get3A_16 = arith.constant 0 : index
    %get3A_17 = vector.load %arg2[%get3A_14, %get3A_15, %get3A_16] : memref<2x1000x16xf32, #tpu.memory_space<vmem>>, vector<1x1000x1xf32>
    %get3A_18 = vector.shape_cast %get3A_17 : vector<1x1000x1xf32> to vector<1000x1xf32>
    %add3A_19 = arith.addf %get3A_13, %get3A_18 : vector<1000x1xf32>
    %max3A = arith.constant 1.000000e+00 : f32
    %max3A_20 = vector.broadcast %max3A : f32 to vector<1000x1xf32>
    %max3A_21 = arith.maximumf %add3A_19, %max3A_20 : vector<1000x1xf32>
    %div3A = vector.broadcast %max3A_21 : vector<1000x1xf32> to vector<1000x128xf32>
    %div3A_22 = arith.divf %add3A, %div3A : vector<1000x128xf32>
    %get3A_23 = arith.constant 0 : index
    %get3A_24 = arith.constant 0 : index
    %get3A_25 = vector.load %arg4[%get3A_23, %get3A_24] : memref<128x128xf32, #tpu.memory_space<vmem>>, vector<128x128xf32>
    %dot_general3A = arith.constant dense<0.000000e+00> : vector<1000x128xf32>
    %dot_general3A_26 = tpu.matmul %div3A_22, %get3A_25, %dot_general3A {dimension_numbers = #tpu.dot_dimension_numbers<[1], [0], [0], [1], [0, 0, 1, 1], [], []>, transpose_lhs_hint = false} : vector<1000x128xf32>, vector<128x128xf32>, vector<1000x128xf32> -> vector<1000x128xf32>
    %get3A_27 = arith.constant 0 : index
    %get3A_28 = arith.constant 0 : index
    %get3A_29 = vector.load %arg3[%get3A_27, %get3A_28] : memref<1000x128xf32, #tpu.memory_space<vmem>>, vector<1000x128xf32>
    %get3A_30 = arith.constant 0 : index
    %get3A_31 = arith.constant 0 : index
    %get3A_32 = vector.load %arg5[%get3A_30, %get3A_31] : memref<128x128xf32, #tpu.memory_space<vmem>>, vector<128x128xf32>
    %dot_general3A_33 = arith.constant dense<0.000000e+00> : vector<1000x128xf32>
    %dot_general3A_34 = tpu.matmul %get3A_29, %get3A_32, %dot_general3A_33 {dimension_numbers = #tpu.dot_dimension_numbers<[1], [0], [0], [1], [0, 0, 1, 1], [], []>, transpose_lhs_hint = false} : vector<1000x128xf32>, vector<128x128xf32>, vector<1000x128xf32> -> vector<1000x128xf32>
    %add3A_35 = arith.addf %dot_general3A_26, %dot_general3A_34 : vector<1000x128xf32>
    %get3A_36 = arith.constant 0 : index
    %get3A_37 = arith.constant 0 : index
    %get3A_38 = vector.load %arg6[%get3A_36, %get3A_37] : memref<1x128xf32, #tpu.memory_space<vmem>>, vector<1x128xf32>
    %add3A_39 = vector.broadcast %get3A_38 : vector<1x128xf32> to vector<1000x128xf32>
    %add3A_40 = arith.addf %add3A_35, %add3A_39 : vector<1000x128xf32>
    %max3A_41 = arith.constant 0.000000e+00 : f32
    %max3A_42 = vector.broadcast %max3A_41 : f32 to vector<1000x128xf32>
    %max3A_43 = arith.maximumf %add3A_40, %max3A_42 : vector<1000x128xf32>
    %swap3A = arith.constant 0 : index
    %swap3A_44 = arith.constant 0 : index
    %swap3A_45 = vector.load %arg7[%swap3A, %swap3A_44] : memref<1000x128xf32, #tpu.memory_space<vmem>>, vector<1000x128xf32>
    tpu.vector_store %arg7[%swap3A, %swap3A_44], %max3A_43 {strides = array<i32>} : memref<1000x128xf32, #tpu.memory_space<vmem>>, vector<1000x128xf32>,
    return
  }
  func.func @transform_0(%arg0: i32) -> (i32, i32, i32) {
    %c0_i32 = arith.constant 0 : i32
    %c0_i32_0 = arith.constant 0 : i32
    %c0_i32_1 = arith.constant 0 : i32
    return %c0_i32, %arg0, %c0_i32_0 : i32, i32, i32
  }
  func.func @transform_1(%arg0: i32) -> (i32, i32, i32) {
    %c0_i32 = arith.constant 0 : i32
    %c0_i32_0 = arith.constant 0 : i32
    %c0_i32_1 = arith.constant 0 : i32
    return %c0_i32, %arg0, %c0_i32_0 : i32, i32, i32
  }
  func.func @transform_2(%arg0: i32) -> (i32, i32) {
    %c0_i32 = arith.constant 0 : i32
    %c0_i32_0 = arith.constant 0 : i32
    return %arg0, %c0_i32 : i32, i32
  }
  func.func @transform_3(%arg0: i32) -> (i32, i32) {
    %c0_i32 = arith.constant 0 : i32
    %c0_i32_0 = arith.constant 0 : i32
    %c0_i32_1 = arith.constant 0 : i32
    return %c0_i32, %c0_i32_0 : i32, i32
  }
  func.func @transform_4(%arg0: i32) -> (i32, i32) {
    %c0_i32 = arith.constant 0 : i32
    %c0_i32_0 = arith.constant 0 : i32
    %c0_i32_1 = arith.constant 0 : i32
    return %c0_i32, %c0_i32_0 : i32, i32
  }
  func.func @transform_5(%arg0: i32) -> (i32, i32) {
    %c0_i32 = arith.constant 0 : i32
    %c0_i32_0 = arith.constant 0 : i32
    %c0_i32_1 = arith.constant 0 : i32
    return %c0_i32, %c0_i32_0 : i32, i32
  }
  func.func @transform_6(%arg0: i32) -> (i32, i32) {
    %c0_i32 = arith.constant 0 : i32
    %c0_i32_0 = arith.constant 0 : i32
    return %arg0, %c0_i32 : i32, i32
  }
}

</mosaic_0001>

<sc_bundles>
// kernel: kernel.6.cloned.1.call-start
scs
__scs_entry_jumppad:
0x0: {  	(pc) =	sbr.rel $0x88, $3  }
0x1: {  	(tag) =	ssettag $0x0;
	lr =	simm.s32 $0x1  }
0x2: {  	[smem:$0x3F99] =	sst lr;
	_ =	strace $0xD0000000  }
0x3: {  	_ = 	snop  }
0x4: {  	_ = 	snop  }
0x5: {  	_ = 	snop  }
0x6: {  	_ = 	snop  }
0x7: {  	_ = 	snop  }
__scs_overlays_trampoline_lowered:
0x8: {  	[smem:$0x3FA8] =	sst s0  }
0x9: {  	[smem:$0x3FA9] =	sst s1  }
0xa: {  	[smem:$0x3FAA] =	sst s2  }
0xb: {  	[smem:$0x3FAB] =	sst s3  }
0xc: {  	[smem:$0x3FAC] =	sst s4  }
0xd: {  	[smem:$0x3FAD] =	sst s5  }
0xe: {  	[smem:$0x3FAE] =	sst s6  }
0xf: {  	[smem:$0x3FAF] =	sst s7  }
0x10: {  	[smem:$0x3FB0] =	sst s8  }
0x11: {  	[smem:$0x3FB1] =	sst s9;
	s0 =	simm.s32 @!p0 $0x0  }
0x12: {  	s1 =	sld [smem:$0x3F97];
	s0 =	simm.s32 @p0 $0x1  }
0x13: {  	[smem:$0x3FB2] =	sst s0;
	s0 =	simm.s32 @!p1 $0x0  }
0x14: {  	s2 =	sld [smem:$0x3F96];
	s0 =	simm.s32 @p1 $0x1  }
0x15: {  	[smem:$0x3FB3] =	sst s0;
	s0 =	simm.s32 @!p2 $0x0  }
0x16: {  	s3 =	sld [smem:$0x3FDB];
	s0 =	simm.s32 @p2 $0x1  }
0x17: {  	s4 =	simm.s32 $0x1BF5;
	[smem:$0x3FB5] =	sst s0  }
0x18: {  	s0 =	sld [smem:$0x3F98];
	_ =	swait.ge [sflag:s4], $0x0  }
0x19: {  	s7 =	sld [smem:$0x3F99]  }
0x1a: {  	s8 =	sadd.s32 $0xFFFFE003, lr  }
0x1b: {  	s9 =	sadd.s32 $0xFFFFFEF7, lr;
	s5 =	simm.s32 $0xFFFFFFFF;
	p2 =	slt.u32 s8, $0xFFFFF086  }
0x1c: {  	p1 =	slt.u32 s9, $0xF7A;
	s5 =	simm.s32 @!p2 $0x0  }
0x1d: {  	s5 =	simm.s32 @p1 $0x1;
	p0 =	seq.s32 s7, s2  }
0x1e: {  	s7 =	smul.u32 @!p0 $0xF7A, s2;
	p2 =	seq.s32 @!p0 s5, $0x0  }
0x1f: {  	s9 =	smul.u32 $0xF7A, s1;
	s8 =	simm.s32 @!p0 $0x1BF5;
	p2 =	por !p2, p0  }
0x20: {  	[sflag:s8] =	ssyncset.s32 @!p0 $0xFFFFF086;
	s6 =	sadd.s32 @!p0 s3, s7;
	s7 =	simm.s32 @!p0 $0x108  }
0x21: {  	s3 =	sadd.s32 s3, s9;
	s6 =	sadd.s32 @!p0 $0x88, s6;
	s7 =	simm.s32 @p2 $0x1082  }
0x22: {  	[simem:s7], [sflag:s8] =	dma.local @!p0 [hbm:s6], $0xF7A  }
0x23: {  	s9 =	sor.u32 $0xD0000000, s2;
	s6 =	simm.s32 $0x108;
	_ =	swait.ge @!p0 [sflag:s8], $0x0  }
0x24: {  	s3 =	sadd.s32 $0x88, s3;
	s6 =	simm.s32 @!p1 $0x1082;
	[sflag:s4] =	ssyncset.s32 $0xFFFFF086  }
0x25: {  	[simem:s6], [sflag:s4] =	dma.local [hbm:s3], $0xF7A  }
0x26: {  	[smem:$0x3F99] =	sst s1;
	(tag) =	ssettag s2;
	_ =	strace s9  }
0x27: {  	s1 =	sld [smem:$0x3FA9]  }
0x28: {  	s2 =	sld [smem:$0x3FAA]  }
0x29: {  	s4 =	sld [smem:$0x3FAC]  }
0x2a: {  	p0 =	seq.s32 s5, $0x0;
	s5 =	sld [smem:$0x3FAD]  }
0x2b: {  	s6 =	sld [smem:$0x3FAE]  }
0x2c: {  	s7 =	sld [smem:$0x3FAF]  }
0x2d: {  	s3 =	simm.s32 $0x108;
	s8 =	sld [smem:$0x3FB0]  }
0x2e: {  	s3 =	simm.s32 @!p0 $0x1082;
	s9 =	sld [smem:$0x3FB1]  }
0x2f: {  	lr =	sadd.s32 s0, s3;
	s0 =	sld [smem:$0x3FA8]  }
0x30: {  	s3 =	sld [smem:$0x3FAB]  }
0x31: {  	[smem:$0x3FB4] =	sst s10  }
0x32: {  	s10 =	sld [smem:$0x3FB2];
	_ =	sdelay $0x3  }
0x33: {  	p0 =	seq.s32 s10, $0x1;
	s10 =	sld [smem:$0x3FB4];
	_ =	sdelay $0x3  }
0x34: {  	[smem:$0x3FB4] =	sst s10  }
0x35: {  	s10 =	sld [smem:$0x3FB3];
	_ =	sdelay $0x3  }
0x36: {  	p1 =	seq.s32 s10, $0x1;
	s10 =	sld [smem:$0x3FB4];
	_ =	sdelay $0x3  }
0x37: {  	[smem:$0x3FB4] =	sst s10  }
0x38: {  	s10 =	sld [smem:$0x3FB5]  }
0x39: {  	_ = 	snop;
	(pc) =	sbr.ind lr, $3  }
0x3a: {  	_ = 	snop  }
0x3b: {  	_ = 	snop  }
0x3c: {  	p2 =	seq.s32 s10, $0x1;
	s10 =	sld [smem:$0x3FB4]  }
0x3d: {  	_ =	shalt  }
0x3e: {  	_ =	shalt  }
0x3f: {  	_ =	shalt  }
0x40: {  	_ =	shalt  }
0x41: {  	_ =	shalt  }
0x42: {  	_ =	shalt  }
0x43: {  	_ =	shalt  }
0x44: {  	_ =	shalt  }
0x45: {  	_ =	shalt  }
0x46: {  	_ =	shalt  }
0x47: {  	_ =	shalt  }
0x48: {  	_ =	shalt  }
0x49: {  	_ =	shalt  }
0x4a: {  	_ =	shalt  }
0x4b: {  	_ =	shalt  }
0x4c: {  	_ =	shalt  }
0x4d: {  	_ =	shalt  }
0x4e: {  	_ =	shalt  }
0x4f: {  	_ =	shalt  }
0x50: {  	_ =	shalt  }
0x51: {  	_ =	shalt  }
0x52: {  	_ =	shalt  }
0x53: {  	_ =	shalt  }
0x54: {  	_ =	shalt  }
0x55: {  	_ =	shalt  }
0x56: {  	_ =	shalt  }
0x57: {  	_ =	shalt  }
0x58: {  	_ =	shalt  }
0x59: {  	_ =	shalt  }
0x5a: {  	_ =	shalt  }
0x5b: {  	_ =	shalt  }
0x5c: {  	_ =	shalt  }
0x5d: {  	_ =	shalt  }
0x5e: {  	_ =	shalt  }
0x5f: {  	_ =	shalt  }
0x60: {  	_ =	shalt  }
0x61: {  	_ =	shalt  }
0x62: {  	_ =	shalt  }
0x63: {  	_ =	shalt  }
0x64: {  	_ =	shalt  }
0x65: {  	_ =	shalt  }
0x66: {  	_ =	shalt  }
0x67: {  	_ =	shalt  }
0x68: {  	_ =	shalt  }
0x69: {  	_ =	shalt  }
0x6a: {  	_ =	shalt  }
0x6b: {  	_ =	shalt  }
0x6c: {  	_ =	shalt  }
0x6d: {  	_ =	shalt  }
0x6e: {  	_ =	shalt  }
0x6f: {  	_ =	shalt  }
0x70: {  	_ =	shalt  }
0x71: {  	_ =	shalt  }
0x72: {  	_ =	shalt  }
0x73: {  	_ =	shalt  }
0x74: {  	_ =	shalt  }
0x75: {  	_ =	shalt  }
0x76: {  	_ =	shalt  }
0x77: {  	_ =	shalt  }
0x78: {  	_ =	shalt  }
0x79: {  	_ =	shalt  }
0x7a: {  	_ =	shalt  }
0x7b: {  	_ =	shalt  }
0x7c: {  	_ =	shalt  }
0x7d: {  	_ =	shalt  }
0x7e: {  	_ =	shalt  }
0x7f: {  	_ =	shalt  }
0x80: {  	_ =	shalt  }
0x81: {  	_ =	shalt  }
0x82: {  	_ =	shalt  }
0x83: {  	_ =	shalt  }
0x84: {  	_ =	shalt  }
0x85: {  	_ =	shalt  }
0x86: {  	_ =	shalt  }
0x87: {  	_ =	shalt  }
.Lfunc_end0:
.L_simem_size_0:
called_computation_lowered:
.L_overlay_start_0:
0x88: {  	s2 =	sld [smem:$0x3FD9]  }
0x89: {  	s3 =	sld [smem:$0x3FFE];
	_ =	sdelay $0x1  }
0x8a: {  	s1 =	srdreg.scid  }
0x8b: {  	s0 =	sand.u32 $0x1, s1  }
0x8c: {  	s17 =	sshll.u32 s0, $0xA;
	s2 =	sadd.s32 s3, s2  }
0x8d: {  	s2 =	sadd.s32 s2, s17  }
0x8e: {  	[smem:$0x3FC0] =	sst s2  }
0x8f: {  	_ = 	snop  }
0x90: {  	s2 =	sld [smem:$0x3FC9];
	(tm) =	ssettm $0x1  }
0x91: {  	s18 =	sld [smem:$0x3FFB];
	_ =	sdelay $0x3  }
0x92: {  	_ =	strace s18  }
0x93: {  	s3 =	sld [smem:$0x3FFC];
	_ =	sdelay $0x3  }
0x94: {  	_ =	strace s3  }
0x95: {  	s3 =	sld [smem:$0x3FFD];
	_ =	sdelay $0x3  }
0x96: {  	_ =	strace s3  }
0x97: {  	_ =	strace $0x8FFFFFFF  }
0x98: {  	s19 =	sld [smem:$0x3FDB];
	_ =	sdelay $0x1  }
0x99: {  	s4 =	simm.s32 $_scs_section_size  }
0x9a: {  	s5 =	simm.s32 $_size__tile_overlayer_lowered;
	s6 =	simm.s32 $_tile_overlayer_lowered  }
0x9b: {  	s22 =	simm.s32 $0x1BFF;
	s21 =	sshll.u32 s6, $0x1;
	s3 =	sadd.s32 s4, s19  }
0x9c: {  	s7 =	simm.s32 $0x0;
	s20 =	sshll.u32 s5, $0x1;
	s5 =	sadd.s32 s21, s3  }
0x9d: {  	[timem:s7], [sflag:s22] =	dma.local [hbm:s5], s20  }
0x9e: {  	_ =	swait.ge [sflag:s22], s20  }
0x9f: {  	s4 =	ssub.s32 $0x0, s20;
	[sflag:s22] =	ssyncset.done $0x0  }
0xa0: {  	[sflag:s22] =	ssyncadd.s32 s4;
	_ =	sdelay $0x1  }
0xa1: {  	s23 =	simm.s32 $0x1B8B  }
0xa2: {  	_ =	swait.ge [sflag:s23], $0x1  }
0xa3: {  	[sflag:s23] =	ssyncset.done $0x0  }
0xa4: {  	s25 =	simm.s32 $0x1B8E;
	s24 =	sld [smem:$0x3FFE];
	[sflag:s23] =	ssyncadd.s32 $0xFFFFFFFF  }
0xa5: {  	s26 =	simm.s32 $execute0_lowered;
	[smem:$0x3FD2] =	sst s25  }
0xa6: {  	s5 =	sshll.u32 s26, $0x1;
	_ =	strace $0x80000046;
	[dreg:$0x1] =	wrdreg $0xFFFFFFFF  }
0xa7: {  	s28 =	simm.s32 $_size_execute0_lowered;
	s3 =	sadd.s32 s3, s5;
	[dreg:$0x0] =	wrdreg $0x0  }
0xa8: {  	s5 =	sshll.u32 s28, $0x1;
	[dreg:$0x2] =	wrdreg s3  }
0xa9: {  	[dreg:$0x3] =	wrdreg s5  }
0xaa: {  	[dreg:$0x4] =	wrdreg $0xC0  }
0xab: {  	_ =	task [dreg:s7], $0x5FFFF  }
0xac: {  	[dreg:$0x1] =	wrdreg $0xFFFFFFFF  }
0xad: {  	[dreg:$0x0] =	wrdreg $0x60  }
0xae: {  	[dreg:$0x2] =	wrdreg s2  }
0xaf: {  	[dreg:$0x3] =	wrdreg s24  }
0xb0: {  	[dreg:$0x4] =	wrdreg $0xA9000  }
0xb1: {  	[dreg:$0x5] =	wrdreg $0x9  }
0xb2: {  	_ =	task.clear_ibuf [dreg:s7], $0x6FFFF;
	_ =	strace $0x90000046  }
0xb3: {  	s29 =	simm.s32 $0x9;
	_ =	strace $0x80000048  }
0xb4: {  	_ =	swait.ge [sflag:s29], $0x1  }
0xb5: {  	[sflag:s29] =	ssyncadd.s32 $0xFFFFFFFF  }
0xb6: {  	_ =	strace $0x90000048  }
0xb7: {  	_ =	sfence  }
0xb8: {  	s30 =	sld [smem:$0x0];
	_ =	sdelay $0x2  }
0xb9: {  	s31 =	sshll.u32 s1, $0xD;
	s1 =	sshrl.u32 s1, $0x2  }
0xba: {  	s3 =	sand.u32 $0x4000, s31;
	s1 =	sadd.s32 s1, s30  }
0xbb: {  	s0 =	sor.u32 s3, s0;
	s1 =	sshll.u32 s1, $0x11  }
0xbc: {  	s0 =	sor.u32 s1, s0  }
0xbd: {  	s0 =	sadd.s32 $0x8F2B, s0  }
0xbe: {  	[sflag:s0] =	ssyncadd.remote.s32 $0x1  }
0xbf: {  	_ =	sfence.sel $0xFFFF  }
0xc0: {  	[dreg:$0x0] =	wrdreg $0xFFFFFFFF;
	(pc) =	sbr.abs _section_cstart, $3  }
0xc1: {  	[dreg:$0x1] =	wrdreg $0xFFFFFFFF  }
0xc2: {  	_ =	task.clear_ibuf [dreg:s7], $0x2FFFF;
	_ =	strace $0x9FFFFFFF  }
0xc3: {  	(tm) =	ssettm $0x7FFFFFFF  }
tec
execute0_lowered:
.L_overlay_start_1:
0x0: {  	(tag) =	ssettag $0x1  }
0x1: {  	s1 =	rddreg [dreg:$0x0]  }
0x2: {  	s0 =	rddreg [dreg:$0x1]  }
0x3: {  	s2 =	rddreg [dreg:$0x2];
	s4 =	simm.s32 $0x0;
	s3 =	srdreg.scid  }
0x4: {  	s21 =	stileid.u32;
	s30 =	simm.s32 $0x5;
	s31 =	simm.s32 $0x2900  }
0x5: {  	s28 =	simm.s32 $0x1;
	s29 =	simm.s32 $0x3;
	[smem:$0x7FF] =	sst s4  }
0x6: {  	s3 =	sand.u32 $0x1, s3;
	s6 =	sshll.u32 s21, $0x5;
	s5 =	smul.u32 $0x4E000, s21  }
0x7: {  	s18 =	sadd.s32 $0xBE00, s0;
	s19 =	sadd.s32 $0x15C00, s0;
	s11 =	sadd.s32 $0x124800, s2  }
0x8: {  	s15 =	smul.u32 $0x13800, s21;
	s14 =	sadd.s32 $0x130800, s2;
	p0 =	slt.u32 s21, $0x2  }
0x9: {  	p1 =	sgt.u32 s21, $0x1;
	s17 =	sshll.u32 s3, $0x4;
	_ =	strace $0x80000047  }
0xa: {  	s12 =	ssub.s32 $0x2, s3;
	s3 =	smul.u32 $0x138800, s3;
	s26 =	sadd.s32 s6, s18  }
0xb: {  	s16 =	sor.u32 s17, s6;
	s5 =	sshrl.u32 s5, $0x2;
	s13 =	sshrl.u32 s12, $0x1  }
0xc: {  	s24 =	sadd.s32 s17, s26;
	s26 =	simm.s32 $0x80;
	s17 =	simm.s32 $0x6900  }
0xd: {  	s7 =	sadd.s32 s16, s0;
	s0 =	sadd.s32 $0x63E00, s0;
	s5 =	sadd.s32 s5, s2  }
0xe: {  	s23 =	ssub.s32 s12, s13;
	s12 =	sadd.s32 $0x128800, s2;
	s13 =	sadd.s32 $0x12C800, s2  }
0xf: {  	s20 =	sshrl.u32 s3, $0x3;
	s3 =	sadd.s32 s15, s3;
	s15 =	sadd.s32 $0x134800, s2  }
0x10: {  	s16 =	sadd.s32 s18, s16;
	s18 =	simm.s32 $0x2;
	s7 =	sadd.s32 $0x2000, s7  }
0x11: {  	s8 =	sadd.s32 $0x8000, s5;
	s9 =	sadd.s32 $0xC000, s5;
	s10 =	sadd.s32 $0x10000, s5  }
0x12: {  	s20 =	sadd.s32 $0x24900, s20;
	s25 =	sadd.s32 $0x200, s16;
	[dreg:$0x4] =	wrdreg s7  }
0x13: {  	s3 =	sshrl.u32 s3, $0x3;
	s22 =	sadd.s32 s19, s20;
	[dreg:$0x9] =	wrdreg s25  }
0x14: {  	s23 =	smax.u32 s23, $0x1;
	s19 =	sadd.s32 s19, s3;
	[dreg:$0x5] =	wrdreg s22  }
0x15: {  	s7 =	sadd.s32 $0x4000, s5;
	s3 =	sadd.s32 s0, s3;
	[dreg:$0x6] =	wrdreg s19  }
0x16: {  	s0 =	sadd.s32 s0, s20;
	s25 =	sadd.s32 $0x9C00, s16;
	[dreg:$0x7] =	wrdreg s3  }
0x17: {  	[dreg:$0x8] =	wrdreg s0;
	s22 =	simm.s32 $0x4F;
	s0 =	simm.s32 $0x4  }
0x18: {  	v0 =	vimm.f32 $0.0e+00;
	v1 =	vimm.f32 $1.000000000e+00;
	s3 =	simm.s32 $0x0;
	s22 =	simm.s32 @!p0 $0x4E;
	p0 =	seq.s32 s21, $0xF  }
.LBB2_1:
0x19: {  	s6 =	rddreg [dreg:$0x4];
	s19 =	simm.s32 $0x1000;
	s20 =	simm.s32 $0x100  }
0x1a: {  	[tilespmem:s20], [sflag:$0x5] =	stream.strided.gather [hbm4b:s6+s26], $0x2780, s19, s26, $0x38;
	[tilespmem:$0x1E180] =	vst v63  }
0x1b: {  	_ =	swait.ge [sflag:s30], $0x2780  }
0x1c: {  	[sflag:s30] =	ssyncset.done $0x0  }
0x1d: {  	s6 =	simm.s32 $0x0;
	s19 =	simm.s32 $0x200;
	[sflag:s30] =	ssyncadd.s32 $0xFFFFD880  }
.LBB2_2:
0x1e: {  	p2 =	sne.s32 s19, $0xFE00;
	[tilespmem:s6+$0x2970] =	vst v0  }
0x1f: {  	[tilespmem:s6+$0x2900] =	vst v0  }
0x20: {  	[tilespmem:s6+$0x2910] =	vst v0  }
.Ltmp0:
0x21: {  	[tilespmem:s6+$0x2920] =	vst v0;
	(pc) =	sbr.rel @p2 .LBB2_2-.Ltmp0, $4  }
0x22: {  	[tilespmem:s6+$0x2930] =	vst v0  }
0x23: {  	[tilespmem:s6+$0x2940] =	vst v0  }
0x24: {  	[tilespmem:s6+$0x2950] =	vst v0  }
0x25: {  	[tilespmem:s6+$0x2960] =	vst v0;
	s6 =	sshra.s32 s19, $0x2;
	s19 =	sadd.s32 $0x200, s19  }
0x26: {  	[tilespmem:s6+$0x2970] =	vst v0  }
0x27: {  	[tilespmem:s6+$0x2900] =	vst v0  }
0x28: {  	[tilespmem:s6+$0x2910] =	vst v0  }
0x29: {  	[tilespmem:s6+$0x2920] =	vst v0  }
0x2a: {  	[tilespmem:s6+$0x2930] =	vst v0  }
0x2b: {  	[tilespmem:s6+$0x2940] =	vst v0  }
0x2c: {  	[tilespmem:s6+$0x2950] =	vst v0  }
0x2d: {  	[tilespmem:s6+$0x2960] =	vst v0;
	s6 =	simm.s32 @p0 $0x2900  }
0x2e: {  	[spmem:s11] =	stream.linear.scatter @p0 [tilespmem:s6], [sflag:$0x1], $0x4000, $0x38;
	[tilespmem:$0x1E180] =	vst v63  }
0x2f: {  	_ = 	snop  }
0x30: {  	[spmem:s12] =	stream.linear.scatter @p0 [tilespmem:s6], [sflag:$0x1], $0x4000, $0x38;
	[tilespmem:$0x1E180] =	vst v63  }
0x31: {  	_ = 	snop  }
0x32: {  	[spmem:s13] =	stream.linear.scatter @p0 [tilespmem:s6], [sflag:$0x1], $0x4000, $0x38;
	[tilespmem:$0x1E180] =	vst v63  }
0x33: {  	_ = 	snop  }
0x34: {  	[spmem:s14] =	stream.linear.scatter @p0 [tilespmem:s6], [sflag:$0x1], $0x4000, $0x38;
	[tilespmem:$0x1E180] =	vst v63  }
0x35: {  	_ = 	snop  }
0x36: {  	[spmem:s15] =	stream.linear.scatter @p0 [tilespmem:s6], [sflag:$0x1], $0x4000, $0x38;
	[tilespmem:$0x1E180] =	vst v63  }
0x37: {  	s6 =	simm.s32 @p0 $0x1  }
0x38: {  	_ =	swait.ge @p0 [sflag:s6], $0x4000  }
0x39: {  	[sflag:s6] =	ssyncset.done @p0 $0x0  }
0x3a: {  	[sflag:s6] =	ssyncadd.s32 @p0 $0xFFFFC000  }
0x3b: {  	_ =	swait.ge @p0 [sflag:s6], $0x4000  }
0x3c: {  	[sflag:s6] =	ssyncset.done @p0 $0x0  }
0x3d: {  	[sflag:s6] =	ssyncadd.s32 @p0 $0xFFFFC000  }
0x3e: {  	_ =	swait.ge @p0 [sflag:s6], $0x4000  }
0x3f: {  	[sflag:s6] =	ssyncset.done @p0 $0x0  }
0x40: {  	[sflag:s6] =	ssyncadd.s32 @p0 $0xFFFFC000  }
0x41: {  	_ =	swait.ge @p0 [sflag:s6], $0x4000  }
0x42: {  	[sflag:s6] =	ssyncset.done @p0 $0x0  }
0x43: {  	[sflag:s6] =	ssyncadd.s32 @p0 $0xFFFFC000  }
0x44: {  	_ =	swait.ge @p0 [sflag:s6], $0x4000  }
0x45: {  	[sflag:s6] =	ssyncset.done @p0 $0x0  }
0x46: {  	[sflag:s6] =	ssyncadd.s32 @p0 $0xFFFFC000;
	s6 =	simm.s32 @!p0 $0x2900  }
0x47: {  	[spmem:s5] =	stream.linear.scatter @!p0 [tilespmem:s6], [sflag:$0x1], $0x4000, $0x38;
	[tilespmem:$0x1E180] =	vst v63  }
0x48: {  	_ = 	snop  }
0x49: {  	[spmem:s7] =	stream.linear.scatter @!p0 [tilespmem:s6], [sflag:$0x1], $0x4000, $0x38;
	[tilespmem:$0x1E180] =	vst v63  }
0x4a: {  	_ = 	snop  }
0x4b: {  	[spmem:s8] =	stream.linear.scatter @!p0 [tilespmem:s6], [sflag:$0x1], $0x4000, $0x38;
	[tilespmem:$0x1E180] =	vst v63  }
0x4c: {  	_ = 	snop  }
0x4d: {  	[spmem:s9] =	stream.linear.scatter @!p0 [tilespmem:s6], [sflag:$0x1], $0x4000, $0x38;
	[tilespmem:$0x1E180] =	vst v63  }
0x4e: {  	_ = 	snop  }
0x4f: {  	[spmem:s10] =	stream.linear.scatter @!p0 [tilespmem:s6], [sflag:$0x1], $0x3800, $0x38;
	[tilespmem:$0x1E180] =	vst v63  }
0x50: {  	s6 =	simm.s32 @!p0 $0x1  }
0x51: {  	_ =	swait.ge @!p0 [sflag:s6], $0x4000  }
0x52: {  	[sflag:s6] =	ssyncset.done @!p0 $0x0  }
0x53: {  	[sflag:s6] =	ssyncadd.s32 @!p0 $0xFFFFC000  }
0x54: {  	_ =	swait.ge @!p0 [sflag:s6], $0x4000  }
0x55: {  	[sflag:s6] =	ssyncset.done @!p0 $0x0  }
0x56: {  	[sflag:s6] =	ssyncadd.s32 @!p0 $0xFFFFC000  }
0x57: {  	_ =	swait.ge @!p0 [sflag:s6], $0x4000  }
0x58: {  	[sflag:s6] =	ssyncset.done @!p0 $0x0  }
0x59: {  	[sflag:s6] =	ssyncadd.s32 @!p0 $0xFFFFC000  }
0x5a: {  	_ =	swait.ge @!p0 [sflag:s6], $0x4000  }
0x5b: {  	[sflag:s6] =	ssyncset.done @!p0 $0x0  }
0x5c: {  	[sflag:s6] =	ssyncadd.s32 @!p0 $0xFFFFC000  }
0x5d: {  	_ =	swait.ge @!p0 [sflag:s6], $0x3800  }
0x5e: {  	[sflag:s6] =	ssyncset.done @!p0 $0x0  }
0x5f: {  	[sflag:s6] =	ssyncadd.s32 @!p0 $0xFFFFC800  }
0x60: {  	s20 =	simm.s32 $0x0;
	[bflag:$0x0] =	sbarrier.arrive $0xFFFF  }
0x61: {  	[tilespmem:s20], [sflag:$0x5] =	stream.linear.gather [hbm4b:s16+s20], $0x80, $0x38;
	[tilespmem:$0x1E180] =	vst v63  }
0x62: {  	_ =	swait.ge [sflag:s30], $0x80  }
0x63: {  	[sflag:s30] =	ssyncset.done $0x0  }
0x64: {  	[sflag:s30] =	ssyncadd.s32 $0xFFFFFF80  }
0x65: {  	[tilespmem:s31], [sflag:$0x1] =	stream.indirect.gather [hbm4b:s1+s26], $0x80, s20, s26, $0xb8;
	[tilespmem:$0x1E180] =	vst v63  }
0x66: {  	s19 =	rddreg [dreg:$0x9]  }
0x67: {  	[tilespmem:s26], [sflag:$0x4] =	stream.linear.gather [hbm4b:s19+s20], $0x80, $0x38;
	[tilespmem:$0x1E180] =	vst v63  }
0x68: {  	_ =	swait.ge [sflag:s0], $0x80  }
0x69: {  	[sflag:s0] =	ssyncset.done $0x0  }
0x6a: {  	[sflag:s0] =	ssyncadd.s32 $0xFFFFFF80  }
0x6b: {  	[tilespmem:s17], [sflag:$0x2] =	stream.indirect.gather [hbm4b:s1+s26], $0x80, s26, s26, $0xb8;
	[tilespmem:$0x1E180] =	vst v63  }
0x6c: {  	_ =	swait.ge [sflag:s28], $0x4000  }
0x6d: {  	s6 =	sadd.s32 $0x0, s24;
	[sflag:s28] =	ssyncset.done $0x0  }
0x6e: {  	s21 =	sadd.s32 $0x400, s6;
	[sflag:s28] =	ssyncadd.s32 $0xFFFFC000  }
0x6f: {  	[tilespmem:s4], [sflag:$0x3] =	stream.linear.gather [hbm4b:s21+s4], $0x80, $0x38;
	[tilespmem:$0x1E180] =	vst v63  }
0x70: {  	s20 =	simm.s32 $0x100  }
0x71: {  	[spmem:s2] =	stream.indirect.scatter.add.f32 [tilespmem:s31], [sflag:$0x5], $0x80, s20, s26, $0xb8;
	[tilespmem:$0x1E180] =	vst v63  }
0x72: {  	_ =	swait.ge [sflag:s30], $0x4000  }
0x73: {  	[sflag:s30] =	ssyncset.done $0x0  }
0x74: {  	[sflag:s30] =	ssyncadd.s32 $0xFFFFC000  }
0x75: {  	_ =	swait.ge [sflag:s29], $0x80  }
0x76: {  	[sflag:s29] =	ssyncset.done $0x0  }
0x77: {  	[sflag:s29] =	ssyncadd.s32 $0xFFFFFF80  }
0x78: {  	[tilespmem:s31], [sflag:$0x1] =	stream.indirect.gather [hbm4b:s1+s26], $0x80, s4, s26, $0xb8;
	[tilespmem:$0x1E180] =	vst v63  }
0x79: {  	_ =	swait.ge [sflag:s18], $0x4000  }
0x7a: {  	[sflag:s18] =	ssyncset.done $0x0  }
0x7b: {  	s6 =	sadd.s32 $0x600, s6;
	[sflag:s18] =	ssyncadd.s32 $0xFFFFC000  }
0x7c: {  	[tilespmem:s26], [sflag:$0x4] =	stream.linear.gather [hbm4b:s6+s4], $0x80, $0x38;
	[tilespmem:$0x1E180] =	vst v63  }
0x7d: {  	s21 =	simm.s32 $0x180  }
0x7e: {  	[spmem:s2] =	stream.indirect.scatter.add.f32 [tilespmem:s17], [sflag:$0x5], $0x80, s21, s26, $0xb8;
	[tilespmem:$0x1E180] =	vst v63  }
0x7f: {  	_ =	swait.ge [sflag:s30], $0x4000  }
0x80: {  	s6 =	simm.s32 $0x400;
	[sflag:s30] =	ssyncset.done $0x0  }
.LBB2_4:
0x81: {  	p2 =	sne.s32 s6, $0x9400  }
0x82: {  	[sflag:s30] =	ssyncadd.s32 $0xFFFFC000;
	s19 =	smov.u32 s6;
	s6 =	sadd.s32 $0x400, s6  }
0x83: {  	_ = 	snop  }
0x84: {  	_ =	swait.ge [sflag:s0], $0x80  }
0x85: {  	[sflag:s0] =	ssyncset.done $0x0  }
0x86: {  	[sflag:s0] =	ssyncadd.s32 $0xFFFFFF80  }
0x87: {  	[tilespmem:s17], [sflag:$0x2] =	stream.indirect.gather [hbm4b:s1+s26], $0x80, s26, s26, $0xb8;
	[tilespmem:$0x1E180] =	vst v63  }
0x88: {  	_ =	swait.ge [sflag:s28], $0x4000  }
0x89: {  	s20 =	sadd.s32 s19, s24;
	[sflag:s28] =	ssyncset.done $0x0  }
0x8a: {  	s19 =	sshra.s32 s19, $0x2;
	s21 =	sadd.s32 $0x400, s20;
	[sflag:s28] =	ssyncadd.s32 $0xFFFFC000  }
0x8b: {  	[tilespmem:s4], [sflag:$0x3] =	stream.linear.gather [hbm4b:s21+s4], $0x80, $0x38;
	[tilespmem:$0x1E180] =	vst v63  }
0x8c: {  	s21 =	sadd.s32 $0x100, s19  }
0x8d: {  	[spmem:s2] =	stream.indirect.scatter.add.f32 [tilespmem:s31], [sflag:$0x5], $0x80, s21, s26, $0xb8;
	[tilespmem:$0x1E180] =	vst v63  }
0x8e: {  	_ =	swait.ge [sflag:s30], $0x4000  }
0x8f: {  	[sflag:s30] =	ssyncset.done $0x0  }
0x90: {  	[sflag:s30] =	ssyncadd.s32 $0xFFFFC000  }
0x91: {  	_ =	swait.ge [sflag:s29], $0x80  }
0x92: {  	[sflag:s29] =	ssyncset.done $0x0  }
0x93: {  	[sflag:s29] =	ssyncadd.s32 $0xFFFFFF80  }
0x94: {  	[tilespmem:s31], [sflag:$0x1] =	stream.indirect.gather [hbm4b:s1+s26], $0x80, s4, s26, $0xb8;
	[tilespmem:$0x1E180] =	vst v63  }
0x95: {  	_ =	swait.ge [sflag:s18], $0x4000  }
0x96: {  	[sflag:s18] =	ssyncset.done $0x0  }
0x97: {  	s20 =	sadd.s32 $0x600, s20;
	[sflag:s18] =	ssyncadd.s32 $0xFFFFC000  }
0x98: {  	[tilespmem:s26], [sflag:$0x4] =	stream.linear.gather [hbm4b:s20+s4], $0x80, $0x38;
	[tilespmem:$0x1E180] =	vst v63  }
.Ltmp1:
0x99: {  	_ = 	snop;
	(pc) =	sbr.rel @p2 .LBB2_4-.Ltmp1, $4  }
0x9a: {  	s19 =	sadd.s32 $0x180, s19  }
0x9b: {  	[spmem:s2] =	stream.indirect.scatter.add.f32 [tilespmem:s17], [sflag:$0x5], $0x80, s19, s26, $0xb8;
	[tilespmem:$0x1E180] =	vst v63  }
0x9c: {  	_ =	swait.ge [sflag:s30], $0x4000  }
0x9d: {  	[sflag:s30] =	ssyncset.done $0x0  }
0x9e: {  	[sflag:s30] =	ssyncadd.s32 $0xFFFFC000  }
0x9f: {  	_ =	swait.ge [sflag:s0], $0x80  }
0xa0: {  	[sflag:s0] =	ssyncset.done $0x0  }
0xa1: {  	[sflag:s0] =	ssyncadd.s32 $0xFFFFFF80  }
0xa2: {  	[tilespmem:s17], [sflag:$0x2] =	stream.indirect.gather [hbm4b:s1+s26], $0x80, s26, s26, $0xb8;
	[tilespmem:$0x1E180] =	vst v63  }
0xa3: {  	_ =	swait.ge [sflag:s28], $0x4000  }
0xa4: {  	[sflag:s28] =	ssyncset.done $0x0  }
0xa5: {  	[sflag:s28] =	ssyncadd.s32 $0xFFFFC000  }
0xa6: {  	[tilespmem:s4], [sflag:$0x3] =	stream.linear.gather [hbm4b:s25+s4], $0x80, $0x38;
	[tilespmem:$0x1E180] =	vst v63  }
0xa7: {  	s6 =	simm.s32 $0x2700  }
0xa8: {  	[spmem:s2] =	stream.indirect.scatter.add.f32 [tilespmem:s31], [sflag:$0x5], $0x80, s6, s26, $0xb8;
	[tilespmem:$0x1E180] =	vst v63  }
0xa9: {  	_ =	swait.ge [sflag:s30], $0x4000  }
0xaa: {  	[sflag:s30] =	ssyncset.done $0x0  }
0xab: {  	[sflag:s30] =	ssyncadd.s32 $0xFFFFC000  }
0xac: {  	_ =	swait.ge [sflag:s29], $0x80  }
0xad: {  	[sflag:s29] =	ssyncset.done $0x0  }
0xae: {  	[sflag:s29] =	ssyncadd.s32 $0xFFFFFF80  }
0xaf: {  	[tilespmem:s31], [sflag:$0x1] =	stream.indirect.gather [hbm4b:s1+s26], $0x80, s4, s26, $0xb8;
	[tilespmem:$0x1E180] =	vst v63  }
0xb0: {  	_ =	swait.ge [sflag:s18], $0x4000  }
0xb1: {  	[sflag:s18] =	ssyncset.done $0x0  }
0xb2: {  	s21 =	simm.s32 $0x2780;
	[sflag:s18] =	ssyncadd.s32 $0xFFFFC000  }
0xb3: {  	[spmem:s2] =	stream.indirect.scatter.add.f32 [tilespmem:s17], [sflag:$0x5], $0x80, s21, s26, $0xb8;
	[tilespmem:$0x1E180] =	vst v63  }
0xb4: {  	_ =	swait.ge [sflag:s30], $0x4000  }
.Ltmp2:
0xb5: {  	[sflag:s30] =	ssyncset.done $0x0;
	(pc) =	sbr.rel @p1 .LBB2_7-.Ltmp2, $4  }
0xb6: {  	[sflag:s30] =	ssyncadd.s32 $0xFFFFC000  }
0xb7: {  	_ =	swait.ge [sflag:s28], $0x4000  }
0xb8: {  	[sflag:s28] =	ssyncset.done $0x0  }
0xb9: {  	[sflag:s28] =	ssyncadd.s32 $0xFFFFC000  }
0xba: {  	s6 =	simm.s32 $0x2800  }
0xbb: {  	[spmem:s2] =	stream.indirect.scatter.add.f32 [tilespmem:s31], [sflag:$0x5], $0x80, s6, s26, $0xb8;
	[tilespmem:$0x1E180] =	vst v63  }
.Ltmp3:
0xbc: {  	_ =	swait.ge [sflag:s30], $0x4000;
	(pc) =	sbr.rel .LBB2_8-.Ltmp3, $3  }
0xbd: {  	[sflag:s30] =	ssyncset.done $0x0  }
0xbe: {  	[sflag:s30] =	ssyncadd.s32 $0xFFFFC000  }
0xbf: {  	[bflag:$0x0] =	sbarrier.arrive $0xFFFF;
	_ =	sdelay $0x1  }
.LBB2_7:
.Ltmp4:
0xc0: {  	(pc) =	sbr.rel @!p0 .LBB2_8-.Ltmp4, $2  }
0xc1: {  	_ =	sdelay $0x1  }
0xc2: {  	[bflag:$0x0] =	sbarrier.arrive $0xFFFF;
	_ =	sdelay $0x1  }
0xc3: {  	s6 =	sshrl.u32 s11, $0x3  }
.Ltmp5:
0xc4: {  	s19 =	rddreg [dreg:$0x5];
	s20 =	simm.s32 $0x1FC5;
	(pc) =	sbr.rel .LBB2_10-.Ltmp5, $4  }
0xc5: {  	[hbm:s19], [sflag:s20] =	dma.local [spmem:s6], $0x2800  }
0xc6: {  	_ =	swait.ge [sflag:s30], $0x2800  }
0xc7: {  	[sflag:s30] =	ssyncset.done $0x0  }
0xc8: {  	[sflag:s30] =	ssyncadd.s32 $0xFFFFD800  }
.LBB2_8:
0xc9: {  	s6 =	stileid.u32  }
0xca: {  	s6 =	sshll.u32 s6, $0x6  }
0xcb: {  	s19 =	sshrl.u32 s5, $0x3;
	s20 =	rddreg [dreg:$0x6];
	s6 =	sor.u32 $0x1C05, s6  }
0xcc: {  	[hbm:s20], [sflag:s6] =	dma.local [spmem:s19], $0x2700  }
0xcd: {  	_ =	swait.ge [sflag:s30], $0x2700  }
0xce: {  	[sflag:s30] =	ssyncset.done $0x0  }
0xcf: {  	[sflag:s30] =	ssyncadd.s32 $0xFFFFD900  }
.LBB2_10:
0xd0: {  	[bflag:$0x0] =	sbarrier.arrive $0xFFFF;
	s6 =	simm.s32 $0x0;
	s19 =	simm.s32 $0x200  }
.LBB2_11:
0xd1: {  	p2 =	sne.s32 s19, $0xFE00;
	[tilespmem:s6+$0x2970] =	vst v0  }
0xd2: {  	[tilespmem:s6+$0x2900] =	vst v0  }
0xd3: {  	[tilespmem:s6+$0x2910] =	vst v0  }
.Ltmp6:
0xd4: {  	[tilespmem:s6+$0x2920] =	vst v0;
	(pc) =	sbr.rel @p2 .LBB2_11-.Ltmp6, $4  }
0xd5: {  	[tilespmem:s6+$0x2930] =	vst v0  }
0xd6: {  	[tilespmem:s6+$0x2940] =	vst v0  }
0xd7: {  	[tilespmem:s6+$0x2950] =	vst v0  }
0xd8: {  	[tilespmem:s6+$0x2960] =	vst v0;
	s6 =	sshra.s32 s19, $0x2;
	s19 =	sadd.s32 $0x200, s19  }
0xd9: {  	[tilespmem:s6+$0x2970] =	vst v0  }
0xda: {  	[tilespmem:s6+$0x2900] =	vst v0  }
0xdb: {  	[tilespmem:s6+$0x2910] =	vst v0  }
0xdc: {  	[tilespmem:s6+$0x2920] =	vst v0  }
0xdd: {  	[tilespmem:s6+$0x2930] =	vst v0  }
0xde: {  	[tilespmem:s6+$0x2940] =	vst v0  }
0xdf: {  	[tilespmem:s6+$0x2950] =	vst v0  }
0xe0: {  	[tilespmem:s6+$0x2960] =	vst v0;
	s6 =	simm.s32 @p0 $0x2900  }
0xe1: {  	[spmem:s11] =	stream.linear.scatter @p0 [tilespmem:s6], [sflag:$0x1], $0x4000, $0x38;
	[tilespmem:$0x1E180] =	vst v63  }
0xe2: {  	_ = 	snop  }
0xe3: {  	[spmem:s12] =	stream.linear.scatter @p0 [tilespmem:s6], [sflag:$0x1], $0x4000, $0x38;
	[tilespmem:$0x1E180] =	vst v63  }
0xe4: {  	_ = 	snop  }
0xe5: {  	[spmem:s13] =	stream.linear.scatter @p0 [tilespmem:s6], [sflag:$0x1], $0x4000, $0x38;
	[tilespmem:$0x1E180] =	vst v63  }
0xe6: {  	_ = 	snop  }
0xe7: {  	[spmem:s14] =	stream.linear.scatter @p0 [tilespmem:s6], [sflag:$0x1], $0x4000, $0x38;
	[tilespmem:$0x1E180] =	vst v63  }
0xe8: {  	_ = 	snop  }
0xe9: {  	[spmem:s15] =	stream.linear.scatter @p0 [tilespmem:s6], [sflag:$0x1], $0x4000, $0x38;
	[tilespmem:$0x1E180] =	vst v63  }
0xea: {  	s6 =	simm.s32 @p0 $0x1  }
0xeb: {  	_ =	swait.ge @p0 [sflag:s6], $0x4000  }
0xec: {  	[sflag:s6] =	ssyncset.done @p0 $0x0  }
0xed: {  	[sflag:s6] =	ssyncadd.s32 @p0 $0xFFFFC000  }
0xee: {  	_ =	swait.ge @p0 [sflag:s6], $0x4000  }
0xef: {  	[sflag:s6] =	ssyncset.done @p0 $0x0  }
0xf0: {  	[sflag:s6] =	ssyncadd.s32 @p0 $0xFFFFC000  }
0xf1: {  	_ =	swait.ge @p0 [sflag:s6], $0x4000  }
0xf2: {  	[sflag:s6] =	ssyncset.done @p0 $0x0  }
0xf3: {  	[sflag:s6] =	ssyncadd.s32 @p0 $0xFFFFC000  }
0xf4: {  	_ =	swait.ge @p0 [sflag:s6], $0x4000  }
0xf5: {  	[sflag:s6] =	ssyncset.done @p0 $0x0  }
0xf6: {  	[sflag:s6] =	ssyncadd.s32 @p0 $0xFFFFC000  }
0xf7: {  	_ =	swait.ge @p0 [sflag:s6], $0x4000  }
0xf8: {  	[sflag:s6] =	ssyncset.done @p0 $0x0  }
0xf9: {  	[sflag:s6] =	ssyncadd.s32 @p0 $0xFFFFC000;
	s6 =	simm.s32 @!p0 $0x2900  }
0xfa: {  	[spmem:s5] =	stream.linear.scatter @!p0 [tilespmem:s6], [sflag:$0x1], $0x4000, $0x38;
	[tilespmem:$0x1E180] =	vst v63  }
0xfb: {  	_ = 	snop  }
0xfc: {  	[spmem:s7] =	stream.linear.scatter @!p0 [tilespmem:s6], [sflag:$0x1], $0x4000, $0x38;
	[tilespmem:$0x1E180] =	vst v63  }
0xfd: {  	_ = 	snop  }
0xfe: {  	[spmem:s8] =	stream.linear.scatter @!p0 [tilespmem:s6], [sflag:$0x1], $0x4000, $0x38;
	[tilespmem:$0x1E180] =	vst v63  }
0xff: {  	_ = 	snop  }
0x100: {  	[spmem:s9] =	stream.linear.scatter @!p0 [tilespmem:s6], [sflag:$0x1], $0x4000, $0x38;
	[tilespmem:$0x1E180] =	vst v63  }
0x101: {  	_ = 	snop  }
0x102: {  	[spmem:s10] =	stream.linear.scatter @!p0 [tilespmem:s6], [sflag:$0x1], $0x3800, $0x38;
	[tilespmem:$0x1E180] =	vst v63  }
0x103: {  	s6 =	simm.s32 @!p0 $0x1  }
0x104: {  	_ =	swait.ge @!p0 [sflag:s6], $0x4000  }
0x105: {  	[sflag:s6] =	ssyncset.done @!p0 $0x0  }
0x106: {  	[sflag:s6] =	ssyncadd.s32 @!p0 $0xFFFFC000  }
0x107: {  	_ =	swait.ge @!p0 [sflag:s6], $0x4000  }
0x108: {  	[sflag:s6] =	ssyncset.done @!p0 $0x0  }
0x109: {  	[sflag:s6] =	ssyncadd.s32 @!p0 $0xFFFFC000  }
0x10a: {  	_ =	swait.ge @!p0 [sflag:s6], $0x4000  }
0x10b: {  	[sflag:s6] =	ssyncset.done @!p0 $0x0  }
0x10c: {  	[sflag:s6] =	ssyncadd.s32 @!p0 $0xFFFFC000  }
0x10d: {  	_ =	swait.ge @!p0 [sflag:s6], $0x4000  }
0x10e: {  	[sflag:s6] =	ssyncset.done @!p0 $0x0  }
0x10f: {  	[sflag:s6] =	ssyncadd.s32 @!p0 $0xFFFFC000  }
0x110: {  	_ =	swait.ge @!p0 [sflag:s6], $0x3800  }
0x111: {  	[sflag:s6] =	ssyncset.done @!p0 $0x0  }
0x112: {  	s19 =	simm.s32 $0x200;
	[sflag:s6] =	ssyncadd.s32 @!p0 $0xFFFFC800;
	s6 =	simm.s32 $0x0  }
.LBB2_13:
0x113: {  	p2 =	sne.s32 s19, $0xFE00;
	[tilespmem:s6+$0x2970] =	vst v1  }
0x114: {  	[tilespmem:s6+$0x2900] =	vst v1  }
0x115: {  	[tilespmem:s6+$0x2910] =	vst v1  }
.Ltmp7:
0x116: {  	[tilespmem:s6+$0x2920] =	vst v1;
	(pc) =	sbr.rel @p2 .LBB2_13-.Ltmp7, $4  }
0x117: {  	[tilespmem:s6+$0x2930] =	vst v1  }
0x118: {  	[tilespmem:s6+$0x2940] =	vst v1  }
0x119: {  	[tilespmem:s6+$0x2950] =	vst v1  }
0x11a: {  	[tilespmem:s6+$0x2960] =	vst v1;
	s6 =	sshra.s32 s19, $0x2;
	s19 =	sadd.s32 $0x200, s19  }
0x11b: {  	[tilespmem:s6+$0x2970] =	vst v1  }
0x11c: {  	[tilespmem:s6+$0x2900] =	vst v1  }
0x11d: {  	[tilespmem:s6+$0x2910] =	vst v1  }
0x11e: {  	[tilespmem:s6+$0x2920] =	vst v1  }
0x11f: {  	[tilespmem:s6+$0x2930] =	vst v1;
	p2 =	sne.s32 s22, $0x1  }
.Ltmp8:
0x120: {  	[tilespmem:s6+$0x2940] =	vst v1;
	(pc) =	sbr.rel @!p2 .LBB2_16-.Ltmp8, $4  }
0x121: {  	[tilespmem:s6+$0x2950] =	vst v1  }
0x122: {  	[tilespmem:s6+$0x2960] =	vst v1  }
0x123: {  	s6 =	simm.s32 $0x100;
	s19 =	sadd.s32 $0xFFFFFFFF, s22;
	[bflag:$0x0] =	sbarrier.arrive $0xFFFF  }
0x124: {  	[spmem:s2] =	stream.indirect.scatter.add.f32 [tilespmem:s31], [sflag:$0x1], $0x80, s6, s26, $0xb8;
	[tilespmem:$0x1E180] =	vst v63  }
.LBB2_15:
0x125: {  	p3 =	sne.s32 s19, $0x1  }
.Ltmp9:
0x126: {  	_ = 	snop;
	(pc) =	sbr.rel @p3 .LBB2_15-.Ltmp9, $3  }
0x127: {  	_ = 	snop  }
0x128: {  	s19 =	sadd.s32 $0xFFFFFFFF, s19;
	s6 =	sadd.s32 $0x80, s6;
	_ =	sdelay $0x1  }
0x129: {  	[spmem:s2] =	stream.indirect.scatter.add.f32 [tilespmem:s31], [sflag:$0x1], $0x80, s6, s26, $0xb8;
	[tilespmem:$0x1E180] =	vst v63  }
.LBB2_16:
.Ltmp10:
0x12a: {  	(pc) =	sbr.rel @!p2 .LBB2_18-.Ltmp10, $3  }
0x12b: {  	_ =	sdelay $0x1  }
0x12c: {  	_ =	swait.ge [sflag:s28], $0x4000  }
0x12d: {  	s6 =	sadd.s32 $0xFFFFFFFF, s22;
	[sflag:s28] =	ssyncset.done $0x0  }
.LBB2_17:
0x12e: {  	p2 =	sne.s32 s6, $0x1;
	s6 =	sadd.s32 $0xFFFFFFFF, s6;
	[sflag:s28] =	ssyncadd.s32 $0xFFFFC000  }
.Ltmp11:
0x12f: {  	(pc) =	sbr.rel @p2 .LBB2_17-.Ltmp11, $3  }
0x130: {  	_ =	sdelay $0x1  }
0x131: {  	_ =	swait.ge [sflag:s28], $0x4000  }
0x132: {  	[sflag:s28] =	ssyncset.done $0x0  }
.LBB2_18:
0x133: {  	[sflag:s28] =	ssyncadd.s32 $0xFFFFC000  }
0x134: {  	[bflag:$0x0] =	sbarrier.arrive $0xFFFF  }
0x135: {  	s6 =	sshrl.u32 @p0 s11, $0x3;
	s19 =	simm.s32 @p0 $0x1FC5;
	s20 =	rddreg [dreg:$0x8]  }
0x136: {  	[hbm:s20], [sflag:s19] =	dma.local @p0 [spmem:s6], $0x2800  }
0x137: {  	s3 =	sadd.s32 $0x1, s3;
	s6 =	simm.s32 @p0 $0x5  }
0x138: {  	p2 =	sne.s32 s3, s23;
	s19 =	stileid.u32;
	_ =	swait.ge @p0 [sflag:s6], $0x2800  }
0x139: {  	s19 =	sshll.u32 @!p0 s19, $0x6;
	[sflag:s6] =	ssyncset.done @p0 $0x0;
	s20 =	rddreg [dreg:$0x7]  }
0x13a: {  	[sflag:s6] =	ssyncadd.s32 @p0 $0xFFFFD800;
	s6 =	sor.u32 @!p0 $0x1C05, s19;
	s19 =	sshrl.u32 @!p0 s5, $0x3  }
0x13b: {  	[hbm:s20], [sflag:s6] =	dma.local @!p0 [spmem:s19], $0x2700  }
.Ltmp12:
0x13c: {  	_ = 	snop;
	(pc) =	sbr.rel @p2 .LBB2_1-.Ltmp12, $4  }
0x13d: {  	s6 =	simm.s32 @!p0 $0x5  }
0x13e: {  	_ =	swait.ge @!p0 [sflag:s6], $0x2700  }
0x13f: {  	[sflag:s6] =	ssyncset.done @!p0 $0x0  }
0x140: {  	[sflag:s6] =	ssyncadd.s32 @!p0 $0xFFFFD900  }
0x141: {  	_ =	sfence.sel $0x180000  }
0x142: {  	[bflag:$0x0] =	sbarrier.arrive $0xFFFF  }
0x143: {  	_ =	strace $0x90000047  }
0x144: {  	s0 =	stileid.u32;
	[bflag:$0x2] =	sbarrier.arrive $0xFFFF  }
0x145: {  	p0 =	sne.s32 s0, $0x0;
	s0 =	rddreg [dreg:$0x3]  }
0x146: {  	s0 =	sadd.s32 @!p0 $0x100000, s0  }
0x147: {  	[sflag:s0] =	ssyncadd.tile.s32 @!p0 $0x1;
	_ =	shalt  }
.Lfunc_end2:
_tile_overlayer_lowered:
.L_overlay_start_2:
0x148: {  	(tag) =	ssettag $0x2  }
0x149: {  	s0 =	rddreg [dreg:$0x0];
	s2 =	stileid.u32  }
0x14a: {  	s1 =	rddreg [dreg:$0x1];
	p0 =	sne.s32 s2, $0x0  }
0x14b: {  	s3 =	rddreg [dreg:$0x2];
	[bflag:$0x3] =	sbarrier.arrive $0xFFFF;
	s2 =	simm.s32 @!p0 $0x1C05  }
0x14c: {  	[timem:s3], [sflag:s2] =	dma.local @!p0 [hbm:s0], s1  }
0x14d: {  	s0 =	simm.s32 @!p0 $0x5  }
0x14e: {  	_ =	swait.ge @!p0 [sflag:s0], s1  }
0x14f: {  	s1 =	ssub.s32 @!p0 $0x0, s1;
	[sflag:s0] =	ssyncset.done @!p0 $0x0  }
0x150: {  	[sflag:s0] =	ssyncadd.s32 @!p0 s1  }
0x151: {  	[bflag:$0x3] =	sbarrier.arrive $0xFFFF  }
0x152: {  	_ =	shalt  }

// kernel: kernel.9.cloned.1.call-start
scs
__scs_entry_jumppad:
0x0: {  	(pc) =	sbr.rel $0x88, $3  }
0x1: {  	(tag) =	ssettag $0x0;
	lr =	simm.s32 $0x1  }
0x2: {  	[smem:$0x3F99] =	sst lr;
	_ =	strace $0xD0000000  }
0x3: {  	_ = 	snop  }
0x4: {  	_ = 	snop  }
0x5: {  	_ = 	snop  }
0x6: {  	_ = 	snop  }
0x7: {  	_ = 	snop  }
__scs_overlays_trampoline_lowered:
0x8: {  	[smem:$0x3FA8] =	sst s0  }
0x9: {  	[smem:$0x3FA9] =	sst s1  }
0xa: {  	[smem:$0x3FAA] =	sst s2  }
0xb: {  	[smem:$0x3FAB] =	sst s3  }
0xc: {  	[smem:$0x3FAC] =	sst s4  }
0xd: {  	[smem:$0x3FAD] =	sst s5  }
0xe: {  	[smem:$0x3FAE] =	sst s6  }
0xf: {  	[smem:$0x3FAF] =	sst s7  }
0x10: {  	[smem:$0x3FB0] =	sst s8  }
0x11: {  	[smem:$0x3FB1] =	sst s9;
	s0 =	simm.s32 @!p0 $0x0  }
0x12: {  	s1 =	sld [smem:$0x3F97];
	s0 =	simm.s32 @p0 $0x1  }
0x13: {  	[smem:$0x3FB2] =	sst s0;
	s0 =	simm.s32 @!p1 $0x0  }
0x14: {  	s2 =	sld [smem:$0x3F96];
	s0 =	simm.s32 @p1 $0x1  }
0x15: {  	[smem:$0x3FB3] =	sst s0;
	s0 =	simm.s32 @!p2 $0x0  }
0x16: {  	s3 =	sld [smem:$0x3FDB];
	s0 =	simm.s32 @p2 $0x1  }
0x17: {  	s4 =	simm.s32 $0x1BF5;
	[smem:$0x3FB5] =	sst s0  }
0x18: {  	s0 =	sld [smem:$0x3F98];
	_ =	swait.ge [sflag:s4], $0x0  }
0x19: {  	s7 =	sld [smem:$0x3F99]  }
0x1a: {  	s8 =	sadd.s32 $0xFFFFE003, lr  }
0x1b: {  	s9 =	sadd.s32 $0xFFFFFEF7, lr;
	s5 =	simm.s32 $0xFFFFFFFF;
	p2 =	slt.u32 s8, $0xFFFFF086  }
0x1c: {  	p1 =	slt.u32 s9, $0xF7A;
	s5 =	simm.s32 @!p2 $0x0  }
0x1d: {  	s5 =	simm.s32 @p1 $0x1;
	p0 =	seq.s32 s7, s2  }
0x1e: {  	s7 =	smul.u32 @!p0 $0xF7A, s2;
	p2 =	seq.s32 @!p0 s5, $0x0  }
0x1f: {  	s9 =	smul.u32 $0xF7A, s1;
	s8 =	simm.s32 @!p0 $0x1BF5;
	p2 =	por !p2, p0  }
0x20: {  	[sflag:s8] =	ssyncset.s32 @!p0 $0xFFFFF086;
	s6 =	sadd.s32 @!p0 s3, s7;
	s7 =	simm.s32 @!p0 $0x108  }
0x21: {  	s3 =	sadd.s32 s3, s9;
	s6 =	sadd.s32 @!p0 $0x88, s6;
	s7 =	simm.s32 @p2 $0x1082  }
0x22: {  	[simem:s7], [sflag:s8] =	dma.local @!p0 [hbm:s6], $0xF7A  }
0x23: {  	s9 =	sor.u32 $0xD0000000, s2;
	s6 =	simm.s32 $0x108;
	_ =	swait.ge @!p0 [sflag:s8], $0x0  }
0x24: {  	s3 =	sadd.s32 $0x88, s3;
	s6 =	simm.s32 @!p1 $0x1082;
	[sflag:s4] =	ssyncset.s32 $0xFFFFF086  }
0x25: {  	[simem:s6], [sflag:s4] =	dma.local [hbm:s3], $0xF7A  }
0x26: {  	[smem:$0x3F99] =	sst s1;
	(tag) =	ssettag s2;
	_ =	strace s9  }
0x27: {  	s1 =	sld [smem:$0x3FA9]  }
0x28: {  	s2 =	sld [smem:$0x3FAA]  }
0x29: {  	s4 =	sld [smem:$0x3FAC]  }
0x2a: {  	p0 =	seq.s32 s5, $0x0;
	s5 =	sld [smem:$0x3FAD]  }
0x2b: {  	s6 =	sld [smem:$0x3FAE]  }
0x2c: {  	s7 =	sld [smem:$0x3FAF]  }
0x2d: {  	s3 =	simm.s32 $0x108;
	s8 =	sld [smem:$0x3FB0]  }
0x2e: {  	s3 =	simm.s32 @!p0 $0x1082;
	s9 =	sld [smem:$0x3FB1]  }
0x2f: {  	lr =	sadd.s32 s0, s3;
	s0 =	sld [smem:$0x3FA8]  }
0x30: {  	s3 =	sld [smem:$0x3FAB]  }
0x31: {  	[smem:$0x3FB4] =	sst s10  }
0x32: {  	s10 =	sld [smem:$0x3FB2];
	_ =	sdelay $0x3  }
0x33: {  	p0 =	seq.s32 s10, $0x1;
	s10 =	sld [smem:$0x3FB4];
	_ =	sdelay $0x3  }
0x34: {  	[smem:$0x3FB4] =	sst s10  }
0x35: {  	s10 =	sld [smem:$0x3FB3];
	_ =	sdelay $0x3  }
0x36: {  	p1 =	seq.s32 s10, $0x1;
	s10 =	sld [smem:$0x3FB4];
	_ =	sdelay $0x3  }
0x37: {  	[smem:$0x3FB4] =	sst s10  }
0x38: {  	s10 =	sld [smem:$0x3FB5]  }
0x39: {  	_ = 	snop;
	(pc) =	sbr.ind lr, $3  }
0x3a: {  	_ = 	snop  }
0x3b: {  	_ = 	snop  }
0x3c: {  	p2 =	seq.s32 s10, $0x1;
	s10 =	sld [smem:$0x3FB4]  }
0x3d: {  	_ =	shalt  }
0x3e: {  	_ =	shalt  }
0x3f: {  	_ =	shalt  }
0x40: {  	_ =	shalt  }
0x41: {  	_ =	shalt  }
0x42: {  	_ =	shalt  }
0x43: {  	_ =	shalt  }
0x44: {  	_ =	shalt  }
0x45: {  	_ =	shalt  }
0x46: {  	_ =	shalt  }
0x47: {  	_ =	shalt  }
0x48: {  	_ =	shalt  }
0x49: {  	_ =	shalt  }
0x4a: {  	_ =	shalt  }
0x4b: {  	_ =	shalt  }
0x4c: {  	_ =	shalt  }
0x4d: {  	_ =	shalt  }
0x4e: {  	_ =	shalt  }
0x4f: {  	_ =	shalt  }
0x50: {  	_ =	shalt  }
0x51: {  	_ =	shalt  }
0x52: {  	_ =	shalt  }
0x53: {  	_ =	shalt  }
0x54: {  	_ =	shalt  }
0x55: {  	_ =	shalt  }
0x56: {  	_ =	shalt  }
0x57: {  	_ =	shalt  }
0x58: {  	_ =	shalt  }
0x59: {  	_ =	shalt  }
0x5a: {  	_ =	shalt  }
0x5b: {  	_ =	shalt  }
0x5c: {  	_ =	shalt  }
0x5d: {  	_ =	shalt  }
0x5e: {  	_ =	shalt  }
0x5f: {  	_ =	shalt  }
0x60: {  	_ =	shalt  }
0x61: {  	_ =	shalt  }
0x62: {  	_ =	shalt  }
0x63: {  	_ =	shalt  }
0x64: {  	_ =	shalt  }
0x65: {  	_ =	shalt  }
0x66: {  	_ =	shalt  }
0x67: {  	_ =	shalt  }
0x68: {  	_ =	shalt  }
0x69: {  	_ =	shalt  }
0x6a: {  	_ =	shalt  }
0x6b: {  	_ =	shalt  }
0x6c: {  	_ =	shalt  }
0x6d: {  	_ =	shalt  }
0x6e: {  	_ =	shalt  }
0x6f: {  	_ =	shalt  }
0x70: {  	_ =	shalt  }
0x71: {  	_ =	shalt  }
0x72: {  	_ =	shalt  }
0x73: {  	_ =	shalt  }
0x74: {  	_ =	shalt  }
0x75: {  	_ =	shalt  }
0x76: {  	_ =	shalt  }
0x77: {  	_ =	shalt  }
0x78: {  	_ =	shalt  }
0x79: {  	_ =	shalt  }
0x7a: {  	_ =	shalt  }
0x7b: {  	_ =	shalt  }
0x7c: {  	_ =	shalt  }
0x7d: {  	_ =	shalt  }
0x7e: {  	_ =	shalt  }
0x7f: {  	_ =	shalt  }
0x80: {  	_ =	shalt  }
0x81: {  	_ =	shalt  }
0x82: {  	_ =	shalt  }
0x83: {  	_ =	shalt  }
0x84: {  	_ =	shalt  }
0x85: {  	_ =	shalt  }
0x86: {  	_ =	shalt  }
0x87: {  	_ =	shalt  }
.Lfunc_end0:
.L_simem_size_0:
called_computation.1_lowered:
.L_overlay_start_0:
0x88: {  	s2 =	sld [smem:$0x3FD9]  }
0x89: {  	s3 =	sld [smem:$0x3FFE];
	_ =	sdelay $0x1  }
0x8a: {  	s1 =	srdreg.scid  }
0x8b: {  	s0 =	sand.u32 $0x1, s1  }
0x8c: {  	s17 =	sshll.u32 s0, $0xA;
	s2 =	sadd.s32 s3, s2  }
0x8d: {  	s2 =	sadd.s32 s2, s17  }
0x8e: {  	[smem:$0x3FC0] =	sst s2  }
0x8f: {  	_ = 	snop  }
0x90: {  	s2 =	sld [smem:$0x3FD0];
	(tm) =	ssettm $0x1  }
0x91: {  	s18 =	sld [smem:$0x3FFB];
	_ =	sdelay $0x3  }
0x92: {  	_ =	strace s18  }
0x93: {  	s3 =	sld [smem:$0x3FFC];
	_ =	sdelay $0x3  }
0x94: {  	_ =	strace s3  }
0x95: {  	s3 =	sld [smem:$0x3FFD];
	_ =	sdelay $0x3  }
0x96: {  	_ =	strace s3  }
0x97: {  	_ =	strace $0x8FFFFFFF  }
0x98: {  	s19 =	sld [smem:$0x3FDB];
	_ =	sdelay $0x1  }
0x99: {  	s4 =	simm.s32 $_scs_section_size  }
0x9a: {  	s5 =	simm.s32 $_size__tile_overlayer_lowered;
	s6 =	simm.s32 $_tile_overlayer_lowered  }
0x9b: {  	s22 =	simm.s32 $0x1BFF;
	s21 =	sshll.u32 s6, $0x1;
	s3 =	sadd.s32 s4, s19  }
0x9c: {  	s7 =	simm.s32 $0x0;
	s20 =	sshll.u32 s5, $0x1;
	s5 =	sadd.s32 s21, s3  }
0x9d: {  	[timem:s7], [sflag:s22] =	dma.local [hbm:s5], s20  }
0x9e: {  	_ =	swait.ge [sflag:s22], s20  }
0x9f: {  	s4 =	ssub.s32 $0x0, s20;
	[sflag:s22] =	ssyncset.done $0x0  }
0xa0: {  	[sflag:s22] =	ssyncadd.s32 s4;
	_ =	sdelay $0x1  }
0xa1: {  	s23 =	simm.s32 $0x1B8B  }
0xa2: {  	_ =	swait.ge [sflag:s23], $0x1  }
0xa3: {  	[sflag:s23] =	ssyncset.done $0x0  }
0xa4: {  	s25 =	simm.s32 $0x1B8E;
	s24 =	sld [smem:$0x3FFE];
	[sflag:s23] =	ssyncadd.s32 $0xFFFFFFFF  }
0xa5: {  	s26 =	simm.s32 $execute0_lowered;
	[smem:$0x3FD2] =	sst s25  }
0xa6: {  	s5 =	sshll.u32 s26, $0x1;
	_ =	strace $0x80000049;
	[dreg:$0x1] =	wrdreg $0xFFFFFFFF  }
0xa7: {  	s28 =	simm.s32 $_size_execute0_lowered;
	s3 =	sadd.s32 s3, s5;
	[dreg:$0x0] =	wrdreg $0x0  }
0xa8: {  	s5 =	sshll.u32 s28, $0x1;
	[dreg:$0x2] =	wrdreg s3  }
0xa9: {  	[dreg:$0x3] =	wrdreg s5  }
0xaa: {  	[dreg:$0x4] =	wrdreg $0xC0  }
0xab: {  	_ =	task [dreg:s7], $0x5FFFF  }
0xac: {  	[dreg:$0x1] =	wrdreg $0xFFFFFFFF  }
0xad: {  	[dreg:$0x0] =	wrdreg $0x60  }
0xae: {  	[dreg:$0x2] =	wrdreg s2  }
0xaf: {  	[dreg:$0x3] =	wrdreg s24  }
0xb0: {  	[dreg:$0x4] =	wrdreg $0xA9000  }
0xb1: {  	[dreg:$0x5] =	wrdreg $0x9  }
0xb2: {  	_ =	task.clear_ibuf [dreg:s7], $0x6FFFF;
	_ =	strace $0x90000049  }
0xb3: {  	s29 =	simm.s32 $0x9;
	_ =	strace $0x8000004B  }
0xb4: {  	_ =	swait.ge [sflag:s29], $0x1  }
0xb5: {  	[sflag:s29] =	ssyncadd.s32 $0xFFFFFFFF  }
0xb6: {  	_ =	strace $0x9000004B  }
0xb7: {  	_ =	sfence  }
0xb8: {  	s30 =	sld [smem:$0x0];
	_ =	sdelay $0x2  }
0xb9: {  	s31 =	sshll.u32 s1, $0xD;
	s1 =	sshrl.u32 s1, $0x2  }
0xba: {  	s3 =	sand.u32 $0x4000, s31;
	s1 =	sadd.s32 s1, s30  }
0xbb: {  	s0 =	sor.u32 s3, s0;
	s1 =	sshll.u32 s1, $0x11  }
0xbc: {  	s0 =	sor.u32 s1, s0  }
0xbd: {  	s0 =	sadd.s32 $0x8F2B, s0  }
0xbe: {  	[sflag:s0] =	ssyncadd.remote.s32 $0x1  }
0xbf: {  	_ =	sfence.sel $0xFFFF  }
0xc0: {  	[dreg:$0x0] =	wrdreg $0xFFFFFFFF;
	(pc) =	sbr.abs _section_cstart, $3  }
0xc1: {  	[dreg:$0x1] =	wrdreg $0xFFFFFFFF  }
0xc2: {  	_ =	task.clear_ibuf [dreg:s7], $0x2FFFF;
	_ =	strace $0x9FFFFFFF  }
0xc3: {  	(tm) =	ssettm $0x7FFFFFFF  }
tec
execute0_lowered:
.L_overlay_start_1:
0x0: {  	(tag) =	ssettag $0x1  }
0x1: {  	s1 =	rddreg [dreg:$0x0]  }
0x2: {  	s0 =	rddreg [dreg:$0x1]  }
0x3: {  	s2 =	rddreg [dreg:$0x2]  }
0x4: {  	s4 =	simm.s32 $0x0;
	s3 =	srdreg.scid;
	s24 =	stileid.u32  }
0x5: {  	s28 =	simm.s32 $0x2900;
	s29 =	simm.s32 $0x4;
	s30 =	simm.s32 $0x6900  }
0x6: {  	s31 =	simm.s32 $0x1;
	[smem:$0x7FF] =	sst s4;
	s3 =	sand.u32 $0x1, s3  }
0x7: {  	s18 =	sshll.u32 s24, $0x5;
	s5 =	smul.u32 $0x4E000, s24;
	s10 =	sadd.s32 $0x124800, s2  }
0x8: {  	s23 =	sadd.s32 $0xBE00, s0;
	s12 =	sadd.s32 $0x128800, s2;
	s17 =	smul.u32 $0x13800, s24  }
0x9: {  	s15 =	sadd.s32 $0x134800, s2;
	p0 =	seq.s32 s24, $0xF;
	p1 =	sgt.u32 s24, $0x1  }
0xa: {  	s22 =	sshll.u32 s3, $0x4;
	_ =	strace $0x8000004A;
	s13 =	ssub.s32 $0x2, s3  }
0xb: {  	s3 =	smul.u32 $0x138800, s3;
	s26 =	sadd.s32 s18, s23;
	s16 =	sor.u32 s22, s18  }
0xc: {  	s7 =	sshrl.u32 s5, $0x2;
	s14 =	sshrl.u32 s13, $0x1;
	s22 =	sadd.s32 s22, s26  }
0xd: {  	s26 =	simm.s32 $0x5;
	s18 =	simm.s32 $0x2;
	s6 =	sadd.s32 s16, s0  }
0xe: {  	s0 =	sadd.s32 $0x15C00, s0;
	s20 =	ssub.s32 s13, s14;
	s13 =	sadd.s32 $0x12C800, s2  }
0xf: {  	s14 =	sadd.s32 $0x130800, s2;
	s19 =	sshrl.u32 s3, $0x3;
	s3 =	sadd.s32 s17, s3  }
0x10: {  	s16 =	sadd.s32 s23, s16;
	s23 =	simm.s32 $0x80;
	s21 =	sadd.s32 $0x2000, s6  }
0x11: {  	s6 =	sadd.s32 s7, s2;
	s19 =	sadd.s32 s0, s19;
	s3 =	sshrl.u32 s3, $0x3  }
.Ltmp0:
0x12: {  	s17 =	sadd.s32 $0x200, s16;
	s20 =	smax.u32 s20, $0x1;
	(pc) =	sbr.rel .LBB2_1-.Ltmp0, $4  }
0x13: {  	[dreg:$0x4] =	wrdreg s21;
	s7 =	sadd.s32 $0x4000, s6;
	s8 =	sadd.s32 $0x8000, s6  }
0x14: {  	s9 =	sadd.s32 $0xC000, s6;
	s11 =	sadd.s32 $0x10000, s6;
	s25 =	sadd.s32 $0x24900, s19  }
0x15: {  	s0 =	sadd.s32 s0, s3;
	s21 =	sadd.s32 $0x9C00, s16;
	[dreg:$0x5] =	wrdreg s25  }
0x16: {  	v0 =	vimm.f32 $0.0e+00;
	[dreg:$0x6] =	wrdreg s0;
	s0 =	simm.s32 $0x3;
	s25 =	simm.s32 $0x0  }
.LBB2_9:
0x17: {  	s3 =	sshrl.u32 s10, $0x3;
	s5 =	rddreg [dreg:$0x5];
	s19 =	simm.s32 $0x1FC5  }
0x18: {  	[hbm:s5], [sflag:s19] =	dma.local [spmem:s3], $0x2800  }
0x19: {  	_ =	swait.ge [sflag:s26], $0x2800  }
0x1a: {  	[sflag:s26] =	ssyncset.done $0x0  }
0x1b: {  	[sflag:s26] =	ssyncadd.s32 $0xFFFFD800  }
.LBB2_10:
0x1c: {  	s25 =	sadd.s32 $0x1, s25  }
0x1d: {  	p2 =	sne.s32 s25, s20  }
.Ltmp1:
0x1e: {  	_ = 	snop;
	(pc) =	sbr.rel @!p2 .LBB2_11-.Ltmp1, $1  }
0x1f: {  	_ =	sdelay $0x3  }
.LBB2_1:
0x20: {  	s3 =	rddreg [dreg:$0x4];
	s5 =	simm.s32 $0x1000;
	s19 =	simm.s32 $0x100  }
0x21: {  	[tilespmem:s19], [sflag:$0x5] =	stream.strided.gather [hbm4b:s3+s23], $0x2780, s5, s23, $0x38;
	[tilespmem:$0x1E180] =	vst v63  }
0x22: {  	_ =	swait.ge [sflag:s26], $0x2780  }
0x23: {  	[sflag:s26] =	ssyncset.done $0x0  }
0x24: {  	s24 =	simm.s32 $0x200;
	s3 =	simm.s32 $0x0;
	[sflag:s26] =	ssyncadd.s32 $0xFFFFD880  }
.LBB2_2:
0x25: {  	p2 =	sne.s32 s24, $0xFE00;
	[tilespmem:s3+$0x2970] =	vst v0  }
0x26: {  	[tilespmem:s3+$0x2900] =	vst v0  }
0x27: {  	[tilespmem:s3+$0x2910] =	vst v0  }
.Ltmp2:
0x28: {  	[tilespmem:s3+$0x2920] =	vst v0;
	(pc) =	sbr.rel @p2 .LBB2_2-.Ltmp2, $4  }
0x29: {  	[tilespmem:s3+$0x2930] =	vst v0  }
0x2a: {  	[tilespmem:s3+$0x2940] =	vst v0  }
0x2b: {  	[tilespmem:s3+$0x2950] =	vst v0  }
0x2c: {  	[tilespmem:s3+$0x2960] =	vst v0;
	s3 =	sshra.s32 s24, $0x2;
	s24 =	sadd.s32 $0x200, s24  }
0x2d: {  	[tilespmem:s3+$0x2970] =	vst v0  }
0x2e: {  	[tilespmem:s3+$0x2900] =	vst v0  }
0x2f: {  	[tilespmem:s3+$0x2910] =	vst v0  }
0x30: {  	[tilespmem:s3+$0x2920] =	vst v0  }
0x31: {  	[tilespmem:s3+$0x2930] =	vst v0  }
0x32: {  	[tilespmem:s3+$0x2940] =	vst v0  }
0x33: {  	[tilespmem:s3+$0x2950] =	vst v0  }
0x34: {  	[tilespmem:s3+$0x2960] =	vst v0;
	s3 =	simm.s32 @p0 $0x2900  }
0x35: {  	[spmem:s10] =	stream.linear.scatter @p0 [tilespmem:s3], [sflag:$0x1], $0x4000, $0x38;
	[tilespmem:$0x1E180] =	vst v63  }
0x36: {  	_ = 	snop  }
0x37: {  	[spmem:s12] =	stream.linear.scatter @p0 [tilespmem:s3], [sflag:$0x1], $0x4000, $0x38;
	[tilespmem:$0x1E180] =	vst v63  }
0x38: {  	_ = 	snop  }
0x39: {  	[spmem:s13] =	stream.linear.scatter @p0 [tilespmem:s3], [sflag:$0x1], $0x4000, $0x38;
	[tilespmem:$0x1E180] =	vst v63  }
0x3a: {  	_ = 	snop  }
0x3b: {  	[spmem:s14] =	stream.linear.scatter @p0 [tilespmem:s3], [sflag:$0x1], $0x4000, $0x38;
	[tilespmem:$0x1E180] =	vst v63  }
0x3c: {  	_ = 	snop  }
0x3d: {  	[spmem:s15] =	stream.linear.scatter @p0 [tilespmem:s3], [sflag:$0x1], $0x4000, $0x38;
	[tilespmem:$0x1E180] =	vst v63  }
0x3e: {  	s3 =	simm.s32 @p0 $0x1  }
0x3f: {  	_ =	swait.ge @p0 [sflag:s3], $0x4000  }
0x40: {  	[sflag:s3] =	ssyncset.done @p0 $0x0  }
0x41: {  	[sflag:s3] =	ssyncadd.s32 @p0 $0xFFFFC000  }
0x42: {  	_ =	swait.ge @p0 [sflag:s3], $0x4000  }
0x43: {  	[sflag:s3] =	ssyncset.done @p0 $0x0  }
0x44: {  	[sflag:s3] =	ssyncadd.s32 @p0 $0xFFFFC000  }
0x45: {  	_ =	swait.ge @p0 [sflag:s3], $0x4000  }
0x46: {  	[sflag:s3] =	ssyncset.done @p0 $0x0  }
0x47: {  	[sflag:s3] =	ssyncadd.s32 @p0 $0xFFFFC000  }
0x48: {  	_ =	swait.ge @p0 [sflag:s3], $0x4000  }
0x49: {  	[sflag:s3] =	ssyncset.done @p0 $0x0  }
0x4a: {  	[sflag:s3] =	ssyncadd.s32 @p0 $0xFFFFC000  }
0x4b: {  	_ =	swait.ge @p0 [sflag:s3], $0x4000  }
0x4c: {  	[sflag:s3] =	ssyncset.done @p0 $0x0  }
0x4d: {  	[sflag:s3] =	ssyncadd.s32 @p0 $0xFFFFC000;
	s3 =	simm.s32 @!p0 $0x2900  }
0x4e: {  	[spmem:s6] =	stream.linear.scatter @!p0 [tilespmem:s3], [sflag:$0x1], $0x4000, $0x38;
	[tilespmem:$0x1E180] =	vst v63  }
0x4f: {  	_ = 	snop  }
0x50: {  	[spmem:s7] =	stream.linear.scatter @!p0 [tilespmem:s3], [sflag:$0x1], $0x4000, $0x38;
	[tilespmem:$0x1E180] =	vst v63  }
0x51: {  	_ = 	snop  }
0x52: {  	[spmem:s8] =	stream.linear.scatter @!p0 [tilespmem:s3], [sflag:$0x1], $0x4000, $0x38;
	[tilespmem:$0x1E180] =	vst v63  }
0x53: {  	_ = 	snop  }
0x54: {  	[spmem:s9] =	stream.linear.scatter @!p0 [tilespmem:s3], [sflag:$0x1], $0x4000, $0x38;
	[tilespmem:$0x1E180] =	vst v63  }
0x55: {  	_ = 	snop  }
0x56: {  	[spmem:s11] =	stream.linear.scatter @!p0 [tilespmem:s3], [sflag:$0x1], $0x3800, $0x38;
	[tilespmem:$0x1E180] =	vst v63  }
0x57: {  	s3 =	simm.s32 @!p0 $0x1  }
0x58: {  	_ =	swait.ge @!p0 [sflag:s3], $0x4000  }
0x59: {  	[sflag:s3] =	ssyncset.done @!p0 $0x0  }
0x5a: {  	[sflag:s3] =	ssyncadd.s32 @!p0 $0xFFFFC000  }
0x5b: {  	_ =	swait.ge @!p0 [sflag:s3], $0x4000  }
0x5c: {  	[sflag:s3] =	ssyncset.done @!p0 $0x0  }
0x5d: {  	[sflag:s3] =	ssyncadd.s32 @!p0 $0xFFFFC000  }
0x5e: {  	_ =	swait.ge @!p0 [sflag:s3], $0x4000  }
0x5f: {  	[sflag:s3] =	ssyncset.done @!p0 $0x0  }
0x60: {  	[sflag:s3] =	ssyncadd.s32 @!p0 $0xFFFFC000  }
0x61: {  	_ =	swait.ge @!p0 [sflag:s3], $0x4000  }
0x62: {  	[sflag:s3] =	ssyncset.done @!p0 $0x0  }
0x63: {  	[sflag:s3] =	ssyncadd.s32 @!p0 $0xFFFFC000  }
0x64: {  	_ =	swait.ge @!p0 [sflag:s3], $0x3800  }
0x65: {  	[sflag:s3] =	ssyncset.done @!p0 $0x0  }
0x66: {  	[sflag:s3] =	ssyncadd.s32 @!p0 $0xFFFFC800  }
0x67: {  	s24 =	simm.s32 $0x0;
	[bflag:$0x0] =	sbarrier.arrive $0xFFFF  }
0x68: {  	[tilespmem:s24], [sflag:$0x5] =	stream.linear.gather [hbm4b:s16+s24], $0x80, $0x38;
	[tilespmem:$0x1E180] =	vst v63  }
0x69: {  	_ =	swait.ge [sflag:s26], $0x80  }
0x6a: {  	[sflag:s26] =	ssyncset.done $0x0  }
0x6b: {  	[sflag:s26] =	ssyncadd.s32 $0xFFFFFF80  }
0x6c: {  	[tilespmem:s28], [sflag:$0x1] =	stream.indirect.gather [hbm4b:s1+s23], $0x80, s24, s23, $0xb8;
	[tilespmem:$0x1E180] =	vst v63  }
0x6d: {  	_ = 	snop  }
0x6e: {  	[tilespmem:s23], [sflag:$0x4] =	stream.linear.gather [hbm4b:s17+s24], $0x80, $0x38;
	[tilespmem:$0x1E180] =	vst v63  }
0x6f: {  	_ =	swait.ge [sflag:s29], $0x80  }
0x70: {  	[sflag:s29] =	ssyncset.done $0x0  }
0x71: {  	[sflag:s29] =	ssyncadd.s32 $0xFFFFFF80  }
0x72: {  	[tilespmem:s30], [sflag:$0x2] =	stream.indirect.gather [hbm4b:s1+s23], $0x80, s23, s23, $0xb8;
	[tilespmem:$0x1E180] =	vst v63  }
0x73: {  	_ =	swait.ge [sflag:s31], $0x4000  }
0x74: {  	s5 =	sadd.s32 $0x0, s22;
	[sflag:s31] =	ssyncset.done $0x0  }
0x75: {  	s24 =	sadd.s32 $0x400, s5;
	[sflag:s31] =	ssyncadd.s32 $0xFFFFC000  }
0x76: {  	[tilespmem:s4], [sflag:$0x3] =	stream.linear.gather [hbm4b:s24+s4], $0x80, $0x38;
	[tilespmem:$0x1E180] =	vst v63  }
0x77: {  	s19 =	simm.s32 $0x100  }
0x78: {  	[spmem:s2] =	stream.indirect.scatter.add.f32 [tilespmem:s28], [sflag:$0x5], $0x80, s19, s23, $0xb8;
	[tilespmem:$0x1E180] =	vst v63  }
0x79: {  	_ =	swait.ge [sflag:s26], $0x4000  }
0x7a: {  	[sflag:s26] =	ssyncset.done $0x0  }
0x7b: {  	[sflag:s26] =	ssyncadd.s32 $0xFFFFC000  }
0x7c: {  	_ =	swait.ge [sflag:s0], $0x80  }
0x7d: {  	[sflag:s0] =	ssyncset.done $0x0  }
0x7e: {  	[sflag:s0] =	ssyncadd.s32 $0xFFFFFF80  }
0x7f: {  	[tilespmem:s28], [sflag:$0x1] =	stream.indirect.gather [hbm4b:s1+s23], $0x80, s4, s23, $0xb8;
	[tilespmem:$0x1E180] =	vst v63  }
0x80: {  	_ =	swait.ge [sflag:s18], $0x4000  }
0x81: {  	[sflag:s18] =	ssyncset.done $0x0  }
0x82: {  	s3 =	sadd.s32 $0x600, s5;
	[sflag:s18] =	ssyncadd.s32 $0xFFFFC000  }
0x83: {  	[tilespmem:s23], [sflag:$0x4] =	stream.linear.gather [hbm4b:s3+s4], $0x80, $0x38;
	[tilespmem:$0x1E180] =	vst v63  }
0x84: {  	s24 =	simm.s32 $0x180  }
0x85: {  	[spmem:s2] =	stream.indirect.scatter.add.f32 [tilespmem:s30], [sflag:$0x5], $0x80, s24, s23, $0xb8;
	[tilespmem:$0x1E180] =	vst v63  }
0x86: {  	_ =	swait.ge [sflag:s26], $0x4000  }
0x87: {  	s3 =	simm.s32 $0x400;
	[sflag:s26] =	ssyncset.done $0x0  }
.LBB2_4:
0x88: {  	p2 =	sne.s32 s3, $0x9400  }
0x89: {  	[sflag:s26] =	ssyncadd.s32 $0xFFFFC000;
	s24 =	smov.u32 s3;
	s3 =	sadd.s32 $0x400, s3  }
0x8a: {  	_ = 	snop  }
0x8b: {  	_ =	swait.ge [sflag:s29], $0x80  }
0x8c: {  	[sflag:s29] =	ssyncset.done $0x0  }
0x8d: {  	[sflag:s29] =	ssyncadd.s32 $0xFFFFFF80  }
0x8e: {  	[tilespmem:s30], [sflag:$0x2] =	stream.indirect.gather [hbm4b:s1+s23], $0x80, s23, s23, $0xb8;
	[tilespmem:$0x1E180] =	vst v63  }
0x8f: {  	_ =	swait.ge [sflag:s31], $0x4000  }
0x90: {  	s19 =	sadd.s32 s24, s22;
	[sflag:s31] =	ssyncset.done $0x0  }
0x91: {  	s24 =	sshra.s32 s24, $0x2;
	s5 =	sadd.s32 $0x400, s19;
	[sflag:s31] =	ssyncadd.s32 $0xFFFFC000  }
0x92: {  	[tilespmem:s4], [sflag:$0x3] =	stream.linear.gather [hbm4b:s5+s4], $0x80, $0x38;
	[tilespmem:$0x1E180] =	vst v63  }
0x93: {  	s5 =	sadd.s32 $0x100, s24  }
0x94: {  	[spmem:s2] =	stream.indirect.scatter.add.f32 [tilespmem:s28], [sflag:$0x5], $0x80, s5, s23, $0xb8;
	[tilespmem:$0x1E180] =	vst v63  }
0x95: {  	_ =	swait.ge [sflag:s26], $0x4000  }
0x96: {  	[sflag:s26] =	ssyncset.done $0x0  }
0x97: {  	[sflag:s26] =	ssyncadd.s32 $0xFFFFC000  }
0x98: {  	_ =	swait.ge [sflag:s0], $0x80  }
0x99: {  	[sflag:s0] =	ssyncset.done $0x0  }
0x9a: {  	[sflag:s0] =	ssyncadd.s32 $0xFFFFFF80  }
0x9b: {  	[tilespmem:s28], [sflag:$0x1] =	stream.indirect.gather [hbm4b:s1+s23], $0x80, s4, s23, $0xb8;
	[tilespmem:$0x1E180] =	vst v63  }
0x9c: {  	_ =	swait.ge [sflag:s18], $0x4000  }
0x9d: {  	[sflag:s18] =	ssyncset.done $0x0  }
0x9e: {  	s5 =	sadd.s32 $0x600, s19;
	[sflag:s18] =	ssyncadd.s32 $0xFFFFC000  }
0x9f: {  	[tilespmem:s23], [sflag:$0x4] =	stream.linear.gather [hbm4b:s5+s4], $0x80, $0x38;
	[tilespmem:$0x1E180] =	vst v63  }
.Ltmp3:
0xa0: {  	_ = 	snop;
	(pc) =	sbr.rel @p2 .LBB2_4-.Ltmp3, $4  }
0xa1: {  	s5 =	sadd.s32 $0x180, s24  }
0xa2: {  	[spmem:s2] =	stream.indirect.scatter.add.f32 [tilespmem:s30], [sflag:$0x5], $0x80, s5, s23, $0xb8;
	[tilespmem:$0x1E180] =	vst v63  }
0xa3: {  	_ =	swait.ge [sflag:s26], $0x4000  }
0xa4: {  	[sflag:s26] =	ssyncset.done $0x0  }
0xa5: {  	[sflag:s26] =	ssyncadd.s32 $0xFFFFC000  }
0xa6: {  	_ =	swait.ge [sflag:s29], $0x80  }
0xa7: {  	[sflag:s29] =	ssyncset.done $0x0  }
0xa8: {  	[sflag:s29] =	ssyncadd.s32 $0xFFFFFF80  }
0xa9: {  	[tilespmem:s30], [sflag:$0x2] =	stream.indirect.gather [hbm4b:s1+s23], $0x80, s23, s23, $0xb8;
	[tilespmem:$0x1E180] =	vst v63  }
0xaa: {  	_ =	swait.ge [sflag:s31], $0x4000  }
0xab: {  	[sflag:s31] =	ssyncset.done $0x0  }
0xac: {  	[sflag:s31] =	ssyncadd.s32 $0xFFFFC000  }
0xad: {  	[tilespmem:s4], [sflag:$0x3] =	stream.linear.gather [hbm4b:s21+s4], $0x80, $0x38;
	[tilespmem:$0x1E180] =	vst v63  }
0xae: {  	s3 =	simm.s32 $0x2700  }
0xaf: {  	[spmem:s2] =	stream.indirect.scatter.add.f32 [tilespmem:s28], [sflag:$0x5], $0x80, s3, s23, $0xb8;
	[tilespmem:$0x1E180] =	vst v63  }
0xb0: {  	_ =	swait.ge [sflag:s26], $0x4000  }
0xb1: {  	[sflag:s26] =	ssyncset.done $0x0  }
0xb2: {  	[sflag:s26] =	ssyncadd.s32 $0xFFFFC000  }
0xb3: {  	_ =	swait.ge [sflag:s0], $0x80  }
0xb4: {  	[sflag:s0] =	ssyncset.done $0x0  }
0xb5: {  	[sflag:s0] =	ssyncadd.s32 $0xFFFFFF80  }
0xb6: {  	[tilespmem:s28], [sflag:$0x1] =	stream.indirect.gather [hbm4b:s1+s23], $0x80, s4, s23, $0xb8;
	[tilespmem:$0x1E180] =	vst v63  }
0xb7: {  	_ =	swait.ge [sflag:s18], $0x4000  }
0xb8: {  	[sflag:s18] =	ssyncset.done $0x0  }
0xb9: {  	s24 =	simm.s32 $0x2780;
	[sflag:s18] =	ssyncadd.s32 $0xFFFFC000  }
0xba: {  	[spmem:s2] =	stream.indirect.scatter.add.f32 [tilespmem:s30], [sflag:$0x5], $0x80, s24, s23, $0xb8;
	[tilespmem:$0x1E180] =	vst v63  }
0xbb: {  	_ =	swait.ge [sflag:s26], $0x4000  }
.Ltmp4:
0xbc: {  	[sflag:s26] =	ssyncset.done $0x0;
	(pc) =	sbr.rel @p1 .LBB2_7-.Ltmp4, $4  }
0xbd: {  	[sflag:s26] =	ssyncadd.s32 $0xFFFFC000  }
0xbe: {  	_ =	swait.ge [sflag:s31], $0x4000  }
0xbf: {  	[sflag:s31] =	ssyncset.done $0x0  }
0xc0: {  	[sflag:s31] =	ssyncadd.s32 $0xFFFFC000  }
0xc1: {  	s3 =	simm.s32 $0x2800  }
0xc2: {  	[spmem:s2] =	stream.indirect.scatter.add.f32 [tilespmem:s28], [sflag:$0x5], $0x80, s3, s23, $0xb8;
	[tilespmem:$0x1E180] =	vst v63  }
.Ltmp5:
0xc3: {  	_ =	swait.ge [sflag:s26], $0x4000;
	(pc) =	sbr.rel .LBB2_8-.Ltmp5, $3  }
0xc4: {  	[sflag:s26] =	ssyncset.done $0x0  }
0xc5: {  	[sflag:s26] =	ssyncadd.s32 $0xFFFFC000  }
0xc6: {  	[bflag:$0x0] =	sbarrier.arrive $0xFFFF;
	_ =	sdelay $0x1  }
.LBB2_7:
.Ltmp6:
0xc7: {  	(pc) =	sbr.rel @p0 .LBB2_9-.Ltmp6, $2  }
0xc8: {  	_ =	sdelay $0x1  }
0xc9: {  	[bflag:$0x0] =	sbarrier.arrive $0xFFFF;
	_ =	sdelay $0x1  }
.LBB2_8:
0xca: {  	s3 =	stileid.u32  }
0xcb: {  	s5 =	sshrl.u32 s6, $0x3;
	s3 =	sshll.u32 s3, $0x6  }
.Ltmp7:
0xcc: {  	s19 =	rddreg [dreg:$0x6];
	s3 =	sor.u32 $0x1C05, s3;
	(pc) =	sbr.rel .LBB2_10-.Ltmp7, $4  }
0xcd: {  	[hbm:s19], [sflag:s3] =	dma.local [spmem:s5], $0x2700  }
0xce: {  	_ =	swait.ge [sflag:s26], $0x2700  }
0xcf: {  	[sflag:s26] =	ssyncset.done $0x0  }
0xd0: {  	[sflag:s26] =	ssyncadd.s32 $0xFFFFD900  }
.LBB2_11:
0xd1: {  	_ =	sfence.sel $0x180000  }
0xd2: {  	[bflag:$0x0] =	sbarrier.arrive $0xFFFF  }
0xd3: {  	_ =	strace $0x9000004A  }
0xd4: {  	s0 =	stileid.u32;
	[bflag:$0x2] =	sbarrier.arrive $0xFFFF  }
0xd5: {  	p0 =	sne.s32 s0, $0x0;
	s0 =	rddreg [dreg:$0x3]  }
0xd6: {  	s0 =	sadd.s32 @!p0 $0x100000, s0  }
0xd7: {  	[sflag:s0] =	ssyncadd.tile.s32 @!p0 $0x1;
	_ =	shalt  }
.Lfunc_end2:
_tile_overlayer_lowered:
.L_overlay_start_2:
0xd8: {  	(tag) =	ssettag $0x2  }
0xd9: {  	s0 =	rddreg [dreg:$0x0];
	s2 =	stileid.u32  }
0xda: {  	s1 =	rddreg [dreg:$0x1];
	p0 =	sne.s32 s2, $0x0  }
0xdb: {  	s3 =	rddreg [dreg:$0x2];
	[bflag:$0x3] =	sbarrier.arrive $0xFFFF;
	s2 =	simm.s32 @!p0 $0x1C05  }
0xdc: {  	[timem:s3], [sflag:s2] =	dma.local @!p0 [hbm:s0], s1  }
0xdd: {  	s0 =	simm.s32 @!p0 $0x5  }
0xde: {  	_ =	swait.ge @!p0 [sflag:s0], s1  }
0xdf: {  	s1 =	ssub.s32 @!p0 $0x0, s1;
	[sflag:s0] =	ssyncset.done @!p0 $0x0  }
0xe0: {  	[sflag:s0] =	ssyncadd.s32 @!p0 s1  }
0xe1: {  	[bflag:$0x3] =	sbarrier.arrive $0xFFFF  }
0xe2: {  	_ =	shalt  }

</sc_bundles>
